<compile_context>
chip_gen: v7x
topology: tpu7x:2x2x1
jax: 0.10.2.dev20260603
libtpu: 0.0.44.dev20260713+nightly
codegen_flags: <defaults>
</compile_context>

<pallas_src>
import functools
import jax
import jax.numpy as jnp
from jax import lax
from jax.experimental import pallas as pl
from jax.experimental.pallas import tpu as pltpu
from jax.experimental.pallas import tpu_sc as plsc

N = 50000
E = 800000
G = 64
NP = 50176
EPAD = 819200
NW = 32
EP_T = EPAD // NW
CH4 = 6400
CH6 = 8192
VEC = 16
C1 = 104
C2 = 200

def _wid():
    return lax.axis_index("s") * 2 + lax.axis_index("c")


def _sc_mesh():
    return plsc.VectorSubcoreMesh(core_axis_name="c", subcore_axis_name="s")


def _k1_body(col_hbm, w_hbm, zeros_hbm, out_hbm, colb, wb, table):
    wid = _wid()
    base = wid * EP_T
    pltpu.sync_copy(zeros_hbm, table)

    def chunk(j, _):
        pltpu.sync_copy(col_hbm.at[pl.ds(base + j * CH4, CH4)], colb)
        pltpu.sync_copy(w_hbm.at[pl.ds(base + j * CH4, CH4)], wb)

        def body(i, _):
            c16 = colb[pl.ds(i * VEC, VEC)]
            w16 = wb[pl.ds(i * VEC, VEC)]
            plsc.addupdate_scatter(table, [c16], w16)
            return 0

        lax.fori_loop(0, CH4 // VEC, body, 0)
        return 0

    lax.fori_loop(0, EP_T // CH4, chunk, 0)
    pltpu.sync_copy(table, out_hbm.at[wid])


def _k2_body(part_ref, dinv_ref, self_ref):
    deg = jnp.sum(part_ref[...], axis=0, keepdims=True) + 1.0
    dinv_ref[...] = lax.rsqrt(deg)
    self_ref[...] = 1.0 / deg


def _k2_dinv(part):
    nb = NP // 512
    return pl.pallas_call(
        _k2_body,
        grid=(nb,),
        in_specs=[pl.BlockSpec((NW, 512), lambda i: (0, i))],
        out_specs=[pl.BlockSpec((1, 512), lambda i: (0, i)),
                   pl.BlockSpec((1, 512), lambda i: (0, i))],
        out_shape=[jax.ShapeDtypeStruct((1, NP), jnp.float32),
                   jax.ShapeDtypeStruct((1, NP), jnp.float32)],
    )(part)


def _k3_body(row_hbm, col_hbm, w_hbm, dinv_hbm, out_hbm,
             rowb, colb, wb, normb, dinvv):
    wid = _wid()
    base = wid * EP_T
    pltpu.sync_copy(dinv_hbm, dinvv)

    def chunk(j, _):
        off = base + j * CH4
        pltpu.sync_copy(row_hbm.at[pl.ds(off, CH4)], rowb)
        pltpu.sync_copy(col_hbm.at[pl.ds(off, CH4)], colb)
        pltpu.sync_copy(w_hbm.at[pl.ds(off, CH4)], wb)

        def body(i, _):
            r16 = rowb[pl.ds(i * VEC, VEC)]
            c16 = colb[pl.ds(i * VEC, VEC)]
            w16 = wb[pl.ds(i * VEC, VEC)]
            dr = plsc.load_gather(dinvv, [r16])
            dc = plsc.load_gather(dinvv, [c16])
            normb[pl.ds(i * VEC, VEC)] = dr * w16 * dc
            return 0

        lax.fori_loop(0, CH4 // VEC, body, 0)
        pltpu.sync_copy(normb, out_hbm.at[pl.ds(off, CH4)])
        return 0

    lax.fori_loop(0, EP_T // CH4, chunk, 0)


def _k4_body(row_hbm, col_hbm, norm_hbm, xt_hbm, zeros_hbm, out_hbm,
             rowb, colb, normb, schan, table):
    wid = _wid()
    base = wid * EP_T
    for ch in range(3):
        pltpu.sync_copy(xt_hbm.at[ch], schan)
        pltpu.sync_copy(zeros_hbm, table)

        def chunk(j, _):
            off = base + j * CH4
            pltpu.sync_copy(row_hbm.at[pl.ds(off, CH4)], rowb)
            pltpu.sync_copy(col_hbm.at[pl.ds(off, CH4)], colb)
            pltpu.sync_copy(norm_hbm.at[pl.ds(off, CH4)], normb)

            def body(i, _):
                r16 = rowb[pl.ds(i * VEC, VEC)]
                c16 = colb[pl.ds(i * VEC, VEC)]
                n16 = normb[pl.ds(i * VEC, VEC)]
                g = plsc.load_gather(schan, [r16])
                plsc.addupdate_scatter(table, [c16], g * n16)
                return 0

            lax.fori_loop(0, CH4 // VEC, body, 0)
            return 0

        lax.fori_loop(0, EP_T // CH4, chunk, 0)
        pltpu.sync_copy(table, out_hbm.at[ch, wid])


def _k5_body(part_ref, xt_ref, self_ref, w1t_ref, b1_ref, out_ref):
    p1 = jnp.sum(part_ref[...], axis=1) + xt_ref[...] * self_ref[...]
    h = jnp.dot(w1t_ref[...], p1, preferred_element_type=jnp.float32)
    h = h + b1_ref[...]
    out_ref[...] = h * jax.nn.sigmoid(h)


def _k5_h1(part1, xt, selfn, w1t, b1c):
    nb = NP // 512
    return pl.pallas_call(
        _k5_body,
        grid=(nb,),
        in_specs=[pl.BlockSpec((3, NW, 512), lambda i: (0, 0, i)),
                  pl.BlockSpec((3, 512), lambda i: (0, i)),
                  pl.BlockSpec((1, 512), lambda i: (0, i)),
                  pl.BlockSpec((C1, 3), lambda i: (0, 0)),
                  pl.BlockSpec((C1, 1), lambda i: (0, 0))],
        out_specs=pl.BlockSpec((C1, 512), lambda i: (0, i)),
        out_shape=jax.ShapeDtypeStruct((C1, NP), jnp.float32),
    )(part1, xt, selfn, w1t, b1c)


def _k6_body(row_hbm, col_hbm, norm_hbm, h1t_hbm, zeros_hbm, out_hbm,
             rowb, colb, normb, schan, table):
    wid = _wid()

    def run_channel(c):
        pltpu.sync_copy(h1t_hbm.at[c], schan)

        def chunk(j, _):
            off = j * CH6
            pltpu.sync_copy(row_hbm.at[pl.ds(off, CH6)], rowb)
            pltpu.sync_copy(col_hbm.at[pl.ds(off, CH6)], colb)
            pltpu.sync_copy(norm_hbm.at[pl.ds(off, CH6)], normb)

            @plsc.parallel_loop(0, CH6 // VEC, unroll=8)
            def _(i):
                r16 = rowb[pl.ds(i * VEC, VEC)]
                c16 = colb[pl.ds(i * VEC, VEC)]
                n16 = normb[pl.ds(i * VEC, VEC)]
                g = plsc.load_gather(schan, [r16])
                plsc.addupdate_scatter(table, [c16], g * n16)

            return 0

        lax.fori_loop(0, EPAD // CH6, chunk, 0)

    for k in range(3):
        c = k * NW + wid
        pltpu.sync_copy(zeros_hbm, table)
        run_channel(c)
        pltpu.sync_copy(table, out_hbm.at[c])

    c = 3 * NW + wid

    @pl.when(wid < 8)
    def _():
        pltpu.sync_copy(zeros_hbm, table)

    @pl.when(wid < 4)
    def _():
        run_channel(c)

    @pl.when(wid < 8)
    def _():
        pltpu.sync_copy(table, out_hbm.at[c])


def _k7_body(p2_ref, h1_ref, self_ref, batch_ref, w2t_ref, b2_ref,
             wl1t_ref, bl1_ref, wl2t_ref, bl2_ref, out_ref,
             pool_ref, cnt_ref):
    i = pl.program_id(0)

    @pl.when(i == 0)
    def _():
        pool_ref[...] = jnp.zeros_like(pool_ref)
        cnt_ref[...] = jnp.zeros_like(cnt_ref)

    p2 = p2_ref[...] + h1_ref[...] * self_ref[...]
    h = jnp.dot(w2t_ref[...], p2, preferred_element_type=jnp.float32)
    h = h + b2_ref[...]
    h2 = h * jax.nn.sigmoid(h)
    onehot = (batch_ref[...].reshape(512, 1) ==
              lax.broadcasted_iota(jnp.int32, (1, G), 1)).astype(jnp.float32)
    pool_ref[...] += jnp.dot(h2, onehot, preferred_element_type=jnp.float32)
    cnt_ref[...] += jnp.sum(onehot, axis=0, keepdims=True)

    @pl.when(i == pl.num_programs(0) - 1)
    def _():
        pooled = pool_ref[...] / jnp.maximum(cnt_ref[...], 1.0)
        t = jnp.dot(wl1t_ref[...], pooled, preferred_element_type=jnp.float32)
        t = t + bl1_ref[...]
        t = t * jax.nn.sigmoid(t)
        o = jnp.dot(wl2t_ref[...], t, preferred_element_type=jnp.float32)
        out_ref[...] = o + bl2_ref[...]


def _k7_head(p2t, h1t, selfn, batchp, w2t, b2c, wl1t, bl1c, wl2t, bl2c):
    nb = NP // 512
    return pl.pallas_call(
        _k7_body,
        grid=(nb,),
        in_specs=[pl.BlockSpec((C1, 512), lambda i: (0, i)),
                  pl.BlockSpec((C1, 512), lambda i: (0, i)),
                  pl.BlockSpec((1, 512), lambda i: (0, i)),
                  pl.BlockSpec((1, 512), lambda i: (0, i)),
                  pl.BlockSpec((C2, C1), lambda i: (0, 0)),
                  pl.BlockSpec((C2, 1), lambda i: (0, 0)),
                  pl.BlockSpec((100, C2), lambda i: (0, 0)),
                  pl.BlockSpec((100, 1), lambda i: (0, 0)),
                  pl.BlockSpec((1, 100), lambda i: (0, 0)),
                  pl.BlockSpec((1, 1), lambda i: (0, 0))],
        out_specs=pl.BlockSpec((1, G), lambda i: (0, 0)),
        out_shape=jax.ShapeDtypeStruct((1, G), jnp.float32),
        scratch_shapes=[pltpu.VMEM((C2, G), jnp.float32),
                        pltpu.VMEM((1, G), jnp.float32)],
    )(p2t, h1t, selfn, batchp, w2t, b2c, wl1t, bl1c, wl2t, bl2c)


@functools.cache
def _sc_kernels():
    mesh = _sc_mesh()
    cp = pltpu.CompilerParams(needs_layout_passes=False,
                              use_tc_tiling_on_sc=False)
    k1 = functools.partial(
        pl.kernel, mesh=mesh, compiler_params=cp,
        out_type=jax.ShapeDtypeStruct((NW, NP), jnp.float32),
        scratch_types=[
            pltpu.VMEM((CH4,), jnp.int32),
            pltpu.VMEM((CH4,), jnp.float32),
            pltpu.VMEM((NP,), jnp.float32),
        ],
    )(_k1_body)
    k3 = functools.partial(
        pl.kernel, mesh=mesh, compiler_params=cp,
        out_type=jax.ShapeDtypeStruct((EPAD,), jnp.float32),
        scratch_types=[
            pltpu.VMEM((CH4,), jnp.int32),
            pltpu.VMEM((CH4,), jnp.int32),
            pltpu.VMEM((CH4,), jnp.float32),
            pltpu.VMEM((CH4,), jnp.float32),
            pltpu.VMEM((NP,), jnp.float32),
        ],
    )(_k3_body)
    k4 = functools.partial(
        pl.kernel, mesh=mesh, compiler_params=cp,
        out_type=jax.ShapeDtypeStruct((3, NW, NP), jnp.float32),
        scratch_types=[
            pltpu.VMEM((CH4,), jnp.int32),
            pltpu.VMEM((CH4,), jnp.int32),
            pltpu.VMEM((CH4,), jnp.float32),
            pltpu.VMEM((NP,), jnp.float32),
            pltpu.VMEM((NP,), jnp.float32),
        ],
    )(_k4_body)
    k6 = functools.partial(
        pl.kernel, mesh=mesh, compiler_params=cp,
        out_type=jax.ShapeDtypeStruct((C1, NP), jnp.float32),
        scratch_types=[
            pltpu.VMEM((CH6,), jnp.int32),
            pltpu.VMEM((CH6,), jnp.int32),
            pltpu.VMEM((CH6,), jnp.float32),
            pltpu.VMEM((NP,), jnp.float32),
            pltpu.VMEM((NP,), jnp.float32),
        ],
    )(_k6_body)
    return k1, k3, k4, k6


def kernel(x, edge_index, edge_attr, batch, W1, b1, W2, b2, Wl1, bl1, Wl2, bl2):
    _k1_deg, _k3_norm, _k4_prop1, _k6_prop2 = _sc_kernels()
    f32 = jnp.float32
    pad_e = EPAD - E
    row = jnp.concatenate([edge_index[0], jnp.zeros((pad_e,), jnp.int32)])
    col = jnp.concatenate([edge_index[1], jnp.zeros((pad_e,), jnp.int32)])
    w = jnp.concatenate([edge_attr.astype(f32), jnp.zeros((pad_e,), f32)])

    xt = jnp.pad(x.astype(f32).T, ((0, 0), (0, NP - N)))
    batchp = jnp.pad(batch, (0, NP - N), constant_values=G).reshape(1, NP)
    zerosN = jnp.zeros((NP,), f32)

    w1t = jnp.pad(W1.T, ((0, C1 - 100), (0, 0)))
    b1c = jnp.pad(b1.reshape(100, 1), ((0, C1 - 100), (0, 0)))
    w2t = jnp.pad(W2.T, ((0, 0), (0, C1 - 100)))
    b2c = b2.reshape(C2, 1)
    wl1t = Wl1.T
    bl1c = bl1.reshape(100, 1)
    wl2t = Wl2.T
    bl2c = bl2.reshape(1, 1)

    part_deg = _k1_deg(col, w, zerosN)
    dinv2d, selfn = _k2_dinv(part_deg)
    norm = _k3_norm(row, col, w, dinv2d.reshape(NP))
    part1 = _k4_prop1(row, col, norm, xt, zerosN)
    h1t = _k5_h1(part1, xt, selfn, w1t, b1c)
    p2t = _k6_prop2(row, col, norm, h1t, zerosN)
    out = _k7_head(p2t, h1t, selfn, batchp, w2t, b2c,
                   wl1t, bl1c, wl2t, bl2c)
    return out[0]

# --- scband reference (transcript-rebuilt; emitter-appended) ---
"""Pipeline reference for scband-gnnmodel-63084479643949 (READ-ONLY COPY).

The authoritative reference and input builder live on the scoring server;
editing this copy changes nothing except your own understanding.
"""

import jax, jax.numpy as jnp
import numpy as np

N = 50000
E = 800000
G = 64


def setup_inputs(seed: int = 0) -> dict:
    key = jax.random.key(seed)
    ks = jax.random.split(key, 12)
    x = jax.random.normal(ks[0], (N, 3), dtype=jnp.float32)
    edge_index = jax.random.randint(ks[1], (2, E), 0, N, dtype=jnp.int32)
    edge_attr = jax.random.uniform(ks[2], (E,), dtype=jnp.float32)
    batch = jnp.sort(jax.random.randint(ks[3], (N,), 0, G, dtype=jnp.int32))
    W1 = jax.random.normal(ks[4], (3, 100), dtype=jnp.float32) * (1.0 / np.sqrt(3))
    b1 = jnp.zeros((100,), dtype=jnp.float32)
    W2 = jax.random.normal(ks[5], (100, 200), dtype=jnp.float32) * (1.0 / np.sqrt(100))
    b2 = jnp.zeros((200,), dtype=jnp.float32)
    Wl1 = jax.random.normal(ks[6], (200, 100), dtype=jnp.float32) * (1.0 / np.sqrt(200))
    bl1 = jnp.zeros((100,), dtype=jnp.float32)
    Wl2 = jax.random.normal(ks[7], (100, 1), dtype=jnp.float32) * (1.0 / np.sqrt(100))
    bl2 = jnp.zeros((1,), dtype=jnp.float32)
    return {"x": x, "edge_index": edge_index, "edge_attr": edge_attr, "batch": batch,
            "W1": W1, "b1": b1, "W2": W2, "b2": b2,
            "Wl1": Wl1, "bl1": bl1, "Wl2": Wl2, "bl2": bl2}


def _gcn_conv(x, edge_index, edge_weight, W, b):
    # Faithful PyG GCNConv: linear -> add self loops -> sym norm with edge weights -> scatter-add -> bias
    n = x.shape[0]
    h = x @ W
    row = edge_index[0]
    col = edge_index[1]
    loop = jnp.arange(n, dtype=row.dtype)
    row = jnp.concatenate([row, loop])
    col = jnp.concatenate([col, loop])
    w = jnp.concatenate([edge_weight.astype(h.dtype), jnp.ones((n,), dtype=h.dtype)])
    deg = jax.ops.segment_sum(w, col, num_segments=n)
    dinv = jnp.where(deg > 0, jax.lax.rsqrt(deg), 0.0)
    norm = dinv[row] * w * dinv[col]
    msg = h[row] * norm[:, None]
    out = jax.ops.segment_sum(msg, col, num_segments=n)
    return out + b


def reference(x, edge_index, edge_attr, batch, W1, b1, W2, b2, Wl1, bl1, Wl2, bl2):
    h = _gcn_conv(x.astype(jnp.float32), edge_index, edge_attr, W1, b1)
    h = jax.nn.silu(h)
    h = _gcn_conv(h, edge_index, edge_attr, W2, b2)
    h = jax.nn.silu(h)
    # global_mean_pool over batch ids
    ones = jnp.ones((h.shape[0],), dtype=h.dtype)
    cnt = jax.ops.segment_sum(ones, batch, num_segments=G)
    s = jax.ops.segment_sum(h, batch, num_segments=G)
    pooled = s / jnp.clip(cnt, 1.0)[:, None]
    h = jax.nn.silu(pooled @ Wl1 + bl1)
    out = h @ Wl2 + bl2
    return out.squeeze(-1)

if __name__ == "__main__":
    import jax
    _d = setup_inputs()
    print(jax.jit(kernel)(*tuple(_d.values())))

</pallas_src>

<mosaic_0001>
#map = affine_map<(d0, d1) -> (0)>
#map1 = affine_map<(d0, d1) -> (0, 0)>
module attributes {stable_mosaic.version = 14 : i64} {
  func.func @_k1_body(%arg0: i32, %arg1: i32, %arg2: memref<819200xi32, #tpu.memory_space<hbm>>, %arg3: memref<819200xf32, #tpu.memory_space<hbm>>, %arg4: memref<50176xf32, #tpu.memory_space<hbm>>, %arg5: memref<32x50176xf32, #tpu.memory_space<hbm>>, %arg6: memref<6400xi32, #tpu.memory_space<vmem>>, %arg7: memref<6400xf32, #tpu.memory_space<vmem>>, %arg8: memref<50176xf32, #tpu.memory_space<vmem>>) attributes {dimension_semantics = [#tpu.dimension_semantics<core_parallel>, #tpu.dimension_semantics<subcore_parallel>], iteration_bounds = array<i64: 2, 16>, scalar_prefetch = 0 : i64, scratch_operands = 3 : i64, tpu.core_type = #tpu.core_type<sc_vector_subcore>, window_params = [{transform_indices = #map}, {transform_indices = #map}, {transform_indices = #map}, {transform_indices = #map1}]} {
    %mul3A = arith.constant 2 : i32
    %mul3A_0 = arith.muli %arg1, %mul3A : i32
    %add3A = arith.addi %mul3A_0, %arg0 : i32
    %mul3A_1 = arith.constant 25600 : i32
    %mul3A_2 = arith.muli %add3A, %mul3A_1 : i32
    "tpu.region"() ({
      %run_scoped3A = tpu.sem_alloc : memref<!tpu.dma_semaphore, #tpu.memory_space<semaphore_mem>>
      tpu.enqueue_dma source(%arg4 : memref<50176xf32, #tpu.memory_space<hbm>>) target(%arg8 : memref<50176xf32, #tpu.memory_space<vmem>>) target_semaphore(%run_scoped3A : memref<!tpu.dma_semaphore, #tpu.memory_space<semaphore_mem>>)
      tpu.wait_dma2 semaphore(%run_scoped3A : memref<!tpu.dma_semaphore, #tpu.memory_space<semaphore_mem>>) src(%arg4 : memref<50176xf32, #tpu.memory_space<hbm>>) dst(%arg8 : memref<50176xf32, #tpu.memory_space<vmem>>)
      tpu.yield
    }) : () -> ()
    %scan3A = arith.constant 0 : i32
    %scan3A_3 = arith.constant 0 : i32
    %scan3A_4 = arith.constant 4 : i32
    %scan3A_5 = arith.addi %scan3A_3, %scan3A_4 : i32
    %scan3A_6 = arith.constant 1 : i32
    %scan3A_7 = scf.for %scan3A_9 = %scan3A_3 to %scan3A_5 step %scan3A_6 iter_args(%scan3A_10 = %scan3A) -> (i32)  : i32 {
      %mul3A_11 = arith.constant 6400 : i32
      %mul3A_12 = arith.muli %scan3A_9, %mul3A_11 : i32
      %add3A_13 = arith.addi %mul3A_2, %mul3A_12 : i32
      "tpu.region"() ({
        %run_scoped3A = tpu.sem_alloc : memref<!tpu.dma_semaphore, #tpu.memory_space<semaphore_mem>>
        %dma_start3A = tpu.memref_slice %arg2[%add3A_13] : memref<819200xi32, #tpu.memory_space<hbm>> -> memref<6400xi32, #tpu.memory_space<hbm>>
        %dma_start3A_25 = tpu.memref_slice %arg2[%add3A_13] : memref<819200xi32, #tpu.memory_space<hbm>> -> memref<6400xi32, #tpu.memory_space<hbm>>
        tpu.enqueue_dma source(%dma_start3A_25 : memref<6400xi32, #tpu.memory_space<hbm>>) target(%arg6 : memref<6400xi32, #tpu.memory_space<vmem>>) target_semaphore(%run_scoped3A : memref<!tpu.dma_semaphore, #tpu.memory_space<semaphore_mem>>)
        %dma_wait3A = tpu.memref_slice %arg2[%add3A_13] : memref<819200xi32, #tpu.memory_space<hbm>> -> memref<6400xi32, #tpu.memory_space<hbm>>
        %dma_wait3A_26 = tpu.memref_slice %arg2[%add3A_13] : memref<819200xi32, #tpu.memory_space<hbm>> -> memref<6400xi32, #tpu.memory_space<hbm>>
        tpu.wait_dma2 semaphore(%run_scoped3A : memref<!tpu.dma_semaphore, #tpu.memory_space<semaphore_mem>>) src(%dma_wait3A_26 : memref<6400xi32, #tpu.memory_space<hbm>>) dst(%arg6 : memref<6400xi32, #tpu.memory_space<vmem>>)
        tpu.yield
      }) : () -> ()
      %mul3A_14 = arith.constant 6400 : i32
      %mul3A_15 = arith.muli %scan3A_9, %mul3A_14 : i32
      %add3A_16 = arith.addi %mul3A_2, %mul3A_15 : i32
      "tpu.region"() ({
        %run_scoped3A = tpu.sem_alloc : memref<!tpu.dma_semaphore, #tpu.memory_space<semaphore_mem>>
        %dma_start3A = tpu.memref_slice %arg3[%add3A_16] : memref<819200xf32, #tpu.memory_space<hbm>> -> memref<6400xf32, #tpu.memory_space<hbm>>
        %dma_start3A_25 = tpu.memref_slice %arg3[%add3A_16] : memref<819200xf32, #tpu.memory_space<hbm>> -> memref<6400xf32, #tpu.memory_space<hbm>>
        tpu.enqueue_dma source(%dma_start3A_25 : memref<6400xf32, #tpu.memory_space<hbm>>) target(%arg7 : memref<6400xf32, #tpu.memory_space<vmem>>) target_semaphore(%run_scoped3A : memref<!tpu.dma_semaphore, #tpu.memory_space<semaphore_mem>>)
        %dma_wait3A = tpu.memref_slice %arg3[%add3A_16] : memref<819200xf32, #tpu.memory_space<hbm>> -> memref<6400xf32, #tpu.memory_space<hbm>>
        %dma_wait3A_26 = tpu.memref_slice %arg3[%add3A_16] : memref<819200xf32, #tpu.memory_space<hbm>> -> memref<6400xf32, #tpu.memory_space<hbm>>
        tpu.wait_dma2 semaphore(%run_scoped3A : memref<!tpu.dma_semaphore, #tpu.memory_space<semaphore_mem>>) src(%dma_wait3A_26 : memref<6400xf32, #tpu.memory_space<hbm>>) dst(%arg7 : memref<6400xf32, #tpu.memory_space<vmem>>)
        tpu.yield
      }) : () -> ()
      %scan3A_17 = arith.constant 0 : i32
      %scan3A_18 = arith.constant 0 : i32
      %scan3A_19 = arith.constant 400 : i32
      %scan3A_20 = arith.addi %scan3A_18, %scan3A_19 : i32
      %scan3A_21 = arith.constant 1 : i32
      %scan3A_22 = scf.for %scan3A_25 = %scan3A_18 to %scan3A_20 step %scan3A_21 iter_args(%scan3A_26 = %scan3A_17) -> (i32)  : i32 {
        %mul3A_27 = arith.constant 16 : i32
        %mul3A_28 = arith.muli %scan3A_25, %mul3A_27 : i32
        %get3A = arith.index_cast %mul3A_28 : i32 to index
        %get3A_29 = tpu.vector_load %arg6[%get3A] {strides = array<i32>} : memref<6400xi32, #tpu.memory_space<vmem>>, vector<16xi32>,
        %mul3A_30 = arith.constant 16 : i32
        %mul3A_31 = arith.muli %scan3A_25, %mul3A_30 : i32
        %get3A_32 = arith.index_cast %mul3A_31 : i32 to index
        %get3A_33 = tpu.vector_load %arg7[%get3A_32] {strides = array<i32>} : memref<6400xf32, #tpu.memory_space<vmem>>, vector<16xf32>,
        tpu.vector_store_idx %arg8[%get3A_29], %get3A_33 {add = true} : memref<50176xf32, #tpu.memory_space<vmem>>[vector<16xi32>], vector<16xf32>,
        %scan3A_34 = arith.constant 0 : i32
        scf.yield %scan3A_34 : i32
      }
      %scan3A_23 = arith.constant 400 : i32
      %scan3A_24 = arith.constant 0 : i32
      scf.yield %scan3A_24 : i32
    }
    %scan3A_8 = arith.constant 4 : i32
    "tpu.region"() ({
      %run_scoped3A = tpu.sem_alloc : memref<!tpu.dma_semaphore, #tpu.memory_space<semaphore_mem>>
      %dma_start3A = arith.constant 0 : i32
      %dma_start3A_9 = tpu.memref_slice %arg5[%add3A, %dma_start3A] : memref<32x50176xf32, #tpu.memory_space<hbm>> -> memref<1x50176xf32, #tpu.memory_space<hbm>>
      %dma_start3A_10 = tpu.memref_squeeze %dma_start3A_9 : memref<1x50176xf32, #tpu.memory_space<hbm>> -> memref<50176xf32, #tpu.memory_space<hbm>>
      %dma_start3A_11 = arith.constant 0 : i32
      %dma_start3A_12 = tpu.memref_slice %arg5[%add3A, %dma_start3A_11] : memref<32x50176xf32, #tpu.memory_space<hbm>> -> memref<1x50176xf32, #tpu.memory_space<hbm>>
      %dma_start3A_13 = tpu.memref_squeeze %dma_start3A_12 : memref<1x50176xf32, #tpu.memory_space<hbm>> -> memref<50176xf32, #tpu.memory_space<hbm>>
      tpu.enqueue_dma source(%arg8 : memref<50176xf32, #tpu.memory_space<vmem>>) target(%dma_start3A_13 : memref<50176xf32, #tpu.memory_space<hbm>>) target_semaphore(%run_scoped3A : memref<!tpu.dma_semaphore, #tpu.memory_space<semaphore_mem>>)
      %dma_wait3A = arith.constant 0 : i32
      %dma_wait3A_14 = tpu.memref_slice %arg5[%add3A, %dma_wait3A] : memref<32x50176xf32, #tpu.memory_space<hbm>> -> memref<1x50176xf32, #tpu.memory_space<hbm>>
      %dma_wait3A_15 = tpu.memref_squeeze %dma_wait3A_14 : memref<1x50176xf32, #tpu.memory_space<hbm>> -> memref<50176xf32, #tpu.memory_space<hbm>>
      %dma_wait3A_16 = arith.constant 0 : i32
      %dma_wait3A_17 = tpu.memref_slice %arg5[%add3A, %dma_wait3A_16] : memref<32x50176xf32, #tpu.memory_space<hbm>> -> memref<1x50176xf32, #tpu.memory_space<hbm>>
      %dma_wait3A_18 = tpu.memref_squeeze %dma_wait3A_17 : memref<1x50176xf32, #tpu.memory_space<hbm>> -> memref<50176xf32, #tpu.memory_space<hbm>>
      tpu.wait_dma2 semaphore(%run_scoped3A : memref<!tpu.dma_semaphore, #tpu.memory_space<semaphore_mem>>) src(%arg8 : memref<50176xf32, #tpu.memory_space<vmem>>) dst(%dma_wait3A_18 : memref<50176xf32, #tpu.memory_space<hbm>>)
      tpu.yield
    }) : () -> ()
    return
  }
}

#map = affine_map<(d0, d1) -> (0)>
module attributes {stable_mosaic.version = 14 : i64} {
  func.func @_k3_body(%arg0: i32, %arg1: i32, %arg2: memref<819200xi32, #tpu.memory_space<hbm>>, %arg3: memref<819200xi32, #tpu.memory_space<hbm>>, %arg4: memref<819200xf32, #tpu.memory_space<hbm>>, %arg5: memref<50176xf32, #tpu.memory_space<hbm>>, %arg6: memref<819200xf32, #tpu.memory_space<hbm>>, %arg7: memref<6400xi32, #tpu.memory_space<vmem>>, %arg8: memref<6400xi32, #tpu.memory_space<vmem>>, %arg9: memref<6400xf32, #tpu.memory_space<vmem>>, %arg10: memref<6400xf32, #tpu.memory_space<vmem>>, %arg11: memref<50176xf32, #tpu.memory_space<vmem>>) attributes {dimension_semantics = [#tpu.dimension_semantics<core_parallel>, #tpu.dimension_semantics<subcore_parallel>], iteration_bounds = array<i64: 2, 16>, scalar_prefetch = 0 : i64, scratch_operands = 5 : i64, tpu.core_type = #tpu.core_type<sc_vector_subcore>, window_params = [{transform_indices = #map}, {transform_indices = #map}, {transform_indices = #map}, {transform_indices = #map}, {transform_indices = #map}]} {
    %mul3A = arith.constant 2 : i32
    %mul3A_0 = arith.muli %arg1, %mul3A : i32
    %add3A = arith.addi %mul3A_0, %arg0 : i32
    %mul3A_1 = arith.constant 25600 : i32
    %mul3A_2 = arith.muli %add3A, %mul3A_1 : i32
    "tpu.region"() ({
      %run_scoped3A = tpu.sem_alloc : memref<!tpu.dma_semaphore, #tpu.memory_space<semaphore_mem>>
      tpu.enqueue_dma source(%arg5 : memref<50176xf32, #tpu.memory_space<hbm>>) target(%arg11 : memref<50176xf32, #tpu.memory_space<vmem>>) target_semaphore(%run_scoped3A : memref<!tpu.dma_semaphore, #tpu.memory_space<semaphore_mem>>)
      tpu.wait_dma2 semaphore(%run_scoped3A : memref<!tpu.dma_semaphore, #tpu.memory_space<semaphore_mem>>) src(%arg5 : memref<50176xf32, #tpu.memory_space<hbm>>) dst(%arg11 : memref<50176xf32, #tpu.memory_space<vmem>>)
      tpu.yield
    }) : () -> ()
    %scan3A = arith.constant 0 : i32
    %scan3A_3 = arith.constant 0 : i32
    %scan3A_4 = arith.constant 4 : i32
    %scan3A_5 = arith.addi %scan3A_3, %scan3A_4 : i32
    %scan3A_6 = arith.constant 1 : i32
    %scan3A_7 = scf.for %scan3A_9 = %scan3A_3 to %scan3A_5 step %scan3A_6 iter_args(%scan3A_10 = %scan3A) -> (i32)  : i32 {
      %mul3A_11 = arith.constant 6400 : i32
      %mul3A_12 = arith.muli %scan3A_9, %mul3A_11 : i32
      %add3A_13 = arith.addi %mul3A_2, %mul3A_12 : i32
      "tpu.region"() ({
        %run_scoped3A = tpu.sem_alloc : memref<!tpu.dma_semaphore, #tpu.memory_space<semaphore_mem>>
        %dma_start3A = tpu.memref_slice %arg2[%add3A_13] : memref<819200xi32, #tpu.memory_space<hbm>> -> memref<6400xi32, #tpu.memory_space<hbm>>
        %dma_start3A_22 = tpu.memref_slice %arg2[%add3A_13] : memref<819200xi32, #tpu.memory_space<hbm>> -> memref<6400xi32, #tpu.memory_space<hbm>>
        tpu.enqueue_dma source(%dma_start3A_22 : memref<6400xi32, #tpu.memory_space<hbm>>) target(%arg7 : memref<6400xi32, #tpu.memory_space<vmem>>) target_semaphore(%run_scoped3A : memref<!tpu.dma_semaphore, #tpu.memory_space<semaphore_mem>>)
        %dma_wait3A = tpu.memref_slice %arg2[%add3A_13] : memref<819200xi32, #tpu.memory_space<hbm>> -> memref<6400xi32, #tpu.memory_space<hbm>>
        %dma_wait3A_23 = tpu.memref_slice %arg2[%add3A_13] : memref<819200xi32, #tpu.memory_space<hbm>> -> memref<6400xi32, #tpu.memory_space<hbm>>
        tpu.wait_dma2 semaphore(%run_scoped3A : memref<!tpu.dma_semaphore, #tpu.memory_space<semaphore_mem>>) src(%dma_wait3A_23 : memref<6400xi32, #tpu.memory_space<hbm>>) dst(%arg7 : memref<6400xi32, #tpu.memory_space<vmem>>)
        tpu.yield
      }) : () -> ()
      "tpu.region"() ({
        %run_scoped3A = tpu.sem_alloc : memref<!tpu.dma_semaphore, #tpu.memory_space<semaphore_mem>>
        %dma_start3A = tpu.memref_slice %arg3[%add3A_13] : memref<819200xi32, #tpu.memory_space<hbm>> -> memref<6400xi32, #tpu.memory_space<hbm>>
        %dma_start3A_22 = tpu.memref_slice %arg3[%add3A_13] : memref<819200xi32, #tpu.memory_space<hbm>> -> memref<6400xi32, #tpu.memory_space<hbm>>
        tpu.enqueue_dma source(%dma_start3A_22 : memref<6400xi32, #tpu.memory_space<hbm>>) target(%arg8 : memref<6400xi32, #tpu.memory_space<vmem>>) target_semaphore(%run_scoped3A : memref<!tpu.dma_semaphore, #tpu.memory_space<semaphore_mem>>)
        %dma_wait3A = tpu.memref_slice %arg3[%add3A_13] : memref<819200xi32, #tpu.memory_space<hbm>> -> memref<6400xi32, #tpu.memory_space<hbm>>
        %dma_wait3A_23 = tpu.memref_slice %arg3[%add3A_13] : memref<819200xi32, #tpu.memory_space<hbm>> -> memref<6400xi32, #tpu.memory_space<hbm>>
        tpu.wait_dma2 semaphore(%run_scoped3A : memref<!tpu.dma_semaphore, #tpu.memory_space<semaphore_mem>>) src(%dma_wait3A_23 : memref<6400xi32, #tpu.memory_space<hbm>>) dst(%arg8 : memref<6400xi32, #tpu.memory_space<vmem>>)
        tpu.yield
      }) : () -> ()
      "tpu.region"() ({
        %run_scoped3A = tpu.sem_alloc : memref<!tpu.dma_semaphore, #tpu.memory_space<semaphore_mem>>
        %dma_start3A = tpu.memref_slice %arg4[%add3A_13] : memref<819200xf32, #tpu.memory_space<hbm>> -> memref<6400xf32, #tpu.memory_space<hbm>>
        %dma_start3A_22 = tpu.memref_slice %arg4[%add3A_13] : memref<819200xf32, #tpu.memory_space<hbm>> -> memref<6400xf32, #tpu.memory_space<hbm>>
        tpu.enqueue_dma source(%dma_start3A_22 : memref<6400xf32, #tpu.memory_space<hbm>>) target(%arg9 : memref<6400xf32, #tpu.memory_space<vmem>>) target_semaphore(%run_scoped3A : memref<!tpu.dma_semaphore, #tpu.memory_space<semaphore_mem>>)
        %dma_wait3A = tpu.memref_slice %arg4[%add3A_13] : memref<819200xf32, #tpu.memory_space<hbm>> -> memref<6400xf32, #tpu.memory_space<hbm>>
        %dma_wait3A_23 = tpu.memref_slice %arg4[%add3A_13] : memref<819200xf32, #tpu.memory_space<hbm>> -> memref<6400xf32, #tpu.memory_space<hbm>>
        tpu.wait_dma2 semaphore(%run_scoped3A : memref<!tpu.dma_semaphore, #tpu.memory_space<semaphore_mem>>) src(%dma_wait3A_23 : memref<6400xf32, #tpu.memory_space<hbm>>) dst(%arg9 : memref<6400xf32, #tpu.memory_space<vmem>>)
        tpu.yield
      }) : () -> ()
      %scan3A_14 = arith.constant 0 : i32
      %scan3A_15 = arith.constant 0 : i32
      %scan3A_16 = arith.constant 400 : i32
      %scan3A_17 = arith.addi %scan3A_15, %scan3A_16 : i32
      %scan3A_18 = arith.constant 1 : i32
      %scan3A_19 = scf.for %scan3A_22 = %scan3A_15 to %scan3A_17 step %scan3A_18 iter_args(%scan3A_23 = %scan3A_14) -> (i32)  : i32 {
        %mul3A_24 = arith.constant 16 : i32
        %mul3A_25 = arith.muli %scan3A_22, %mul3A_24 : i32
        %get3A = arith.index_cast %mul3A_25 : i32 to index
        %get3A_26 = tpu.vector_load %arg7[%get3A] {strides = array<i32>} : memref<6400xi32, #tpu.memory_space<vmem>>, vector<16xi32>,
        %mul3A_27 = arith.constant 16 : i32
        %mul3A_28 = arith.muli %scan3A_22, %mul3A_27 : i32
        %get3A_29 = arith.index_cast %mul3A_28 : i32 to index
        %get3A_30 = tpu.vector_load %arg8[%get3A_29] {strides = array<i32>} : memref<6400xi32, #tpu.memory_space<vmem>>, vector<16xi32>,
        %mul3A_31 = arith.constant 16 : i32
        %mul3A_32 = arith.muli %scan3A_22, %mul3A_31 : i32
        %get3A_33 = arith.index_cast %mul3A_32 : i32 to index
        %get3A_34 = tpu.vector_load %arg9[%get3A_33] {strides = array<i32>} : memref<6400xf32, #tpu.memory_space<vmem>>, vector<16xf32>,
        %gather3A = tpu.vector_load_idx %arg11[%get3A_26] : memref<50176xf32, #tpu.memory_space<vmem>>[vector<16xi32>], vector<16xf32>,
        %gather3A_35 = tpu.vector_load_idx %arg11[%get3A_30] : memref<50176xf32, #tpu.memory_space<vmem>>[vector<16xi32>], vector<16xf32>,
        %mul3A_36 = arith.mulf %gather3A, %get3A_34 : vector<16xf32>
        %mul3A_37 = arith.mulf %mul3A_36, %gather3A_35 : vector<16xf32>
        %mul3A_38 = arith.constant 16 : i32
        %mul3A_39 = arith.muli %scan3A_22, %mul3A_38 : i32
        %swap3A = arith.index_cast %mul3A_39 : i32 to index
        %swap3A_40 = tpu.vector_load %arg10[%swap3A] {strides = array<i32>} : memref<6400xf32, #tpu.memory_space<vmem>>, vector<16xf32>,
        tpu.vector_store %arg10[%swap3A], %mul3A_37 {strides = array<i32>} : memref<6400xf32, #tpu.memory_space<vmem>>, vector<16xf32>,
        %scan3A_41 = arith.constant 0 : i32
        scf.yield %scan3A_41 : i32
      }
      %scan3A_20 = arith.constant 400 : i32
      "tpu.region"() ({
        %run_scoped3A = tpu.sem_alloc : memref<!tpu.dma_semaphore, #tpu.memory_space<semaphore_mem>>
        %dma_start3A = tpu.memref_slice %arg6[%add3A_13] : memref<819200xf32, #tpu.memory_space<hbm>> -> memref<6400xf32, #tpu.memory_space<hbm>>
        %dma_start3A_22 = tpu.memref_slice %arg6[%add3A_13] : memref<819200xf32, #tpu.memory_space<hbm>> -> memref<6400xf32, #tpu.memory_space<hbm>>
        tpu.enqueue_dma source(%arg10 : memref<6400xf32, #tpu.memory_space<vmem>>) target(%dma_start3A_22 : memref<6400xf32, #tpu.memory_space<hbm>>) target_semaphore(%run_scoped3A : memref<!tpu.dma_semaphore, #tpu.memory_space<semaphore_mem>>)
        %dma_wait3A = tpu.memref_slice %arg6[%add3A_13] : memref<819200xf32, #tpu.memory_space<hbm>> -> memref<6400xf32, #tpu.memory_space<hbm>>
        %dma_wait3A_23 = tpu.memref_slice %arg6[%add3A_13] : memref<819200xf32, #tpu.memory_space<hbm>> -> memref<6400xf32, #tpu.memory_space<hbm>>
        tpu.wait_dma2 semaphore(%run_scoped3A : memref<!tpu.dma_semaphore, #tpu.memory_space<semaphore_mem>>) src(%arg10 : memref<6400xf32, #tpu.memory_space<vmem>>) dst(%dma_wait3A_23 : memref<6400xf32, #tpu.memory_space<hbm>>)
        tpu.yield
      }) : () -> ()
      %scan3A_21 = arith.constant 0 : i32
      scf.yield %scan3A_21 : i32
    }
    %scan3A_8 = arith.constant 4 : i32
    return
  }
}

#map = affine_map<(d0, d1) -> (0)>
#map1 = affine_map<(d0, d1) -> (0, 0)>
module attributes {stable_mosaic.version = 14 : i64} {
  func.func @_k6_body(%arg0: i32, %arg1: i32, %arg2: memref<819200xi32, #tpu.memory_space<hbm>>, %arg3: memref<819200xi32, #tpu.memory_space<hbm>>, %arg4: memref<819200xf32, #tpu.memory_space<hbm>>, %arg5: memref<104x50176xf32, #tpu.memory_space<hbm>>, %arg6: memref<50176xf32, #tpu.memory_space<hbm>>, %arg7: memref<104x50176xf32, #tpu.memory_space<hbm>>, %arg8: memref<8192xi32, #tpu.memory_space<vmem>>, %arg9: memref<8192xi32, #tpu.memory_space<vmem>>, %arg10: memref<8192xf32, #tpu.memory_space<vmem>>, %arg11: memref<50176xf32, #tpu.memory_space<vmem>>, %arg12: memref<50176xf32, #tpu.memory_space<vmem>>) attributes {dimension_semantics = [#tpu.dimension_semantics<core_parallel>, #tpu.dimension_semantics<subcore_parallel>], iteration_bounds = array<i64: 2, 16>, scalar_prefetch = 0 : i64, scratch_operands = 5 : i64, tpu.core_type = #tpu.core_type<sc_vector_subcore>, window_params = [{transform_indices = #map}, {transform_indices = #map}, {transform_indices = #map}, {transform_indices = #map1}, {transform_indices = #map}, {transform_indices = #map1}]} {
    %mul3A = arith.constant 2 : i32
    %mul3A_0 = arith.muli %arg1, %mul3A : i32
    %add3A = arith.addi %mul3A_0, %arg0 : i32
    %add3A_1 = arith.constant 0 : i32
    %add3A_2 = arith.addi %add3A_1, %add3A : i32
    "tpu.region"() ({
      %run_scoped3A = tpu.sem_alloc : memref<!tpu.dma_semaphore, #tpu.memory_space<semaphore_mem>>
      tpu.enqueue_dma source(%arg6 : memref<50176xf32, #tpu.memory_space<hbm>>) target(%arg12 : memref<50176xf32, #tpu.memory_space<vmem>>) target_semaphore(%run_scoped3A : memref<!tpu.dma_semaphore, #tpu.memory_space<semaphore_mem>>)
      tpu.wait_dma2 semaphore(%run_scoped3A : memref<!tpu.dma_semaphore, #tpu.memory_space<semaphore_mem>>) src(%arg6 : memref<50176xf32, #tpu.memory_space<hbm>>) dst(%arg12 : memref<50176xf32, #tpu.memory_space<vmem>>)
      tpu.yield
    }) : () -> ()
    "tpu.region"() ({
      %run_scoped3A = tpu.sem_alloc : memref<!tpu.dma_semaphore, #tpu.memory_space<semaphore_mem>>
      %dma_start3A = arith.constant 0 : i32
      %dma_start3A_41 = tpu.memref_slice %arg5[%add3A_2, %dma_start3A] : memref<104x50176xf32, #tpu.memory_space<hbm>> -> memref<1x50176xf32, #tpu.memory_space<hbm>>
      %dma_start3A_42 = tpu.memref_squeeze %dma_start3A_41 : memref<1x50176xf32, #tpu.memory_space<hbm>> -> memref<50176xf32, #tpu.memory_space<hbm>>
      %dma_start3A_43 = arith.constant 0 : i32
      %dma_start3A_44 = tpu.memref_slice %arg5[%add3A_2, %dma_start3A_43] : memref<104x50176xf32, #tpu.memory_space<hbm>> -> memref<1x50176xf32, #tpu.memory_space<hbm>>
      %dma_start3A_45 = tpu.memref_squeeze %dma_start3A_44 : memref<1x50176xf32, #tpu.memory_space<hbm>> -> memref<50176xf32, #tpu.memory_space<hbm>>
      tpu.enqueue_dma source(%dma_start3A_45 : memref<50176xf32, #tpu.memory_space<hbm>>) target(%arg11 : memref<50176xf32, #tpu.memory_space<vmem>>) target_semaphore(%run_scoped3A : memref<!tpu.dma_semaphore, #tpu.memory_space<semaphore_mem>>)
      %dma_wait3A = arith.constant 0 : i32
      %dma_wait3A_46 = tpu.memref_slice %arg5[%add3A_2, %dma_wait3A] : memref<104x50176xf32, #tpu.memory_space<hbm>> -> memref<1x50176xf32, #tpu.memory_space<hbm>>
      %dma_wait3A_47 = tpu.memref_squeeze %dma_wait3A_46 : memref<1x50176xf32, #tpu.memory_space<hbm>> -> memref<50176xf32, #tpu.memory_space<hbm>>
      %dma_wait3A_48 = arith.constant 0 : i32
      %dma_wait3A_49 = tpu.memref_slice %arg5[%add3A_2, %dma_wait3A_48] : memref<104x50176xf32, #tpu.memory_space<hbm>> -> memref<1x50176xf32, #tpu.memory_space<hbm>>
      %dma_wait3A_50 = tpu.memref_squeeze %dma_wait3A_49 : memref<1x50176xf32, #tpu.memory_space<hbm>> -> memref<50176xf32, #tpu.memory_space<hbm>>
      tpu.wait_dma2 semaphore(%run_scoped3A : memref<!tpu.dma_semaphore, #tpu.memory_space<semaphore_mem>>) src(%dma_wait3A_50 : memref<50176xf32, #tpu.memory_space<hbm>>) dst(%arg11 : memref<50176xf32, #tpu.memory_space<vmem>>)
      tpu.yield
    }) : () -> ()
    %scan3A = arith.constant 0 : i32
    %scan3A_3 = arith.constant 0 : i32
    %scan3A_4 = arith.constant 100 : i32
    %scan3A_5 = arith.addi %scan3A_3, %scan3A_4 : i32
    %scan3A_6 = arith.constant 1 : i32
    %scan3A_7 = scf.for %scan3A_41 = %scan3A_3 to %scan3A_5 step %scan3A_6 iter_args(%scan3A_42 = %scan3A) -> (i32)  : i32 {
      %mul3A_43 = arith.constant 8192 : i32
      %mul3A_44 = arith.muli %scan3A_41, %mul3A_43 : i32
      "tpu.region"() ({
        %run_scoped3A = tpu.sem_alloc : memref<!tpu.dma_semaphore, #tpu.memory_space<semaphore_mem>>
        %dma_start3A = tpu.memref_slice %arg2[%mul3A_44] : memref<819200xi32, #tpu.memory_space<hbm>> -> memref<8192xi32, #tpu.memory_space<hbm>>
        %dma_start3A_48 = tpu.memref_slice %arg2[%mul3A_44] : memref<819200xi32, #tpu.memory_space<hbm>> -> memref<8192xi32, #tpu.memory_space<hbm>>
        tpu.enqueue_dma source(%dma_start3A_48 : memref<8192xi32, #tpu.memory_space<hbm>>) target(%arg8 : memref<8192xi32, #tpu.memory_space<vmem>>) target_semaphore(%run_scoped3A : memref<!tpu.dma_semaphore, #tpu.memory_space<semaphore_mem>>)
        %dma_wait3A = tpu.memref_slice %arg2[%mul3A_44] : memref<819200xi32, #tpu.memory_space<hbm>> -> memref<8192xi32, #tpu.memory_space<hbm>>
        %dma_wait3A_49 = tpu.memref_slice %arg2[%mul3A_44] : memref<819200xi32, #tpu.memory_space<hbm>> -> memref<8192xi32, #tpu.memory_space<hbm>>
        tpu.wait_dma2 semaphore(%run_scoped3A : memref<!tpu.dma_semaphore, #tpu.memory_space<semaphore_mem>>) src(%dma_wait3A_49 : memref<8192xi32, #tpu.memory_space<hbm>>) dst(%arg8 : memref<8192xi32, #tpu.memory_space<vmem>>)
        tpu.yield
      }) : () -> ()
      "tpu.region"() ({
        %run_scoped3A = tpu.sem_alloc : memref<!tpu.dma_semaphore, #tpu.memory_space<semaphore_mem>>
        %dma_start3A = tpu.memref_slice %arg3[%mul3A_44] : memref<819200xi32, #tpu.memory_space<hbm>> -> memref<8192xi32, #tpu.memory_space<hbm>>
        %dma_start3A_48 = tpu.memref_slice %arg3[%mul3A_44] : memref<819200xi32, #tpu.memory_space<hbm>> -> memref<8192xi32, #tpu.memory_space<hbm>>
        tpu.enqueue_dma source(%dma_start3A_48 : memref<8192xi32, #tpu.memory_space<hbm>>) target(%arg9 : memref<8192xi32, #tpu.memory_space<vmem>>) target_semaphore(%run_scoped3A : memref<!tpu.dma_semaphore, #tpu.memory_space<semaphore_mem>>)
        %dma_wait3A = tpu.memref_slice %arg3[%mul3A_44] : memref<819200xi32, #tpu.memory_space<hbm>> -> memref<8192xi32, #tpu.memory_space<hbm>>
        %dma_wait3A_49 = tpu.memref_slice %arg3[%mul3A_44] : memref<819200xi32, #tpu.memory_space<hbm>> -> memref<8192xi32, #tpu.memory_space<hbm>>
        tpu.wait_dma2 semaphore(%run_scoped3A : memref<!tpu.dma_semaphore, #tpu.memory_space<semaphore_mem>>) src(%dma_wait3A_49 : memref<8192xi32, #tpu.memory_space<hbm>>) dst(%arg9 : memref<8192xi32, #tpu.memory_space<vmem>>)
        tpu.yield
      }) : () -> ()
      "tpu.region"() ({
        %run_scoped3A = tpu.sem_alloc : memref<!tpu.dma_semaphore, #tpu.memory_space<semaphore_mem>>
        %dma_start3A = tpu.memref_slice %arg4[%mul3A_44] : memref<819200xf32, #tpu.memory_space<hbm>> -> memref<8192xf32, #tpu.memory_space<hbm>>
        %dma_start3A_48 = tpu.memref_slice %arg4[%mul3A_44] : memref<819200xf32, #tpu.memory_space<hbm>> -> memref<8192xf32, #tpu.memory_space<hbm>>
        tpu.enqueue_dma source(%dma_start3A_48 : memref<8192xf32, #tpu.memory_space<hbm>>) target(%arg10 : memref<8192xf32, #tpu.memory_space<vmem>>) target_semaphore(%run_scoped3A : memref<!tpu.dma_semaphore, #tpu.memory_space<semaphore_mem>>)
        %dma_wait3A = tpu.memref_slice %arg4[%mul3A_44] : memref<819200xf32, #tpu.memory_space<hbm>> -> memref<8192xf32, #tpu.memory_space<hbm>>
        %dma_wait3A_49 = tpu.memref_slice %arg4[%mul3A_44] : memref<819200xf32, #tpu.memory_space<hbm>> -> memref<8192xf32, #tpu.memory_space<hbm>>
        tpu.wait_dma2 semaphore(%run_scoped3A : memref<!tpu.dma_semaphore, #tpu.memory_space<semaphore_mem>>) src(%dma_wait3A_49 : memref<8192xf32, #tpu.memory_space<hbm>>) dst(%arg10 : memref<8192xf32, #tpu.memory_space<vmem>>)
        tpu.yield
      }) : () -> ()
      %parallel_loop3A = arith.constant 0 : i32
      %parallel_loop3A_45 = arith.constant 512 : i32
      %parallel_loop3A_46 = arith.constant 1 : i32
      scf.for %parallel_loop3A_48 = %parallel_loop3A to %parallel_loop3A_45 step %parallel_loop3A_46  : i32 {
        %parallel_loop3A_49 = arith.constant 16 : i32
        %parallel_loop3A_50 = arith.muli %parallel_loop3A_48, %parallel_loop3A_49 : i32
        %parallel_loop3A_51 = arith.index_cast %parallel_loop3A_50 : i32 to index
        %parallel_loop3A_52 = tpu.vector_load %arg8[%parallel_loop3A_51] {strides = array<i32>} : memref<8192xi32, #tpu.memory_space<vmem>>, vector<16xi32>,
        %parallel_loop3A_53 = arith.constant 16 : i32
        %parallel_loop3A_54 = arith.muli %parallel_loop3A_48, %parallel_loop3A_53 : i32
        %parallel_loop3A_55 = arith.index_cast %parallel_loop3A_54 : i32 to index
        %parallel_loop3A_56 = tpu.vector_load %arg9[%parallel_loop3A_55] {strides = array<i32>} : memref<8192xi32, #tpu.memory_space<vmem>>, vector<16xi32>,
        %parallel_loop3A_57 = arith.constant 16 : i32
        %parallel_loop3A_58 = arith.muli %parallel_loop3A_48, %parallel_loop3A_57 : i32
        %parallel_loop3A_59 = arith.index_cast %parallel_loop3A_58 : i32 to index
        %parallel_loop3A_60 = tpu.vector_load %arg10[%parallel_loop3A_59] {strides = array<i32>} : memref<8192xf32, #tpu.memory_space<vmem>>, vector<16xf32>,
        %parallel_loop3A_61 = tpu.vector_load_idx %arg11[%parallel_loop3A_52] : memref<50176xf32, #tpu.memory_space<vmem>>[vector<16xi32>], vector<16xf32>,
        %parallel_loop3A_62 = arith.mulf %parallel_loop3A_61, %parallel_loop3A_60 : vector<16xf32>
        tpu.vector_store_idx %arg12[%parallel_loop3A_56], %parallel_loop3A_62 {add = true} : memref<50176xf32, #tpu.memory_space<vmem>>[vector<16xi32>], vector<16xf32>,
      } {sc.loop_unroll_factor = 8 : i64, sc.parallel_access}
      %scan3A_47 = arith.constant 0 : i32
      scf.yield %scan3A_47 : i32
    }
    %scan3A_8 = arith.constant 100 : i32
    "tpu.region"() ({
      %run_scoped3A = tpu.sem_alloc : memref<!tpu.dma_semaphore, #tpu.memory_space<semaphore_mem>>
      %dma_start3A = arith.constant 0 : i32
      %dma_start3A_41 = tpu.memref_slice %arg7[%add3A_2, %dma_start3A] : memref<104x50176xf32, #tpu.memory_space<hbm>> -> memref<1x50176xf32, #tpu.memory_space<hbm>>
      %dma_start3A_42 = tpu.memref_squeeze %dma_start3A_41 : memref<1x50176xf32, #tpu.memory_space<hbm>> -> memref<50176xf32, #tpu.memory_space<hbm>>
      %dma_start3A_43 = arith.constant 0 : i32
      %dma_start3A_44 = tpu.memref_slice %arg7[%add3A_2, %dma_start3A_43] : memref<104x50176xf32, #tpu.memory_space<hbm>> -> memref<1x50176xf32, #tpu.memory_space<hbm>>
      %dma_start3A_45 = tpu.memref_squeeze %dma_start3A_44 : memref<1x50176xf32, #tpu.memory_space<hbm>> -> memref<50176xf32, #tpu.memory_space<hbm>>
      tpu.enqueue_dma source(%arg12 : memref<50176xf32, #tpu.memory_space<vmem>>) target(%dma_start3A_45 : memref<50176xf32, #tpu.memory_space<hbm>>) target_semaphore(%run_scoped3A : memref<!tpu.dma_semaphore, #tpu.memory_space<semaphore_mem>>)
      %dma_wait3A = arith.constant 0 : i32
      %dma_wait3A_46 = tpu.memref_slice %arg7[%add3A_2, %dma_wait3A] : memref<104x50176xf32, #tpu.memory_space<hbm>> -> memref<1x50176xf32, #tpu.memory_space<hbm>>
      %dma_wait3A_47 = tpu.memref_squeeze %dma_wait3A_46 : memref<1x50176xf32, #tpu.memory_space<hbm>> -> memref<50176xf32, #tpu.memory_space<hbm>>
      %dma_wait3A_48 = arith.constant 0 : i32
      %dma_wait3A_49 = tpu.memref_slice %arg7[%add3A_2, %dma_wait3A_48] : memref<104x50176xf32, #tpu.memory_space<hbm>> -> memref<1x50176xf32, #tpu.memory_space<hbm>>
      %dma_wait3A_50 = tpu.memref_squeeze %dma_wait3A_49 : memref<1x50176xf32, #tpu.memory_space<hbm>> -> memref<50176xf32, #tpu.memory_space<hbm>>
      tpu.wait_dma2 semaphore(%run_scoped3A : memref<!tpu.dma_semaphore, #tpu.memory_space<semaphore_mem>>) src(%arg12 : memref<50176xf32, #tpu.memory_space<vmem>>) dst(%dma_wait3A_50 : memref<50176xf32, #tpu.memory_space<hbm>>)
      tpu.yield
    }) : () -> ()
    %add3A_9 = arith.constant 32 : i32
    %add3A_10 = arith.addi %add3A_9, %add3A : i32
    "tpu.region"() ({
      %run_scoped3A = tpu.sem_alloc : memref<!tpu.dma_semaphore, #tpu.memory_space<semaphore_mem>>
      tpu.enqueue_dma source(%arg6 : memref<50176xf32, #tpu.memory_space<hbm>>) target(%arg12 : memref<50176xf32, #tpu.memory_space<vmem>>) target_semaphore(%run_scoped3A : memref<!tpu.dma_semaphore, #tpu.memory_space<semaphore_mem>>)
      tpu.wait_dma2 semaphore(%run_scoped3A : memref<!tpu.dma_semaphore, #tpu.memory_space<semaphore_mem>>) src(%arg6 : memref<50176xf32, #tpu.memory_space<hbm>>) dst(%arg12 : memref<50176xf32, #tpu.memory_space<vmem>>)
      tpu.yield
    }) : () -> ()
    "tpu.region"() ({
      %run_scoped3A = tpu.sem_alloc : memref<!tpu.dma_semaphore, #tpu.memory_space<semaphore_mem>>
      %dma_start3A = arith.constant 0 : i32
      %dma_start3A_41 = tpu.memref_slice %arg5[%add3A_10, %dma_start3A] : memref<104x50176xf32, #tpu.memory_space<hbm>> -> memref<1x50176xf32, #tpu.memory_space<hbm>>
      %dma_start3A_42 = tpu.memref_squeeze %dma_start3A_41 : memref<1x50176xf32, #tpu.memory_space<hbm>> -> memref<50176xf32, #tpu.memory_space<hbm>>
      %dma_start3A_43 = arith.constant 0 : i32
      %dma_start3A_44 = tpu.memref_slice %arg5[%add3A_10, %dma_start3A_43] : memref<104x50176xf32, #tpu.memory_space<hbm>> -> memref<1x50176xf32, #tpu.memory_space<hbm>>
      %dma_start3A_45 = tpu.memref_squeeze %dma_start3A_44 : memref<1x50176xf32, #tpu.memory_space<hbm>> -> memref<50176xf32, #tpu.memory_space<hbm>>
      tpu.enqueue_dma source(%dma_start3A_45 : memref<50176xf32, #tpu.memory_space<hbm>>) target(%arg11 : memref<50176xf32, #tpu.memory_space<vmem>>) target_semaphore(%run_scoped3A : memref<!tpu.dma_semaphore, #tpu.memory_space<semaphore_mem>>)
      %dma_wait3A = arith.constant 0 : i32
      %dma_wait3A_46 = tpu.memref_slice %arg5[%add3A_10, %dma_wait3A] : memref<104x50176xf32, #tpu.memory_space<hbm>> -> memref<1x50176xf32, #tpu.memory_space<hbm>>
      %dma_wait3A_47 = tpu.memref_squeeze %dma_wait3A_46 : memref<1x50176xf32, #tpu.memory_space<hbm>> -> memref<50176xf32, #tpu.memory_space<hbm>>
      %dma_wait3A_48 = arith.constant 0 : i32
      %dma_wait3A_49 = tpu.memref_slice %arg5[%add3A_10, %dma_wait3A_48] : memref<104x50176xf32, #tpu.memory_space<hbm>> -> memref<1x50176xf32, #tpu.memory_space<hbm>>
      %dma_wait3A_50 = tpu.memref_squeeze %dma_wait3A_49 : memref<1x50176xf32, #tpu.memory_space<hbm>> -> memref<50176xf32, #tpu.memory_space<hbm>>
      tpu.wait_dma2 semaphore(%run_scoped3A : memref<!tpu.dma_semaphore, #tpu.memory_space<semaphore_mem>>) src(%dma_wait3A_50 : memref<50176xf32, #tpu.memory_space<hbm>>) dst(%arg11 : memref<50176xf32, #tpu.memory_space<vmem>>)
      tpu.yield
    }) : () -> ()
    %scan3A_11 = arith.constant 0 : i32
    %scan3A_12 = arith.constant 0 : i32
    %scan3A_13 = arith.constant 100 : i32
    %scan3A_14 = arith.addi %scan3A_12, %scan3A_13 : i32
    %scan3A_15 = arith.constant 1 : i32
    %scan3A_16 = scf.for %scan3A_41 = %scan3A_12 to %scan3A_14 step %scan3A_15 iter_args(%scan3A_42 = %scan3A_11) -> (i32)  : i32 {
      %mul3A_43 = arith.constant 8192 : i32
      %mul3A_44 = arith.muli %scan3A_41, %mul3A_43 : i32
      "tpu.region"() ({
        %run_scoped3A = tpu.sem_alloc : memref<!tpu.dma_semaphore, #tpu.memory_space<semaphore_mem>>
        %dma_start3A = tpu.memref_slice %arg2[%mul3A_44] : memref<819200xi32, #tpu.memory_space<hbm>> -> memref<8192xi32, #tpu.memory_space<hbm>>
        %dma_start3A_48 = tpu.memref_slice %arg2[%mul3A_44] : memref<819200xi32, #tpu.memory_space<hbm>> -> memref<8192xi32, #tpu.memory_space<hbm>>
        tpu.enqueue_dma source(%dma_start3A_48 : memref<8192xi32, #tpu.memory_space<hbm>>) target(%arg8 : memref<8192xi32, #tpu.memory_space<vmem>>) target_semaphore(%run_scoped3A : memref<!tpu.dma_semaphore, #tpu.memory_space<semaphore_mem>>)
        %dma_wait3A = tpu.memref_slice %arg2[%mul3A_44] : memref<819200xi32, #tpu.memory_space<hbm>> -> memref<8192xi32, #tpu.memory_space<hbm>>
        %dma_wait3A_49 = tpu.memref_slice %arg2[%mul3A_44] : memref<819200xi32, #tpu.memory_space<hbm>> -> memref<8192xi32, #tpu.memory_space<hbm>>
        tpu.wait_dma2 semaphore(%run_scoped3A : memref<!tpu.dma_semaphore, #tpu.memory_space<semaphore_mem>>) src(%dma_wait3A_49 : memref<8192xi32, #tpu.memory_space<hbm>>) dst(%arg8 : memref<8192xi32, #tpu.memory_space<vmem>>)
        tpu.yield
      }) : () -> ()
      "tpu.region"() ({
        %run_scoped3A = tpu.sem_alloc : memref<!tpu.dma_semaphore, #tpu.memory_space<semaphore_mem>>
        %dma_start3A = tpu.memref_slice %arg3[%mul3A_44] : memref<819200xi32, #tpu.memory_space<hbm>> -> memref<8192xi32, #tpu.memory_space<hbm>>
        %dma_start3A_48 = tpu.memref_slice %arg3[%mul3A_44] : memref<819200xi32, #tpu.memory_space<hbm>> -> memref<8192xi32, #tpu.memory_space<hbm>>
        tpu.enqueue_dma source(%dma_start3A_48 : memref<8192xi32, #tpu.memory_space<hbm>>) target(%arg9 : memref<8192xi32, #tpu.memory_space<vmem>>) target_semaphore(%run_scoped3A : memref<!tpu.dma_semaphore, #tpu.memory_space<semaphore_mem>>)
        %dma_wait3A = tpu.memref_slice %arg3[%mul3A_44] : memref<819200xi32, #tpu.memory_space<hbm>> -> memref<8192xi32, #tpu.memory_space<hbm>>
        %dma_wait3A_49 = tpu.memref_slice %arg3[%mul3A_44] : memref<819200xi32, #tpu.memory_space<hbm>> -> memref<8192xi32, #tpu.memory_space<hbm>>
        tpu.wait_dma2 semaphore(%run_scoped3A : memref<!tpu.dma_semaphore, #tpu.memory_space<semaphore_mem>>) src(%dma_wait3A_49 : memref<8192xi32, #tpu.memory_space<hbm>>) dst(%arg9 : memref<8192xi32, #tpu.memory_space<vmem>>)
        tpu.yield
      }) : () -> ()
      "tpu.region"() ({
        %run_scoped3A = tpu.sem_alloc : memref<!tpu.dma_semaphore, #tpu.memory_space<semaphore_mem>>
        %dma_start3A = tpu.memref_slice %arg4[%mul3A_44] : memref<819200xf32, #tpu.memory_space<hbm>> -> memref<8192xf32, #tpu.memory_space<hbm>>
        %dma_start3A_48 = tpu.memref_slice %arg4[%mul3A_44] : memref<819200xf32, #tpu.memory_space<hbm>> -> memref<8192xf32, #tpu.memory_space<hbm>>
        tpu.enqueue_dma source(%dma_start3A_48 : memref<8192xf32, #tpu.memory_space<hbm>>) target(%arg10 : memref<8192xf32, #tpu.memory_space<vmem>>) target_semaphore(%run_scoped3A : memref<!tpu.dma_semaphore, #tpu.memory_space<semaphore_mem>>)
        %dma_wait3A = tpu.memref_slice %arg4[%mul3A_44] : memref<819200xf32, #tpu.memory_space<hbm>> -> memref<8192xf32, #tpu.memory_space<hbm>>
        %dma_wait3A_49 = tpu.memref_slice %arg4[%mul3A_44] : memref<819200xf32, #tpu.memory_space<hbm>> -> memref<8192xf32, #tpu.memory_space<hbm>>
        tpu.wait_dma2 semaphore(%run_scoped3A : memref<!tpu.dma_semaphore, #tpu.memory_space<semaphore_mem>>) src(%dma_wait3A_49 : memref<8192xf32, #tpu.memory_space<hbm>>) dst(%arg10 : memref<8192xf32, #tpu.memory_space<vmem>>)
        tpu.yield
      }) : () -> ()
      %parallel_loop3A = arith.constant 0 : i32
      %parallel_loop3A_45 = arith.constant 512 : i32
      %parallel_loop3A_46 = arith.constant 1 : i32
      scf.for %parallel_loop3A_48 = %parallel_loop3A to %parallel_loop3A_45 step %parallel_loop3A_46  : i32 {
        %parallel_loop3A_49 = arith.constant 16 : i32
        %parallel_loop3A_50 = arith.muli %parallel_loop3A_48, %parallel_loop3A_49 : i32
        %parallel_loop3A_51 = arith.index_cast %parallel_loop3A_50 : i32 to index
        %parallel_loop3A_52 = tpu.vector_load %arg8[%parallel_loop3A_51] {strides = array<i32>} : memref<8192xi32, #tpu.memory_space<vmem>>, vector<16xi32>,
        %parallel_loop3A_53 = arith.constant 16 : i32
        %parallel_loop3A_54 = arith.muli %parallel_loop3A_48, %parallel_loop3A_53 : i32
        %parallel_loop3A_55 = arith.index_cast %parallel_loop3A_54 : i32 to index
        %parallel_loop3A_56 = tpu.vector_load %arg9[%parallel_loop3A_55] {strides = array<i32>} : memref<8192xi32, #tpu.memory_space<vmem>>, vector<16xi32>,
        %parallel_loop3A_57 = arith.constant 16 : i32
        %parallel_loop3A_58 = arith.muli %parallel_loop3A_48, %parallel_loop3A_57 : i32
        %parallel_loop3A_59 = arith.index_cast %parallel_loop3A_58 : i32 to index
        %parallel_loop3A_60 = tpu.vector_load %arg10[%parallel_loop3A_59] {strides = array<i32>} : memref<8192xf32, #tpu.memory_space<vmem>>, vector<16xf32>,
        %parallel_loop3A_61 = tpu.vector_load_idx %arg11[%parallel_loop3A_52] : memref<50176xf32, #tpu.memory_space<vmem>>[vector<16xi32>], vector<16xf32>,
        %parallel_loop3A_62 = arith.mulf %parallel_loop3A_61, %parallel_loop3A_60 : vector<16xf32>
        tpu.vector_store_idx %arg12[%parallel_loop3A_56], %parallel_loop3A_62 {add = true} : memref<50176xf32, #tpu.memory_space<vmem>>[vector<16xi32>], vector<16xf32>,
      } {sc.loop_unroll_factor = 8 : i64, sc.parallel_access}
      %scan3A_47 = arith.constant 0 : i32
      scf.yield %scan3A_47 : i32
    }
    %scan3A_17 = arith.constant 100 : i32
    "tpu.region"() ({
      %run_scoped3A = tpu.sem_alloc : memref<!tpu.dma_semaphore, #tpu.memory_space<semaphore_mem>>
      %dma_start3A = arith.constant 0 : i32
      %dma_start3A_41 = tpu.memref_slice %arg7[%add3A_10, %dma_start3A] : memref<104x50176xf32, #tpu.memory_space<hbm>> -> memref<1x50176xf32, #tpu.memory_space<hbm>>
      %dma_start3A_42 = tpu.memref_squeeze %dma_start3A_41 : memref<1x50176xf32, #tpu.memory_space<hbm>> -> memref<50176xf32, #tpu.memory_space<hbm>>
      %dma_start3A_43 = arith.constant 0 : i32
      %dma_start3A_44 = tpu.memref_slice %arg7[%add3A_10, %dma_start3A_43] : memref<104x50176xf32, #tpu.memory_space<hbm>> -> memref<1x50176xf32, #tpu.memory_space<hbm>>
      %dma_start3A_45 = tpu.memref_squeeze %dma_start3A_44 : memref<1x50176xf32, #tpu.memory_space<hbm>> -> memref<50176xf32, #tpu.memory_space<hbm>>
      tpu.enqueue_dma source(%arg12 : memref<50176xf32, #tpu.memory_space<vmem>>) target(%dma_start3A_45 : memref<50176xf32, #tpu.memory_space<hbm>>) target_semaphore(%run_scoped3A : memref<!tpu.dma_semaphore, #tpu.memory_space<semaphore_mem>>)
      %dma_wait3A = arith.constant 0 : i32
      %dma_wait3A_46 = tpu.memref_slice %arg7[%add3A_10, %dma_wait3A] : memref<104x50176xf32, #tpu.memory_space<hbm>> -> memref<1x50176xf32, #tpu.memory_space<hbm>>
      %dma_wait3A_47 = tpu.memref_squeeze %dma_wait3A_46 : memref<1x50176xf32, #tpu.memory_space<hbm>> -> memref<50176xf32, #tpu.memory_space<hbm>>
      %dma_wait3A_48 = arith.constant 0 : i32
      %dma_wait3A_49 = tpu.memref_slice %arg7[%add3A_10, %dma_wait3A_48] : memref<104x50176xf32, #tpu.memory_space<hbm>> -> memref<1x50176xf32, #tpu.memory_space<hbm>>
      %dma_wait3A_50 = tpu.memref_squeeze %dma_wait3A_49 : memref<1x50176xf32, #tpu.memory_space<hbm>> -> memref<50176xf32, #tpu.memory_space<hbm>>
      tpu.wait_dma2 semaphore(%run_scoped3A : memref<!tpu.dma_semaphore, #tpu.memory_space<semaphore_mem>>) src(%arg12 : memref<50176xf32, #tpu.memory_space<vmem>>) dst(%dma_wait3A_50 : memref<50176xf32, #tpu.memory_space<hbm>>)
      tpu.yield
    }) : () -> ()
    %add3A_18 = arith.constant 64 : i32
    %add3A_19 = arith.addi %add3A_18, %add3A : i32
    "tpu.region"() ({
      %run_scoped3A = tpu.sem_alloc : memref<!tpu.dma_semaphore, #tpu.memory_space<semaphore_mem>>
      tpu.enqueue_dma source(%arg6 : memref<50176xf32, #tpu.memory_space<hbm>>) target(%arg12 : memref<50176xf32, #tpu.memory_space<vmem>>) target_semaphore(%run_scoped3A : memref<!tpu.dma_semaphore, #tpu.memory_space<semaphore_mem>>)
      tpu.wait_dma2 semaphore(%run_scoped3A : memref<!tpu.dma_semaphore, #tpu.memory_space<semaphore_mem>>) src(%arg6 : memref<50176xf32, #tpu.memory_space<hbm>>) dst(%arg12 : memref<50176xf32, #tpu.memory_space<vmem>>)
      tpu.yield
    }) : () -> ()
    "tpu.region"() ({
      %run_scoped3A = tpu.sem_alloc : memref<!tpu.dma_semaphore, #tpu.memory_space<semaphore_mem>>
      %dma_start3A = arith.constant 0 : i32
      %dma_start3A_41 = tpu.memref_slice %arg5[%add3A_19, %dma_start3A] : memref<104x50176xf32, #tpu.memory_space<hbm>> -> memref<1x50176xf32, #tpu.memory_space<hbm>>
      %dma_start3A_42 = tpu.memref_squeeze %dma_start3A_41 : memref<1x50176xf32, #tpu.memory_space<hbm>> -> memref<50176xf32, #tpu.memory_space<hbm>>
      %dma_start3A_43 = arith.constant 0 : i32
      %dma_start3A_44 = tpu.memref_slice %arg5[%add3A_19, %dma_start3A_43] : memref<104x50176xf32, #tpu.memory_space<hbm>> -> memref<1x50176xf32, #tpu.memory_space<hbm>>
      %dma_start3A_45 = tpu.memref_squeeze %dma_start3A_44 : memref<1x50176xf32, #tpu.memory_space<hbm>> -> memref<50176xf32, #tpu.memory_space<hbm>>
      tpu.enqueue_dma source(%dma_start3A_45 : memref<50176xf32, #tpu.memory_space<hbm>>) target(%arg11 : memref<50176xf32, #tpu.memory_space<vmem>>) target_semaphore(%run_scoped3A : memref<!tpu.dma_semaphore, #tpu.memory_space<semaphore_mem>>)
      %dma_wait3A = arith.constant 0 : i32
      %dma_wait3A_46 = tpu.memref_slice %arg5[%add3A_19, %dma_wait3A] : memref<104x50176xf32, #tpu.memory_space<hbm>> -> memref<1x50176xf32, #tpu.memory_space<hbm>>
      %dma_wait3A_47 = tpu.memref_squeeze %dma_wait3A_46 : memref<1x50176xf32, #tpu.memory_space<hbm>> -> memref<50176xf32, #tpu.memory_space<hbm>>
      %dma_wait3A_48 = arith.constant 0 : i32
      %dma_wait3A_49 = tpu.memref_slice %arg5[%add3A_19, %dma_wait3A_48] : memref<104x50176xf32, #tpu.memory_space<hbm>> -> memref<1x50176xf32, #tpu.memory_space<hbm>>
      %dma_wait3A_50 = tpu.memref_squeeze %dma_wait3A_49 : memref<1x50176xf32, #tpu.memory_space<hbm>> -> memref<50176xf32, #tpu.memory_space<hbm>>
      tpu.wait_dma2 semaphore(%run_scoped3A : memref<!tpu.dma_semaphore, #tpu.memory_space<semaphore_mem>>) src(%dma_wait3A_50 : memref<50176xf32, #tpu.memory_space<hbm>>) dst(%arg11 : memref<50176xf32, #tpu.memory_space<vmem>>)
      tpu.yield
    }) : () -> ()
    %scan3A_20 = arith.constant 0 : i32
    %scan3A_21 = arith.constant 0 : i32
    %scan3A_22 = arith.constant 100 : i32
    %scan3A_23 = arith.addi %scan3A_21, %scan3A_22 : i32
    %scan3A_24 = arith.constant 1 : i32
    %scan3A_25 = scf.for %scan3A_41 = %scan3A_21 to %scan3A_23 step %scan3A_24 iter_args(%scan3A_42 = %scan3A_20) -> (i32)  : i32 {
      %mul3A_43 = arith.constant 8192 : i32
      %mul3A_44 = arith.muli %scan3A_41, %mul3A_43 : i32
      "tpu.region"() ({
        %run_scoped3A = tpu.sem_alloc : memref<!tpu.dma_semaphore, #tpu.memory_space<semaphore_mem>>
        %dma_start3A = tpu.memref_slice %arg2[%mul3A_44] : memref<819200xi32, #tpu.memory_space<hbm>> -> memref<8192xi32, #tpu.memory_space<hbm>>
        %dma_start3A_48 = tpu.memref_slice %arg2[%mul3A_44] : memref<819200xi32, #tpu.memory_space<hbm>> -> memref<8192xi32, #tpu.memory_space<hbm>>
        tpu.enqueue_dma source(%dma_start3A_48 : memref<8192xi32, #tpu.memory_space<hbm>>) target(%arg8 : memref<8192xi32, #tpu.memory_space<vmem>>) target_semaphore(%run_scoped3A : memref<!tpu.dma_semaphore, #tpu.memory_space<semaphore_mem>>)
        %dma_wait3A = tpu.memref_slice %arg2[%mul3A_44] : memref<819200xi32, #tpu.memory_space<hbm>> -> memref<8192xi32, #tpu.memory_space<hbm>>
        %dma_wait3A_49 = tpu.memref_slice %arg2[%mul3A_44] : memref<819200xi32, #tpu.memory_space<hbm>> -> memref<8192xi32, #tpu.memory_space<hbm>>
        tpu.wait_dma2 semaphore(%run_scoped3A : memref<!tpu.dma_semaphore, #tpu.memory_space<semaphore_mem>>) src(%dma_wait3A_49 : memref<8192xi32, #tpu.memory_space<hbm>>) dst(%arg8 : memref<8192xi32, #tpu.memory_space<vmem>>)
        tpu.yield
      }) : () -> ()
      "tpu.region"() ({
        %run_scoped3A = tpu.sem_alloc : memref<!tpu.dma_semaphore, #tpu.memory_space<semaphore_mem>>
        %dma_start3A = tpu.memref_slice %arg3[%mul3A_44] : memref<819200xi32, #tpu.memory_space<hbm>> -> memref<8192xi32, #tpu.memory_space<hbm>>
        %dma_start3A_48 = tpu.memref_slice %arg3[%mul3A_44] : memref<819200xi32, #tpu.memory_space<hbm>> -> memref<8192xi32, #tpu.memory_space<hbm>>
        tpu.enqueue_dma source(%dma_start3A_48 : memref<8192xi32, #tpu.memory_space<hbm>>) target(%arg9 : memref<8192xi32, #tpu.memory_space<vmem>>) target_semaphore(%run_scoped3A : memref<!tpu.dma_semaphore, #tpu.memory_space<semaphore_mem>>)
        %dma_wait3A = tpu.memref_slice %arg3[%mul3A_44] : memref<819200xi32, #tpu.memory_space<hbm>> -> memref<8192xi32, #tpu.memory_space<hbm>>
        %dma_wait3A_49 = tpu.memref_slice %arg3[%mul3A_44] : memref<819200xi32, #tpu.memory_space<hbm>> -> memref<8192xi32, #tpu.memory_space<hbm>>
        tpu.wait_dma2 semaphore(%run_scoped3A : memref<!tpu.dma_semaphore, #tpu.memory_space<semaphore_mem>>) src(%dma_wait3A_49 : memref<8192xi32, #tpu.memory_space<hbm>>) dst(%arg9 : memref<8192xi32, #tpu.memory_space<vmem>>)
        tpu.yield
      }) : () -> ()
      "tpu.region"() ({
        %run_scoped3A = tpu.sem_alloc : memref<!tpu.dma_semaphore, #tpu.memory_space<semaphore_mem>>
        %dma_start3A = tpu.memref_slice %arg4[%mul3A_44] : memref<819200xf32, #tpu.memory_space<hbm>> -> memref<8192xf32, #tpu.memory_space<hbm>>
        %dma_start3A_48 = tpu.memref_slice %arg4[%mul3A_44] : memref<819200xf32, #tpu.memory_space<hbm>> -> memref<8192xf32, #tpu.memory_space<hbm>>
        tpu.enqueue_dma source(%dma_start3A_48 : memref<8192xf32, #tpu.memory_space<hbm>>) target(%arg10 : memref<8192xf32, #tpu.memory_space<vmem>>) target_semaphore(%run_scoped3A : memref<!tpu.dma_semaphore, #tpu.memory_space<semaphore_mem>>)
        %dma_wait3A = tpu.memref_slice %arg4[%mul3A_44] : memref<819200xf32, #tpu.memory_space<hbm>> -> memref<8192xf32, #tpu.memory_space<hbm>>
        %dma_wait3A_49 = tpu.memref_slice %arg4[%mul3A_44] : memref<819200xf32, #tpu.memory_space<hbm>> -> memref<8192xf32, #tpu.memory_space<hbm>>
        tpu.wait_dma2 semaphore(%run_scoped3A : memref<!tpu.dma_semaphore, #tpu.memory_space<semaphore_mem>>) src(%dma_wait3A_49 : memref<8192xf32, #tpu.memory_space<hbm>>) dst(%arg10 : memref<8192xf32, #tpu.memory_space<vmem>>)
        tpu.yield
      }) : () -> ()
      %parallel_loop3A = arith.constant 0 : i32
      %parallel_loop3A_45 = arith.constant 512 : i32
      %parallel_loop3A_46 = arith.constant 1 : i32
      scf.for %parallel_loop3A_48 = %parallel_loop3A to %parallel_loop3A_45 step %parallel_loop3A_46  : i32 {
        %parallel_loop3A_49 = arith.constant 16 : i32
        %parallel_loop3A_50 = arith.muli %parallel_loop3A_48, %parallel_loop3A_49 : i32
        %parallel_loop3A_51 = arith.index_cast %parallel_loop3A_50 : i32 to index
        %parallel_loop3A_52 = tpu.vector_load %arg8[%parallel_loop3A_51] {strides = array<i32>} : memref<8192xi32, #tpu.memory_space<vmem>>, vector<16xi32>,
        %parallel_loop3A_53 = arith.constant 16 : i32
        %parallel_loop3A_54 = arith.muli %parallel_loop3A_48, %parallel_loop3A_53 : i32
        %parallel_loop3A_55 = arith.index_cast %parallel_loop3A_54 : i32 to index
        %parallel_loop3A_56 = tpu.vector_load %arg9[%parallel_loop3A_55] {strides = array<i32>} : memref<8192xi32, #tpu.memory_space<vmem>>, vector<16xi32>,
        %parallel_loop3A_57 = arith.constant 16 : i32
        %parallel_loop3A_58 = arith.muli %parallel_loop3A_48, %parallel_loop3A_57 : i32
        %parallel_loop3A_59 = arith.index_cast %parallel_loop3A_58 : i32 to index
        %parallel_loop3A_60 = tpu.vector_load %arg10[%parallel_loop3A_59] {strides = array<i32>} : memref<8192xf32, #tpu.memory_space<vmem>>, vector<16xf32>,
        %parallel_loop3A_61 = tpu.vector_load_idx %arg11[%parallel_loop3A_52] : memref<50176xf32, #tpu.memory_space<vmem>>[vector<16xi32>], vector<16xf32>,
        %parallel_loop3A_62 = arith.mulf %parallel_loop3A_61, %parallel_loop3A_60 : vector<16xf32>
        tpu.vector_store_idx %arg12[%parallel_loop3A_56], %parallel_loop3A_62 {add = true} : memref<50176xf32, #tpu.memory_space<vmem>>[vector<16xi32>], vector<16xf32>,
      } {sc.loop_unroll_factor = 8 : i64, sc.parallel_access}
      %scan3A_47 = arith.constant 0 : i32
      scf.yield %scan3A_47 : i32
    }
    %scan3A_26 = arith.constant 100 : i32
    "tpu.region"() ({
      %run_scoped3A = tpu.sem_alloc : memref<!tpu.dma_semaphore, #tpu.memory_space<semaphore_mem>>
      %dma_start3A = arith.constant 0 : i32
      %dma_start3A_41 = tpu.memref_slice %arg7[%add3A_19, %dma_start3A] : memref<104x50176xf32, #tpu.memory_space<hbm>> -> memref<1x50176xf32, #tpu.memory_space<hbm>>
      %dma_start3A_42 = tpu.memref_squeeze %dma_start3A_41 : memref<1x50176xf32, #tpu.memory_space<hbm>> -> memref<50176xf32, #tpu.memory_space<hbm>>
      %dma_start3A_43 = arith.constant 0 : i32
      %dma_start3A_44 = tpu.memref_slice %arg7[%add3A_19, %dma_start3A_43] : memref<104x50176xf32, #tpu.memory_space<hbm>> -> memref<1x50176xf32, #tpu.memory_space<hbm>>
      %dma_start3A_45 = tpu.memref_squeeze %dma_start3A_44 : memref<1x50176xf32, #tpu.memory_space<hbm>> -> memref<50176xf32, #tpu.memory_space<hbm>>
      tpu.enqueue_dma source(%arg12 : memref<50176xf32, #tpu.memory_space<vmem>>) target(%dma_start3A_45 : memref<50176xf32, #tpu.memory_space<hbm>>) target_semaphore(%run_scoped3A : memref<!tpu.dma_semaphore, #tpu.memory_space<semaphore_mem>>)
      %dma_wait3A = arith.constant 0 : i32
      %dma_wait3A_46 = tpu.memref_slice %arg7[%add3A_19, %dma_wait3A] : memref<104x50176xf32, #tpu.memory_space<hbm>> -> memref<1x50176xf32, #tpu.memory_space<hbm>>
      %dma_wait3A_47 = tpu.memref_squeeze %dma_wait3A_46 : memref<1x50176xf32, #tpu.memory_space<hbm>> -> memref<50176xf32, #tpu.memory_space<hbm>>
      %dma_wait3A_48 = arith.constant 0 : i32
      %dma_wait3A_49 = tpu.memref_slice %arg7[%add3A_19, %dma_wait3A_48] : memref<104x50176xf32, #tpu.memory_space<hbm>> -> memref<1x50176xf32, #tpu.memory_space<hbm>>
      %dma_wait3A_50 = tpu.memref_squeeze %dma_wait3A_49 : memref<1x50176xf32, #tpu.memory_space<hbm>> -> memref<50176xf32, #tpu.memory_space<hbm>>
      tpu.wait_dma2 semaphore(%run_scoped3A : memref<!tpu.dma_semaphore, #tpu.memory_space<semaphore_mem>>) src(%arg12 : memref<50176xf32, #tpu.memory_space<vmem>>) dst(%dma_wait3A_50 : memref<50176xf32, #tpu.memory_space<hbm>>)
      tpu.yield
    }) : () -> ()
    %add3A_27 = arith.constant 96 : i32
    %add3A_28 = arith.addi %add3A_27, %add3A : i32
    %lt3A = arith.constant 8 : i32
    %lt3A_29 = arith.cmpi slt, %add3A, %lt3A : i32
    %convert_element_type3A = arith.extui %lt3A_29 : i1 to i32
    %cond3A = arith.constant 0 : i32
    %cond3A_30 = arith.cmpi ne, %convert_element_type3A, %cond3A : i32
    scf.if %cond3A_30 {
      "tpu.region"() ({
        %run_scoped3A = tpu.sem_alloc : memref<!tpu.dma_semaphore, #tpu.memory_space<semaphore_mem>>
        tpu.enqueue_dma source(%arg6 : memref<50176xf32, #tpu.memory_space<hbm>>) target(%arg12 : memref<50176xf32, #tpu.memory_space<vmem>>) target_semaphore(%run_scoped3A : memref<!tpu.dma_semaphore, #tpu.memory_space<semaphore_mem>>)
        tpu.wait_dma2 semaphore(%run_scoped3A : memref<!tpu.dma_semaphore, #tpu.memory_space<semaphore_mem>>) src(%arg6 : memref<50176xf32, #tpu.memory_space<hbm>>) dst(%arg12 : memref<50176xf32, #tpu.memory_space<vmem>>)
        tpu.yield
      }) : () -> ()
    } else {
    }
    %lt3A_31 = arith.constant 4 : i32
    %lt3A_32 = arith.cmpi slt, %add3A, %lt3A_31 : i32
    %convert_element_type3A_33 = arith.extui %lt3A_32 : i1 to i32
    %cond3A_34 = arith.constant 0 : i32
    %cond3A_35 = arith.cmpi ne, %convert_element_type3A_33, %cond3A_34 : i32
    scf.if %cond3A_35 {
      "tpu.region"() ({
        %run_scoped3A = tpu.sem_alloc : memref<!tpu.dma_semaphore, #tpu.memory_space<semaphore_mem>>
        %dma_start3A = arith.constant 0 : i32
        %dma_start3A_48 = tpu.memref_slice %arg5[%add3A_28, %dma_start3A] : memref<104x50176xf32, #tpu.memory_space<hbm>> -> memref<1x50176xf32, #tpu.memory_space<hbm>>
        %dma_start3A_49 = tpu.memref_squeeze %dma_start3A_48 : memref<1x50176xf32, #tpu.memory_space<hbm>> -> memref<50176xf32, #tpu.memory_space<hbm>>
        %dma_start3A_50 = arith.constant 0 : i32
        %dma_start3A_51 = tpu.memref_slice %arg5[%add3A_28, %dma_start3A_50] : memref<104x50176xf32, #tpu.memory_space<hbm>> -> memref<1x50176xf32, #tpu.memory_space<hbm>>
        %dma_start3A_52 = tpu.memref_squeeze %dma_start3A_51 : memref<1x50176xf32, #tpu.memory_space<hbm>> -> memref<50176xf32, #tpu.memory_space<hbm>>
        tpu.enqueue_dma source(%dma_start3A_52 : memref<50176xf32, #tpu.memory_space<hbm>>) target(%arg11 : memref<50176xf32, #tpu.memory_space<vmem>>) target_semaphore(%run_scoped3A : memref<!tpu.dma_semaphore, #tpu.memory_space<semaphore_mem>>)
        %dma_wait3A = arith.constant 0 : i32
        %dma_wait3A_53 = tpu.memref_slice %arg5[%add3A_28, %dma_wait3A] : memref<104x50176xf32, #tpu.memory_space<hbm>> -> memref<1x50176xf32, #tpu.memory_space<hbm>>
        %dma_wait3A_54 = tpu.memref_squeeze %dma_wait3A_53 : memref<1x50176xf32, #tpu.memory_space<hbm>> -> memref<50176xf32, #tpu.memory_space<hbm>>
        %dma_wait3A_55 = arith.constant 0 : i32
        %dma_wait3A_56 = tpu.memref_slice %arg5[%add3A_28, %dma_wait3A_55] : memref<104x50176xf32, #tpu.memory_space<hbm>> -> memref<1x50176xf32, #tpu.memory_space<hbm>>
        %dma_wait3A_57 = tpu.memref_squeeze %dma_wait3A_56 : memref<1x50176xf32, #tpu.memory_space<hbm>> -> memref<50176xf32, #tpu.memory_space<hbm>>
        tpu.wait_dma2 semaphore(%run_scoped3A : memref<!tpu.dma_semaphore, #tpu.memory_space<semaphore_mem>>) src(%dma_wait3A_57 : memref<50176xf32, #tpu.memory_space<hbm>>) dst(%arg11 : memref<50176xf32, #tpu.memory_space<vmem>>)
        tpu.yield
      }) : () -> ()
      %scan3A_41 = arith.constant 0 : i32
      %scan3A_42 = arith.constant 0 : i32
      %scan3A_43 = arith.constant 100 : i32
      %scan3A_44 = arith.addi %scan3A_42, %scan3A_43 : i32
      %scan3A_45 = arith.constant 1 : i32
      %scan3A_46 = scf.for %scan3A_48 = %scan3A_42 to %scan3A_44 step %scan3A_45 iter_args(%scan3A_49 = %scan3A_41) -> (i32)  : i32 {
        %mul3A_50 = arith.constant 8192 : i32
        %mul3A_51 = arith.muli %scan3A_48, %mul3A_50 : i32
        "tpu.region"() ({
          %run_scoped3A = tpu.sem_alloc : memref<!tpu.dma_semaphore, #tpu.memory_space<semaphore_mem>>
          %dma_start3A = tpu.memref_slice %arg2[%mul3A_51] : memref<819200xi32, #tpu.memory_space<hbm>> -> memref<8192xi32, #tpu.memory_space<hbm>>
          %dma_start3A_55 = tpu.memref_slice %arg2[%mul3A_51] : memref<819200xi32, #tpu.memory_space<hbm>> -> memref<8192xi32, #tpu.memory_space<hbm>>
          tpu.enqueue_dma source(%dma_start3A_55 : memref<8192xi32, #tpu.memory_space<hbm>>) target(%arg8 : memref<8192xi32, #tpu.memory_space<vmem>>) target_semaphore(%run_scoped3A : memref<!tpu.dma_semaphore, #tpu.memory_space<semaphore_mem>>)
          %dma_wait3A = tpu.memref_slice %arg2[%mul3A_51] : memref<819200xi32, #tpu.memory_space<hbm>> -> memref<8192xi32, #tpu.memory_space<hbm>>
          %dma_wait3A_56 = tpu.memref_slice %arg2[%mul3A_51] : memref<819200xi32, #tpu.memory_space<hbm>> -> memref<8192xi32, #tpu.memory_space<hbm>>
          tpu.wait_dma2 semaphore(%run_scoped3A : memref<!tpu.dma_semaphore, #tpu.memory_space<semaphore_mem>>) src(%dma_wait3A_56 : memref<8192xi32, #tpu.memory_space<hbm>>) dst(%arg8 : memref<8192xi32, #tpu.memory_space<vmem>>)
          tpu.yield
        }) : () -> ()
        "tpu.region"() ({
          %run_scoped3A = tpu.sem_alloc : memref<!tpu.dma_semaphore, #tpu.memory_space<semaphore_mem>>
          %dma_start3A = tpu.memref_slice %arg3[%mul3A_51] : memref<819200xi32, #tpu.memory_space<hbm>> -> memref<8192xi32, #tpu.memory_space<hbm>>
          %dma_start3A_55 = tpu.memref_slice %arg3[%mul3A_51] : memref<819200xi32, #tpu.memory_space<hbm>> -> memref<8192xi32, #tpu.memory_space<hbm>>
          tpu.enqueue_dma source(%dma_start3A_55 : memref<8192xi32, #tpu.memory_space<hbm>>) target(%arg9 : memref<8192xi32, #tpu.memory_space<vmem>>) target_semaphore(%run_scoped3A : memref<!tpu.dma_semaphore, #tpu.memory_space<semaphore_mem>>)
          %dma_wait3A = tpu.memref_slice %arg3[%mul3A_51] : memref<819200xi32, #tpu.memory_space<hbm>> -> memref<8192xi32, #tpu.memory_space<hbm>>
          %dma_wait3A_56 = tpu.memref_slice %arg3[%mul3A_51] : memref<819200xi32, #tpu.memory_space<hbm>> -> memref<8192xi32, #tpu.memory_space<hbm>>
          tpu.wait_dma2 semaphore(%run_scoped3A : memref<!tpu.dma_semaphore, #tpu.memory_space<semaphore_mem>>) src(%dma_wait3A_56 : memref<8192xi32, #tpu.memory_space<hbm>>) dst(%arg9 : memref<8192xi32, #tpu.memory_space<vmem>>)
          tpu.yield
        }) : () -> ()
        "tpu.region"() ({
          %run_scoped3A = tpu.sem_alloc : memref<!tpu.dma_semaphore, #tpu.memory_space<semaphore_mem>>
          %dma_start3A = tpu.memref_slice %arg4[%mul3A_51] : memref<819200xf32, #tpu.memory_space<hbm>> -> memref<8192xf32, #tpu.memory_space<hbm>>
          %dma_start3A_55 = tpu.memref_slice %arg4[%mul3A_51] : memref<819200xf32, #tpu.memory_space<hbm>> -> memref<8192xf32, #tpu.memory_space<hbm>>
          tpu.enqueue_dma source(%dma_start3A_55 : memref<8192xf32, #tpu.memory_space<hbm>>) target(%arg10 : memref<8192xf32, #tpu.memory_space<vmem>>) target_semaphore(%run_scoped3A : memref<!tpu.dma_semaphore, #tpu.memory_space<semaphore_mem>>)
          %dma_wait3A = tpu.memref_slice %arg4[%mul3A_51] : memref<819200xf32, #tpu.memory_space<hbm>> -> memref<8192xf32, #tpu.memory_space<hbm>>
          %dma_wait3A_56 = tpu.memref_slice %arg4[%mul3A_51] : memref<819200xf32, #tpu.memory_space<hbm>> -> memref<8192xf32, #tpu.memory_space<hbm>>
          tpu.wait_dma2 semaphore(%run_scoped3A : memref<!tpu.dma_semaphore, #tpu.memory_space<semaphore_mem>>) src(%dma_wait3A_56 : memref<8192xf32, #tpu.memory_space<hbm>>) dst(%arg10 : memref<8192xf32, #tpu.memory_space<vmem>>)
          tpu.yield
        }) : () -> ()
        %parallel_loop3A = arith.constant 0 : i32
        %parallel_loop3A_52 = arith.constant 512 : i32
        %parallel_loop3A_53 = arith.constant 1 : i32
        scf.for %parallel_loop3A_55 = %parallel_loop3A to %parallel_loop3A_52 step %parallel_loop3A_53  : i32 {
          %parallel_loop3A_56 = arith.constant 16 : i32
          %parallel_loop3A_57 = arith.muli %parallel_loop3A_55, %parallel_loop3A_56 : i32
          %parallel_loop3A_58 = arith.index_cast %parallel_loop3A_57 : i32 to index
          %parallel_loop3A_59 = tpu.vector_load %arg8[%parallel_loop3A_58] {strides = array<i32>} : memref<8192xi32, #tpu.memory_space<vmem>>, vector<16xi32>,
          %parallel_loop3A_60 = arith.constant 16 : i32
          %parallel_loop3A_61 = arith.muli %parallel_loop3A_55, %parallel_loop3A_60 : i32
          %parallel_loop3A_62 = arith.index_cast %parallel_loop3A_61 : i32 to index
          %parallel_loop3A_63 = tpu.vector_load %arg9[%parallel_loop3A_62] {strides = array<i32>} : memref<8192xi32, #tpu.memory_space<vmem>>, vector<16xi32>,
          %parallel_loop3A_64 = arith.constant 16 : i32
          %parallel_loop3A_65 = arith.muli %parallel_loop3A_55, %parallel_loop3A_64 : i32
          %parallel_loop3A_66 = arith.index_cast %parallel_loop3A_65 : i32 to index
          %parallel_loop3A_67 = tpu.vector_load %arg10[%parallel_loop3A_66] {strides = array<i32>} : memref<8192xf32, #tpu.memory_space<vmem>>, vector<16xf32>,
          %parallel_loop3A_68 = tpu.vector_load_idx %arg11[%parallel_loop3A_59] : memref<50176xf32, #tpu.memory_space<vmem>>[vector<16xi32>], vector<16xf32>,
          %parallel_loop3A_69 = arith.mulf %parallel_loop3A_68, %parallel_loop3A_67 : vector<16xf32>
          tpu.vector_store_idx %arg12[%parallel_loop3A_63], %parallel_loop3A_69 {add = true} : memref<50176xf32, #tpu.memory_space<vmem>>[vector<16xi32>], vector<16xf32>,
        } {sc.loop_unroll_factor = 8 : i64, sc.parallel_access}
        %scan3A_54 = arith.constant 0 : i32
        scf.yield %scan3A_54 : i32
      }
      %scan3A_47 = arith.constant 100 : i32
    } else {
    }
    %lt3A_36 = arith.constant 8 : i32
    %lt3A_37 = arith.cmpi slt, %add3A, %lt3A_36 : i32
    %convert_element_type3A_38 = arith.extui %lt3A_37 : i1 to i32
    %cond3A_39 = arith.constant 0 : i32
    %cond3A_40 = arith.cmpi ne, %convert_element_type3A_38, %cond3A_39 : i32
    scf.if %cond3A_40 {
      "tpu.region"() ({
        %run_scoped3A = tpu.sem_alloc : memref<!tpu.dma_semaphore, #tpu.memory_space<semaphore_mem>>
        %dma_start3A = arith.constant 0 : i32
        %dma_start3A_41 = tpu.memref_slice %arg7[%add3A_28, %dma_start3A] : memref<104x50176xf32, #tpu.memory_space<hbm>> -> memref<1x50176xf32, #tpu.memory_space<hbm>>
        %dma_start3A_42 = tpu.memref_squeeze %dma_start3A_41 : memref<1x50176xf32, #tpu.memory_space<hbm>> -> memref<50176xf32, #tpu.memory_space<hbm>>
        %dma_start3A_43 = arith.constant 0 : i32
        %dma_start3A_44 = tpu.memref_slice %arg7[%add3A_28, %dma_start3A_43] : memref<104x50176xf32, #tpu.memory_space<hbm>> -> memref<1x50176xf32, #tpu.memory_space<hbm>>
        %dma_start3A_45 = tpu.memref_squeeze %dma_start3A_44 : memref<1x50176xf32, #tpu.memory_space<hbm>> -> memref<50176xf32, #tpu.memory_space<hbm>>
        tpu.enqueue_dma source(%arg12 : memref<50176xf32, #tpu.memory_space<vmem>>) target(%dma_start3A_45 : memref<50176xf32, #tpu.memory_space<hbm>>) target_semaphore(%run_scoped3A : memref<!tpu.dma_semaphore, #tpu.memory_space<semaphore_mem>>)
        %dma_wait3A = arith.constant 0 : i32
        %dma_wait3A_46 = tpu.memref_slice %arg7[%add3A_28, %dma_wait3A] : memref<104x50176xf32, #tpu.memory_space<hbm>> -> memref<1x50176xf32, #tpu.memory_space<hbm>>
        %dma_wait3A_47 = tpu.memref_squeeze %dma_wait3A_46 : memref<1x50176xf32, #tpu.memory_space<hbm>> -> memref<50176xf32, #tpu.memory_space<hbm>>
        %dma_wait3A_48 = arith.constant 0 : i32
        %dma_wait3A_49 = tpu.memref_slice %arg7[%add3A_28, %dma_wait3A_48] : memref<104x50176xf32, #tpu.memory_space<hbm>> -> memref<1x50176xf32, #tpu.memory_space<hbm>>
        %dma_wait3A_50 = tpu.memref_squeeze %dma_wait3A_49 : memref<1x50176xf32, #tpu.memory_space<hbm>> -> memref<50176xf32, #tpu.memory_space<hbm>>
        tpu.wait_dma2 semaphore(%run_scoped3A : memref<!tpu.dma_semaphore, #tpu.memory_space<semaphore_mem>>) src(%arg12 : memref<50176xf32, #tpu.memory_space<vmem>>) dst(%dma_wait3A_50 : memref<50176xf32, #tpu.memory_space<hbm>>)
        tpu.yield
      }) : () -> ()
    } else {
    }
    return
  }
}

#map = affine_map<(d0, d1) -> (0)>
#map1 = affine_map<(d0, d1) -> (0, 0)>
#map2 = affine_map<(d0, d1) -> (0, 0, 0)>
module attributes {stable_mosaic.version = 14 : i64} {
  func.func @_k4_body(%arg0: i32, %arg1: i32, %arg2: memref<819200xi32, #tpu.memory_space<hbm>>, %arg3: memref<819200xi32, #tpu.memory_space<hbm>>, %arg4: memref<819200xf32, #tpu.memory_space<hbm>>, %arg5: memref<3x50176xf32, #tpu.memory_space<hbm>>, %arg6: memref<50176xf32, #tpu.memory_space<hbm>>, %arg7: memref<3x32x50176xf32, #tpu.memory_space<hbm>>, %arg8: memref<6400xi32, #tpu.memory_space<vmem>>, %arg9: memref<6400xi32, #tpu.memory_space<vmem>>, %arg10: memref<6400xf32, #tpu.memory_space<vmem>>, %arg11: memref<50176xf32, #tpu.memory_space<vmem>>, %arg12: memref<50176xf32, #tpu.memory_space<vmem>>) attributes {dimension_semantics = [#tpu.dimension_semantics<core_parallel>, #tpu.dimension_semantics<subcore_parallel>], iteration_bounds = array<i64: 2, 16>, scalar_prefetch = 0 : i64, scratch_operands = 5 : i64, tpu.core_type = #tpu.core_type<sc_vector_subcore>, window_params = [{transform_indices = #map}, {transform_indices = #map}, {transform_indices = #map}, {transform_indices = #map1}, {transform_indices = #map}, {transform_indices = #map2}]} {
    %mul3A = arith.constant 2 : i32
    %mul3A_0 = arith.muli %arg1, %mul3A : i32
    %add3A = arith.addi %mul3A_0, %arg0 : i32
    %mul3A_1 = arith.constant 25600 : i32
    %mul3A_2 = arith.muli %add3A, %mul3A_1 : i32
    %run_scoped3A = arith.constant 0 : i32
    "tpu.region"() ({
      %run_scoped3A_28 = tpu.sem_alloc : memref<!tpu.dma_semaphore, #tpu.memory_space<semaphore_mem>>
      %dma_start3A = arith.constant 0 : i32
      %dma_start3A_29 = tpu.memref_slice %arg5[%run_scoped3A, %dma_start3A] : memref<3x50176xf32, #tpu.memory_space<hbm>> -> memref<1x50176xf32, #tpu.memory_space<hbm>>
      %dma_start3A_30 = tpu.memref_squeeze %dma_start3A_29 : memref<1x50176xf32, #tpu.memory_space<hbm>> -> memref<50176xf32, #tpu.memory_space<hbm>>
      %dma_start3A_31 = arith.constant 0 : i32
      %dma_start3A_32 = tpu.memref_slice %arg5[%run_scoped3A, %dma_start3A_31] : memref<3x50176xf32, #tpu.memory_space<hbm>> -> memref<1x50176xf32, #tpu.memory_space<hbm>>
      %dma_start3A_33 = tpu.memref_squeeze %dma_start3A_32 : memref<1x50176xf32, #tpu.memory_space<hbm>> -> memref<50176xf32, #tpu.memory_space<hbm>>
      tpu.enqueue_dma source(%dma_start3A_33 : memref<50176xf32, #tpu.memory_space<hbm>>) target(%arg11 : memref<50176xf32, #tpu.memory_space<vmem>>) target_semaphore(%run_scoped3A_28 : memref<!tpu.dma_semaphore, #tpu.memory_space<semaphore_mem>>)
      %dma_wait3A = arith.constant 0 : i32
      %dma_wait3A_34 = tpu.memref_slice %arg5[%run_scoped3A, %dma_wait3A] : memref<3x50176xf32, #tpu.memory_space<hbm>> -> memref<1x50176xf32, #tpu.memory_space<hbm>>
      %dma_wait3A_35 = tpu.memref_squeeze %dma_wait3A_34 : memref<1x50176xf32, #tpu.memory_space<hbm>> -> memref<50176xf32, #tpu.memory_space<hbm>>
      %dma_wait3A_36 = arith.constant 0 : i32
      %dma_wait3A_37 = tpu.memref_slice %arg5[%run_scoped3A, %dma_wait3A_36] : memref<3x50176xf32, #tpu.memory_space<hbm>> -> memref<1x50176xf32, #tpu.memory_space<hbm>>
      %dma_wait3A_38 = tpu.memref_squeeze %dma_wait3A_37 : memref<1x50176xf32, #tpu.memory_space<hbm>> -> memref<50176xf32, #tpu.memory_space<hbm>>
      tpu.wait_dma2 semaphore(%run_scoped3A_28 : memref<!tpu.dma_semaphore, #tpu.memory_space<semaphore_mem>>) src(%dma_wait3A_38 : memref<50176xf32, #tpu.memory_space<hbm>>) dst(%arg11 : memref<50176xf32, #tpu.memory_space<vmem>>)
      tpu.yield
    }) : () -> ()
    "tpu.region"() ({
      %run_scoped3A_28 = tpu.sem_alloc : memref<!tpu.dma_semaphore, #tpu.memory_space<semaphore_mem>>
      tpu.enqueue_dma source(%arg6 : memref<50176xf32, #tpu.memory_space<hbm>>) target(%arg12 : memref<50176xf32, #tpu.memory_space<vmem>>) target_semaphore(%run_scoped3A_28 : memref<!tpu.dma_semaphore, #tpu.memory_space<semaphore_mem>>)
      tpu.wait_dma2 semaphore(%run_scoped3A_28 : memref<!tpu.dma_semaphore, #tpu.memory_space<semaphore_mem>>) src(%arg6 : memref<50176xf32, #tpu.memory_space<hbm>>) dst(%arg12 : memref<50176xf32, #tpu.memory_space<vmem>>)
      tpu.yield
    }) : () -> ()
    %scan3A = arith.constant 0 : i32
    %scan3A_3 = arith.constant 0 : i32
    %scan3A_4 = arith.constant 4 : i32
    %scan3A_5 = arith.addi %scan3A_3, %scan3A_4 : i32
    %scan3A_6 = arith.constant 1 : i32
    %scan3A_7 = scf.for %scan3A_28 = %scan3A_3 to %scan3A_5 step %scan3A_6 iter_args(%scan3A_29 = %scan3A) -> (i32)  : i32 {
      %mul3A_30 = arith.constant 6400 : i32
      %mul3A_31 = arith.muli %scan3A_28, %mul3A_30 : i32
      %add3A_32 = arith.addi %mul3A_2, %mul3A_31 : i32
      "tpu.region"() ({
        %run_scoped3A_41 = tpu.sem_alloc : memref<!tpu.dma_semaphore, #tpu.memory_space<semaphore_mem>>
        %dma_start3A = tpu.memref_slice %arg2[%add3A_32] : memref<819200xi32, #tpu.memory_space<hbm>> -> memref<6400xi32, #tpu.memory_space<hbm>>
        %dma_start3A_42 = tpu.memref_slice %arg2[%add3A_32] : memref<819200xi32, #tpu.memory_space<hbm>> -> memref<6400xi32, #tpu.memory_space<hbm>>
        tpu.enqueue_dma source(%dma_start3A_42 : memref<6400xi32, #tpu.memory_space<hbm>>) target(%arg8 : memref<6400xi32, #tpu.memory_space<vmem>>) target_semaphore(%run_scoped3A_41 : memref<!tpu.dma_semaphore, #tpu.memory_space<semaphore_mem>>)
        %dma_wait3A = tpu.memref_slice %arg2[%add3A_32] : memref<819200xi32, #tpu.memory_space<hbm>> -> memref<6400xi32, #tpu.memory_space<hbm>>
        %dma_wait3A_43 = tpu.memref_slice %arg2[%add3A_32] : memref<819200xi32, #tpu.memory_space<hbm>> -> memref<6400xi32, #tpu.memory_space<hbm>>
        tpu.wait_dma2 semaphore(%run_scoped3A_41 : memref<!tpu.dma_semaphore, #tpu.memory_space<semaphore_mem>>) src(%dma_wait3A_43 : memref<6400xi32, #tpu.memory_space<hbm>>) dst(%arg8 : memref<6400xi32, #tpu.memory_space<vmem>>)
        tpu.yield
      }) : () -> ()
      "tpu.region"() ({
        %run_scoped3A_41 = tpu.sem_alloc : memref<!tpu.dma_semaphore, #tpu.memory_space<semaphore_mem>>
        %dma_start3A = tpu.memref_slice %arg3[%add3A_32] : memref<819200xi32, #tpu.memory_space<hbm>> -> memref<6400xi32, #tpu.memory_space<hbm>>
        %dma_start3A_42 = tpu.memref_slice %arg3[%add3A_32] : memref<819200xi32, #tpu.memory_space<hbm>> -> memref<6400xi32, #tpu.memory_space<hbm>>
        tpu.enqueue_dma source(%dma_start3A_42 : memref<6400xi32, #tpu.memory_space<hbm>>) target(%arg9 : memref<6400xi32, #tpu.memory_space<vmem>>) target_semaphore(%run_scoped3A_41 : memref<!tpu.dma_semaphore, #tpu.memory_space<semaphore_mem>>)
        %dma_wait3A = tpu.memref_slice %arg3[%add3A_32] : memref<819200xi32, #tpu.memory_space<hbm>> -> memref<6400xi32, #tpu.memory_space<hbm>>
        %dma_wait3A_43 = tpu.memref_slice %arg3[%add3A_32] : memref<819200xi32, #tpu.memory_space<hbm>> -> memref<6400xi32, #tpu.memory_space<hbm>>
        tpu.wait_dma2 semaphore(%run_scoped3A_41 : memref<!tpu.dma_semaphore, #tpu.memory_space<semaphore_mem>>) src(%dma_wait3A_43 : memref<6400xi32, #tpu.memory_space<hbm>>) dst(%arg9 : memref<6400xi32, #tpu.memory_space<vmem>>)
        tpu.yield
      }) : () -> ()
      "tpu.region"() ({
        %run_scoped3A_41 = tpu.sem_alloc : memref<!tpu.dma_semaphore, #tpu.memory_space<semaphore_mem>>
        %dma_start3A = tpu.memref_slice %arg4[%add3A_32] : memref<819200xf32, #tpu.memory_space<hbm>> -> memref<6400xf32, #tpu.memory_space<hbm>>
        %dma_start3A_42 = tpu.memref_slice %arg4[%add3A_32] : memref<819200xf32, #tpu.memory_space<hbm>> -> memref<6400xf32, #tpu.memory_space<hbm>>
        tpu.enqueue_dma source(%dma_start3A_42 : memref<6400xf32, #tpu.memory_space<hbm>>) target(%arg10 : memref<6400xf32, #tpu.memory_space<vmem>>) target_semaphore(%run_scoped3A_41 : memref<!tpu.dma_semaphore, #tpu.memory_space<semaphore_mem>>)
        %dma_wait3A = tpu.memref_slice %arg4[%add3A_32] : memref<819200xf32, #tpu.memory_space<hbm>> -> memref<6400xf32, #tpu.memory_space<hbm>>
        %dma_wait3A_43 = tpu.memref_slice %arg4[%add3A_32] : memref<819200xf32, #tpu.memory_space<hbm>> -> memref<6400xf32, #tpu.memory_space<hbm>>
        tpu.wait_dma2 semaphore(%run_scoped3A_41 : memref<!tpu.dma_semaphore, #tpu.memory_space<semaphore_mem>>) src(%dma_wait3A_43 : memref<6400xf32, #tpu.memory_space<hbm>>) dst(%arg10 : memref<6400xf32, #tpu.memory_space<vmem>>)
        tpu.yield
      }) : () -> ()
      %scan3A_33 = arith.constant 0 : i32
      %scan3A_34 = arith.constant 0 : i32
      %scan3A_35 = arith.constant 400 : i32
      %scan3A_36 = arith.addi %scan3A_34, %scan3A_35 : i32
      %scan3A_37 = arith.constant 1 : i32
      %scan3A_38 = scf.for %scan3A_41 = %scan3A_34 to %scan3A_36 step %scan3A_37 iter_args(%scan3A_42 = %scan3A_33) -> (i32)  : i32 {
        %mul3A_43 = arith.constant 16 : i32
        %mul3A_44 = arith.muli %scan3A_41, %mul3A_43 : i32
        %get3A = arith.index_cast %mul3A_44 : i32 to index
        %get3A_45 = tpu.vector_load %arg8[%get3A] {strides = array<i32>} : memref<6400xi32, #tpu.memory_space<vmem>>, vector<16xi32>,
        %mul3A_46 = arith.constant 16 : i32
        %mul3A_47 = arith.muli %scan3A_41, %mul3A_46 : i32
        %get3A_48 = arith.index_cast %mul3A_47 : i32 to index
        %get3A_49 = tpu.vector_load %arg9[%get3A_48] {strides = array<i32>} : memref<6400xi32, #tpu.memory_space<vmem>>, vector<16xi32>,
        %mul3A_50 = arith.constant 16 : i32
        %mul3A_51 = arith.muli %scan3A_41, %mul3A_50 : i32
        %get3A_52 = arith.index_cast %mul3A_51 : i32 to index
        %get3A_53 = tpu.vector_load %arg10[%get3A_52] {strides = array<i32>} : memref<6400xf32, #tpu.memory_space<vmem>>, vector<16xf32>,
        %gather3A = tpu.vector_load_idx %arg11[%get3A_45] : memref<50176xf32, #tpu.memory_space<vmem>>[vector<16xi32>], vector<16xf32>,
        %mul3A_54 = arith.mulf %gather3A, %get3A_53 : vector<16xf32>
        tpu.vector_store_idx %arg12[%get3A_49], %mul3A_54 {add = true} : memref<50176xf32, #tpu.memory_space<vmem>>[vector<16xi32>], vector<16xf32>,
        %scan3A_55 = arith.constant 0 : i32
        scf.yield %scan3A_55 : i32
      }
      %scan3A_39 = arith.constant 400 : i32
      %scan3A_40 = arith.constant 0 : i32
      scf.yield %scan3A_40 : i32
    }
    %scan3A_8 = arith.constant 4 : i32
    %run_scoped3A_9 = arith.constant 0 : i32
    "tpu.region"() ({
      %run_scoped3A_28 = tpu.sem_alloc : memref<!tpu.dma_semaphore, #tpu.memory_space<semaphore_mem>>
      %dma_start3A = arith.constant 0 : i32
      %dma_start3A_29 = tpu.memref_slice %arg7[%run_scoped3A_9, %add3A, %dma_start3A] : memref<3x32x50176xf32, #tpu.memory_space<hbm>> -> memref<1x1x50176xf32, #tpu.memory_space<hbm>>
      %dma_start3A_30 = tpu.memref_squeeze %dma_start3A_29 : memref<1x1x50176xf32, #tpu.memory_space<hbm>> -> memref<50176xf32, #tpu.memory_space<hbm>>
      %dma_start3A_31 = arith.constant 0 : i32
      %dma_start3A_32 = tpu.memref_slice %arg7[%run_scoped3A_9, %add3A, %dma_start3A_31] : memref<3x32x50176xf32, #tpu.memory_space<hbm>> -> memref<1x1x50176xf32, #tpu.memory_space<hbm>>
      %dma_start3A_33 = tpu.memref_squeeze %dma_start3A_32 : memref<1x1x50176xf32, #tpu.memory_space<hbm>> -> memref<50176xf32, #tpu.memory_space<hbm>>
      tpu.enqueue_dma source(%arg12 : memref<50176xf32, #tpu.memory_space<vmem>>) target(%dma_start3A_33 : memref<50176xf32, #tpu.memory_space<hbm>>) target_semaphore(%run_scoped3A_28 : memref<!tpu.dma_semaphore, #tpu.memory_space<semaphore_mem>>)
      %dma_wait3A = arith.constant 0 : i32
      %dma_wait3A_34 = tpu.memref_slice %arg7[%run_scoped3A_9, %add3A, %dma_wait3A] : memref<3x32x50176xf32, #tpu.memory_space<hbm>> -> memref<1x1x50176xf32, #tpu.memory_space<hbm>>
      %dma_wait3A_35 = tpu.memref_squeeze %dma_wait3A_34 : memref<1x1x50176xf32, #tpu.memory_space<hbm>> -> memref<50176xf32, #tpu.memory_space<hbm>>
      %dma_wait3A_36 = arith.constant 0 : i32
      %dma_wait3A_37 = tpu.memref_slice %arg7[%run_scoped3A_9, %add3A, %dma_wait3A_36] : memref<3x32x50176xf32, #tpu.memory_space<hbm>> -> memref<1x1x50176xf32, #tpu.memory_space<hbm>>
      %dma_wait3A_38 = tpu.memref_squeeze %dma_wait3A_37 : memref<1x1x50176xf32, #tpu.memory_space<hbm>> -> memref<50176xf32, #tpu.memory_space<hbm>>
      tpu.wait_dma2 semaphore(%run_scoped3A_28 : memref<!tpu.dma_semaphore, #tpu.memory_space<semaphore_mem>>) src(%arg12 : memref<50176xf32, #tpu.memory_space<vmem>>) dst(%dma_wait3A_38 : memref<50176xf32, #tpu.memory_space<hbm>>)
      tpu.yield
    }) : () -> ()
    %run_scoped3A_10 = arith.constant 1 : i32
    "tpu.region"() ({
      %run_scoped3A_28 = tpu.sem_alloc : memref<!tpu.dma_semaphore, #tpu.memory_space<semaphore_mem>>
      %dma_start3A = arith.constant 0 : i32
      %dma_start3A_29 = tpu.memref_slice %arg5[%run_scoped3A_10, %dma_start3A] : memref<3x50176xf32, #tpu.memory_space<hbm>> -> memref<1x50176xf32, #tpu.memory_space<hbm>>
      %dma_start3A_30 = tpu.memref_squeeze %dma_start3A_29 : memref<1x50176xf32, #tpu.memory_space<hbm>> -> memref<50176xf32, #tpu.memory_space<hbm>>
      %dma_start3A_31 = arith.constant 0 : i32
      %dma_start3A_32 = tpu.memref_slice %arg5[%run_scoped3A_10, %dma_start3A_31] : memref<3x50176xf32, #tpu.memory_space<hbm>> -> memref<1x50176xf32, #tpu.memory_space<hbm>>
      %dma_start3A_33 = tpu.memref_squeeze %dma_start3A_32 : memref<1x50176xf32, #tpu.memory_space<hbm>> -> memref<50176xf32, #tpu.memory_space<hbm>>
      tpu.enqueue_dma source(%dma_start3A_33 : memref<50176xf32, #tpu.memory_space<hbm>>) target(%arg11 : memref<50176xf32, #tpu.memory_space<vmem>>) target_semaphore(%run_scoped3A_28 : memref<!tpu.dma_semaphore, #tpu.memory_space<semaphore_mem>>)
      %dma_wait3A = arith.constant 0 : i32
      %dma_wait3A_34 = tpu.memref_slice %arg5[%run_scoped3A_10, %dma_wait3A] : memref<3x50176xf32, #tpu.memory_space<hbm>> -> memref<1x50176xf32, #tpu.memory_space<hbm>>
      %dma_wait3A_35 = tpu.memref_squeeze %dma_wait3A_34 : memref<1x50176xf32, #tpu.memory_space<hbm>> -> memref<50176xf32, #tpu.memory_space<hbm>>
      %dma_wait3A_36 = arith.constant 0 : i32
      %dma_wait3A_37 = tpu.memref_slice %arg5[%run_scoped3A_10, %dma_wait3A_36] : memref<3x50176xf32, #tpu.memory_space<hbm>> -> memref<1x50176xf32, #tpu.memory_space<hbm>>
      %dma_wait3A_38 = tpu.memref_squeeze %dma_wait3A_37 : memref<1x50176xf32, #tpu.memory_space<hbm>> -> memref<50176xf32, #tpu.memory_space<hbm>>
      tpu.wait_dma2 semaphore(%run_scoped3A_28 : memref<!tpu.dma_semaphore, #tpu.memory_space<semaphore_mem>>) src(%dma_wait3A_38 : memref<50176xf32, #tpu.memory_space<hbm>>) dst(%arg11 : memref<50176xf32, #tpu.memory_space<vmem>>)
      tpu.yield
    }) : () -> ()
    "tpu.region"() ({
      %run_scoped3A_28 = tpu.sem_alloc : memref<!tpu.dma_semaphore, #tpu.memory_space<semaphore_mem>>
      tpu.enqueue_dma source(%arg6 : memref<50176xf32, #tpu.memory_space<hbm>>) target(%arg12 : memref<50176xf32, #tpu.memory_space<vmem>>) target_semaphore(%run_scoped3A_28 : memref<!tpu.dma_semaphore, #tpu.memory_space<semaphore_mem>>)
      tpu.wait_dma2 semaphore(%run_scoped3A_28 : memref<!tpu.dma_semaphore, #tpu.memory_space<semaphore_mem>>) src(%arg6 : memref<50176xf32, #tpu.memory_space<hbm>>) dst(%arg12 : memref<50176xf32, #tpu.memory_space<vmem>>)
      tpu.yield
    }) : () -> ()
    %scan3A_11 = arith.constant 0 : i32
    %scan3A_12 = arith.constant 0 : i32
    %scan3A_13 = arith.constant 4 : i32
    %scan3A_14 = arith.addi %scan3A_12, %scan3A_13 : i32
    %scan3A_15 = arith.constant 1 : i32
    %scan3A_16 = scf.for %scan3A_28 = %scan3A_12 to %scan3A_14 step %scan3A_15 iter_args(%scan3A_29 = %scan3A_11) -> (i32)  : i32 {
      %mul3A_30 = arith.constant 6400 : i32
      %mul3A_31 = arith.muli %scan3A_28, %mul3A_30 : i32
      %add3A_32 = arith.addi %mul3A_2, %mul3A_31 : i32
      "tpu.region"() ({
        %run_scoped3A_41 = tpu.sem_alloc : memref<!tpu.dma_semaphore, #tpu.memory_space<semaphore_mem>>
        %dma_start3A = tpu.memref_slice %arg2[%add3A_32] : memref<819200xi32, #tpu.memory_space<hbm>> -> memref<6400xi32, #tpu.memory_space<hbm>>
        %dma_start3A_42 = tpu.memref_slice %arg2[%add3A_32] : memref<819200xi32, #tpu.memory_space<hbm>> -> memref<6400xi32, #tpu.memory_space<hbm>>
        tpu.enqueue_dma source(%dma_start3A_42 : memref<6400xi32, #tpu.memory_space<hbm>>) target(%arg8 : memref<6400xi32, #tpu.memory_space<vmem>>) target_semaphore(%run_scoped3A_41 : memref<!tpu.dma_semaphore, #tpu.memory_space<semaphore_mem>>)
        %dma_wait3A = tpu.memref_slice %arg2[%add3A_32] : memref<819200xi32, #tpu.memory_space<hbm>> -> memref<6400xi32, #tpu.memory_space<hbm>>
        %dma_wait3A_43 = tpu.memref_slice %arg2[%add3A_32] : memref<819200xi32, #tpu.memory_space<hbm>> -> memref<6400xi32, #tpu.memory_space<hbm>>
        tpu.wait_dma2 semaphore(%run_scoped3A_41 : memref<!tpu.dma_semaphore, #tpu.memory_space<semaphore_mem>>) src(%dma_wait3A_43 : memref<6400xi32, #tpu.memory_space<hbm>>) dst(%arg8 : memref<6400xi32, #tpu.memory_space<vmem>>)
        tpu.yield
      }) : () -> ()
      "tpu.region"() ({
        %run_scoped3A_41 = tpu.sem_alloc : memref<!tpu.dma_semaphore, #tpu.memory_space<semaphore_mem>>
        %dma_start3A = tpu.memref_slice %arg3[%add3A_32] : memref<819200xi32, #tpu.memory_space<hbm>> -> memref<6400xi32, #tpu.memory_space<hbm>>
        %dma_start3A_42 = tpu.memref_slice %arg3[%add3A_32] : memref<819200xi32, #tpu.memory_space<hbm>> -> memref<6400xi32, #tpu.memory_space<hbm>>
        tpu.enqueue_dma source(%dma_start3A_42 : memref<6400xi32, #tpu.memory_space<hbm>>) target(%arg9 : memref<6400xi32, #tpu.memory_space<vmem>>) target_semaphore(%run_scoped3A_41 : memref<!tpu.dma_semaphore, #tpu.memory_space<semaphore_mem>>)
        %dma_wait3A = tpu.memref_slice %arg3[%add3A_32] : memref<819200xi32, #tpu.memory_space<hbm>> -> memref<6400xi32, #tpu.memory_space<hbm>>
        %dma_wait3A_43 = tpu.memref_slice %arg3[%add3A_32] : memref<819200xi32, #tpu.memory_space<hbm>> -> memref<6400xi32, #tpu.memory_space<hbm>>
        tpu.wait_dma2 semaphore(%run_scoped3A_41 : memref<!tpu.dma_semaphore, #tpu.memory_space<semaphore_mem>>) src(%dma_wait3A_43 : memref<6400xi32, #tpu.memory_space<hbm>>) dst(%arg9 : memref<6400xi32, #tpu.memory_space<vmem>>)
        tpu.yield
      }) : () -> ()
      "tpu.region"() ({
        %run_scoped3A_41 = tpu.sem_alloc : memref<!tpu.dma_semaphore, #tpu.memory_space<semaphore_mem>>
        %dma_start3A = tpu.memref_slice %arg4[%add3A_32] : memref<819200xf32, #tpu.memory_space<hbm>> -> memref<6400xf32, #tpu.memory_space<hbm>>
        %dma_start3A_42 = tpu.memref_slice %arg4[%add3A_32] : memref<819200xf32, #tpu.memory_space<hbm>> -> memref<6400xf32, #tpu.memory_space<hbm>>
        tpu.enqueue_dma source(%dma_start3A_42 : memref<6400xf32, #tpu.memory_space<hbm>>) target(%arg10 : memref<6400xf32, #tpu.memory_space<vmem>>) target_semaphore(%run_scoped3A_41 : memref<!tpu.dma_semaphore, #tpu.memory_space<semaphore_mem>>)
        %dma_wait3A = tpu.memref_slice %arg4[%add3A_32] : memref<819200xf32, #tpu.memory_space<hbm>> -> memref<6400xf32, #tpu.memory_space<hbm>>
        %dma_wait3A_43 = tpu.memref_slice %arg4[%add3A_32] : memref<819200xf32, #tpu.memory_space<hbm>> -> memref<6400xf32, #tpu.memory_space<hbm>>
        tpu.wait_dma2 semaphore(%run_scoped3A_41 : memref<!tpu.dma_semaphore, #tpu.memory_space<semaphore_mem>>) src(%dma_wait3A_43 : memref<6400xf32, #tpu.memory_space<hbm>>) dst(%arg10 : memref<6400xf32, #tpu.memory_space<vmem>>)
        tpu.yield
      }) : () -> ()
      %scan3A_33 = arith.constant 0 : i32
      %scan3A_34 = arith.constant 0 : i32
      %scan3A_35 = arith.constant 400 : i32
      %scan3A_36 = arith.addi %scan3A_34, %scan3A_35 : i32
      %scan3A_37 = arith.constant 1 : i32
      %scan3A_38 = scf.for %scan3A_41 = %scan3A_34 to %scan3A_36 step %scan3A_37 iter_args(%scan3A_42 = %scan3A_33) -> (i32)  : i32 {
        %mul3A_43 = arith.constant 16 : i32
        %mul3A_44 = arith.muli %scan3A_41, %mul3A_43 : i32
        %get3A = arith.index_cast %mul3A_44 : i32 to index
        %get3A_45 = tpu.vector_load %arg8[%get3A] {strides = array<i32>} : memref<6400xi32, #tpu.memory_space<vmem>>, vector<16xi32>,
        %mul3A_46 = arith.constant 16 : i32
        %mul3A_47 = arith.muli %scan3A_41, %mul3A_46 : i32
        %get3A_48 = arith.index_cast %mul3A_47 : i32 to index
        %get3A_49 = tpu.vector_load %arg9[%get3A_48] {strides = array<i32>} : memref<6400xi32, #tpu.memory_space<vmem>>, vector<16xi32>,
        %mul3A_50 = arith.constant 16 : i32
        %mul3A_51 = arith.muli %scan3A_41, %mul3A_50 : i32
        %get3A_52 = arith.index_cast %mul3A_51 : i32 to index
        %get3A_53 = tpu.vector_load %arg10[%get3A_52] {strides = array<i32>} : memref<6400xf32, #tpu.memory_space<vmem>>, vector<16xf32>,
        %gather3A = tpu.vector_load_idx %arg11[%get3A_45] : memref<50176xf32, #tpu.memory_space<vmem>>[vector<16xi32>], vector<16xf32>,
        %mul3A_54 = arith.mulf %gather3A, %get3A_53 : vector<16xf32>
        tpu.vector_store_idx %arg12[%get3A_49], %mul3A_54 {add = true} : memref<50176xf32, #tpu.memory_space<vmem>>[vector<16xi32>], vector<16xf32>,
        %scan3A_55 = arith.constant 0 : i32
        scf.yield %scan3A_55 : i32
      }
      %scan3A_39 = arith.constant 400 : i32
      %scan3A_40 = arith.constant 0 : i32
      scf.yield %scan3A_40 : i32
    }
    %scan3A_17 = arith.constant 4 : i32
    %run_scoped3A_18 = arith.constant 1 : i32
    "tpu.region"() ({
      %run_scoped3A_28 = tpu.sem_alloc : memref<!tpu.dma_semaphore, #tpu.memory_space<semaphore_mem>>
      %dma_start3A = arith.constant 0 : i32
      %dma_start3A_29 = tpu.memref_slice %arg7[%run_scoped3A_18, %add3A, %dma_start3A] : memref<3x32x50176xf32, #tpu.memory_space<hbm>> -> memref<1x1x50176xf32, #tpu.memory_space<hbm>>
      %dma_start3A_30 = tpu.memref_squeeze %dma_start3A_29 : memref<1x1x50176xf32, #tpu.memory_space<hbm>> -> memref<50176xf32, #tpu.memory_space<hbm>>
      %dma_start3A_31 = arith.constant 0 : i32
      %dma_start3A_32 = tpu.memref_slice %arg7[%run_scoped3A_18, %add3A, %dma_start3A_31] : memref<3x32x50176xf32, #tpu.memory_space<hbm>> -> memref<1x1x50176xf32, #tpu.memory_space<hbm>>
      %dma_start3A_33 = tpu.memref_squeeze %dma_start3A_32 : memref<1x1x50176xf32, #tpu.memory_space<hbm>> -> memref<50176xf32, #tpu.memory_space<hbm>>
      tpu.enqueue_dma source(%arg12 : memref<50176xf32, #tpu.memory_space<vmem>>) target(%dma_start3A_33 : memref<50176xf32, #tpu.memory_space<hbm>>) target_semaphore(%run_scoped3A_28 : memref<!tpu.dma_semaphore, #tpu.memory_space<semaphore_mem>>)
      %dma_wait3A = arith.constant 0 : i32
      %dma_wait3A_34 = tpu.memref_slice %arg7[%run_scoped3A_18, %add3A, %dma_wait3A] : memref<3x32x50176xf32, #tpu.memory_space<hbm>> -> memref<1x1x50176xf32, #tpu.memory_space<hbm>>
      %dma_wait3A_35 = tpu.memref_squeeze %dma_wait3A_34 : memref<1x1x50176xf32, #tpu.memory_space<hbm>> -> memref<50176xf32, #tpu.memory_space<hbm>>
      %dma_wait3A_36 = arith.constant 0 : i32
      %dma_wait3A_37 = tpu.memref_slice %arg7[%run_scoped3A_18, %add3A, %dma_wait3A_36] : memref<3x32x50176xf32, #tpu.memory_space<hbm>> -> memref<1x1x50176xf32, #tpu.memory_space<hbm>>
      %dma_wait3A_38 = tpu.memref_squeeze %dma_wait3A_37 : memref<1x1x50176xf32, #tpu.memory_space<hbm>> -> memref<50176xf32, #tpu.memory_space<hbm>>
      tpu.wait_dma2 semaphore(%run_scoped3A_28 : memref<!tpu.dma_semaphore, #tpu.memory_space<semaphore_mem>>) src(%arg12 : memref<50176xf32, #tpu.memory_space<vmem>>) dst(%dma_wait3A_38 : memref<50176xf32, #tpu.memory_space<hbm>>)
      tpu.yield
    }) : () -> ()
    %run_scoped3A_19 = arith.constant 2 : i32
    "tpu.region"() ({
      %run_scoped3A_28 = tpu.sem_alloc : memref<!tpu.dma_semaphore, #tpu.memory_space<semaphore_mem>>
      %dma_start3A = arith.constant 0 : i32
      %dma_start3A_29 = tpu.memref_slice %arg5[%run_scoped3A_19, %dma_start3A] : memref<3x50176xf32, #tpu.memory_space<hbm>> -> memref<1x50176xf32, #tpu.memory_space<hbm>>
      %dma_start3A_30 = tpu.memref_squeeze %dma_start3A_29 : memref<1x50176xf32, #tpu.memory_space<hbm>> -> memref<50176xf32, #tpu.memory_space<hbm>>
      %dma_start3A_31 = arith.constant 0 : i32
      %dma_start3A_32 = tpu.memref_slice %arg5[%run_scoped3A_19, %dma_start3A_31] : memref<3x50176xf32, #tpu.memory_space<hbm>> -> memref<1x50176xf32, #tpu.memory_space<hbm>>
      %dma_start3A_33 = tpu.memref_squeeze %dma_start3A_32 : memref<1x50176xf32, #tpu.memory_space<hbm>> -> memref<50176xf32, #tpu.memory_space<hbm>>
      tpu.enqueue_dma source(%dma_start3A_33 : memref<50176xf32, #tpu.memory_space<hbm>>) target(%arg11 : memref<50176xf32, #tpu.memory_space<vmem>>) target_semaphore(%run_scoped3A_28 : memref<!tpu.dma_semaphore, #tpu.memory_space<semaphore_mem>>)
      %dma_wait3A = arith.constant 0 : i32
      %dma_wait3A_34 = tpu.memref_slice %arg5[%run_scoped3A_19, %dma_wait3A] : memref<3x50176xf32, #tpu.memory_space<hbm>> -> memref<1x50176xf32, #tpu.memory_space<hbm>>
      %dma_wait3A_35 = tpu.memref_squeeze %dma_wait3A_34 : memref<1x50176xf32, #tpu.memory_space<hbm>> -> memref<50176xf32, #tpu.memory_space<hbm>>
      %dma_wait3A_36 = arith.constant 0 : i32
      %dma_wait3A_37 = tpu.memref_slice %arg5[%run_scoped3A_19, %dma_wait3A_36] : memref<3x50176xf32, #tpu.memory_space<hbm>> -> memref<1x50176xf32, #tpu.memory_space<hbm>>
      %dma_wait3A_38 = tpu.memref_squeeze %dma_wait3A_37 : memref<1x50176xf32, #tpu.memory_space<hbm>> -> memref<50176xf32, #tpu.memory_space<hbm>>
      tpu.wait_dma2 semaphore(%run_scoped3A_28 : memref<!tpu.dma_semaphore, #tpu.memory_space<semaphore_mem>>) src(%dma_wait3A_38 : memref<50176xf32, #tpu.memory_space<hbm>>) dst(%arg11 : memref<50176xf32, #tpu.memory_space<vmem>>)
      tpu.yield
    }) : () -> ()
    "tpu.region"() ({
      %run_scoped3A_28 = tpu.sem_alloc : memref<!tpu.dma_semaphore, #tpu.memory_space<semaphore_mem>>
      tpu.enqueue_dma source(%arg6 : memref<50176xf32, #tpu.memory_space<hbm>>) target(%arg12 : memref<50176xf32, #tpu.memory_space<vmem>>) target_semaphore(%run_scoped3A_28 : memref<!tpu.dma_semaphore, #tpu.memory_space<semaphore_mem>>)
      tpu.wait_dma2 semaphore(%run_scoped3A_28 : memref<!tpu.dma_semaphore, #tpu.memory_space<semaphore_mem>>) src(%arg6 : memref<50176xf32, #tpu.memory_space<hbm>>) dst(%arg12 : memref<50176xf32, #tpu.memory_space<vmem>>)
      tpu.yield
    }) : () -> ()
    %scan3A_20 = arith.constant 0 : i32
    %scan3A_21 = arith.constant 0 : i32
    %scan3A_22 = arith.constant 4 : i32
    %scan3A_23 = arith.addi %scan3A_21, %scan3A_22 : i32
    %scan3A_24 = arith.constant 1 : i32
    %scan3A_25 = scf.for %scan3A_28 = %scan3A_21 to %scan3A_23 step %scan3A_24 iter_args(%scan3A_29 = %scan3A_20) -> (i32)  : i32 {
      %mul3A_30 = arith.constant 6400 : i32
      %mul3A_31 = arith.muli %scan3A_28, %mul3A_30 : i32
      %add3A_32 = arith.addi %mul3A_2, %mul3A_31 : i32
      "tpu.region"() ({
        %run_scoped3A_41 = tpu.sem_alloc : memref<!tpu.dma_semaphore, #tpu.memory_space<semaphore_mem>>
        %dma_start3A = tpu.memref_slice %arg2[%add3A_32] : memref<819200xi32, #tpu.memory_space<hbm>> -> memref<6400xi32, #tpu.memory_space<hbm>>
        %dma_start3A_42 = tpu.memref_slice %arg2[%add3A_32] : memref<819200xi32, #tpu.memory_space<hbm>> -> memref<6400xi32, #tpu.memory_space<hbm>>
        tpu.enqueue_dma source(%dma_start3A_42 : memref<6400xi32, #tpu.memory_space<hbm>>) target(%arg8 : memref<6400xi32, #tpu.memory_space<vmem>>) target_semaphore(%run_scoped3A_41 : memref<!tpu.dma_semaphore, #tpu.memory_space<semaphore_mem>>)
        %dma_wait3A = tpu.memref_slice %arg2[%add3A_32] : memref<819200xi32, #tpu.memory_space<hbm>> -> memref<6400xi32, #tpu.memory_space<hbm>>
        %dma_wait3A_43 = tpu.memref_slice %arg2[%add3A_32] : memref<819200xi32, #tpu.memory_space<hbm>> -> memref<6400xi32, #tpu.memory_space<hbm>>
        tpu.wait_dma2 semaphore(%run_scoped3A_41 : memref<!tpu.dma_semaphore, #tpu.memory_space<semaphore_mem>>) src(%dma_wait3A_43 : memref<6400xi32, #tpu.memory_space<hbm>>) dst(%arg8 : memref<6400xi32, #tpu.memory_space<vmem>>)
        tpu.yield
      }) : () -> ()
      "tpu.region"() ({
        %run_scoped3A_41 = tpu.sem_alloc : memref<!tpu.dma_semaphore, #tpu.memory_space<semaphore_mem>>
        %dma_start3A = tpu.memref_slice %arg3[%add3A_32] : memref<819200xi32, #tpu.memory_space<hbm>> -> memref<6400xi32, #tpu.memory_space<hbm>>
        %dma_start3A_42 = tpu.memref_slice %arg3[%add3A_32] : memref<819200xi32, #tpu.memory_space<hbm>> -> memref<6400xi32, #tpu.memory_space<hbm>>
        tpu.enqueue_dma source(%dma_start3A_42 : memref<6400xi32, #tpu.memory_space<hbm>>) target(%arg9 : memref<6400xi32, #tpu.memory_space<vmem>>) target_semaphore(%run_scoped3A_41 : memref<!tpu.dma_semaphore, #tpu.memory_space<semaphore_mem>>)
        %dma_wait3A = tpu.memref_slice %arg3[%add3A_32] : memref<819200xi32, #tpu.memory_space<hbm>> -> memref<6400xi32, #tpu.memory_space<hbm>>
        %dma_wait3A_43 = tpu.memref_slice %arg3[%add3A_32] : memref<819200xi32, #tpu.memory_space<hbm>> -> memref<6400xi32, #tpu.memory_space<hbm>>
        tpu.wait_dma2 semaphore(%run_scoped3A_41 : memref<!tpu.dma_semaphore, #tpu.memory_space<semaphore_mem>>) src(%dma_wait3A_43 : memref<6400xi32, #tpu.memory_space<hbm>>) dst(%arg9 : memref<6400xi32, #tpu.memory_space<vmem>>)
        tpu.yield
      }) : () -> ()
      "tpu.region"() ({
        %run_scoped3A_41 = tpu.sem_alloc : memref<!tpu.dma_semaphore, #tpu.memory_space<semaphore_mem>>
        %dma_start3A = tpu.memref_slice %arg4[%add3A_32] : memref<819200xf32, #tpu.memory_space<hbm>> -> memref<6400xf32, #tpu.memory_space<hbm>>
        %dma_start3A_42 = tpu.memref_slice %arg4[%add3A_32] : memref<819200xf32, #tpu.memory_space<hbm>> -> memref<6400xf32, #tpu.memory_space<hbm>>
        tpu.enqueue_dma source(%dma_start3A_42 : memref<6400xf32, #tpu.memory_space<hbm>>) target(%arg10 : memref<6400xf32, #tpu.memory_space<vmem>>) target_semaphore(%run_scoped3A_41 : memref<!tpu.dma_semaphore, #tpu.memory_space<semaphore_mem>>)
        %dma_wait3A = tpu.memref_slice %arg4[%add3A_32] : memref<819200xf32, #tpu.memory_space<hbm>> -> memref<6400xf32, #tpu.memory_space<hbm>>
        %dma_wait3A_43 = tpu.memref_slice %arg4[%add3A_32] : memref<819200xf32, #tpu.memory_space<hbm>> -> memref<6400xf32, #tpu.memory_space<hbm>>
        tpu.wait_dma2 semaphore(%run_scoped3A_41 : memref<!tpu.dma_semaphore, #tpu.memory_space<semaphore_mem>>) src(%dma_wait3A_43 : memref<6400xf32, #tpu.memory_space<hbm>>) dst(%arg10 : memref<6400xf32, #tpu.memory_space<vmem>>)
        tpu.yield
      }) : () -> ()
      %scan3A_33 = arith.constant 0 : i32
      %scan3A_34 = arith.constant 0 : i32
      %scan3A_35 = arith.constant 400 : i32
      %scan3A_36 = arith.addi %scan3A_34, %scan3A_35 : i32
      %scan3A_37 = arith.constant 1 : i32
      %scan3A_38 = scf.for %scan3A_41 = %scan3A_34 to %scan3A_36 step %scan3A_37 iter_args(%scan3A_42 = %scan3A_33) -> (i32)  : i32 {
        %mul3A_43 = arith.constant 16 : i32
        %mul3A_44 = arith.muli %scan3A_41, %mul3A_43 : i32
        %get3A = arith.index_cast %mul3A_44 : i32 to index
        %get3A_45 = tpu.vector_load %arg8[%get3A] {strides = array<i32>} : memref<6400xi32, #tpu.memory_space<vmem>>, vector<16xi32>,
        %mul3A_46 = arith.constant 16 : i32
        %mul3A_47 = arith.muli %scan3A_41, %mul3A_46 : i32
        %get3A_48 = arith.index_cast %mul3A_47 : i32 to index
        %get3A_49 = tpu.vector_load %arg9[%get3A_48] {strides = array<i32>} : memref<6400xi32, #tpu.memory_space<vmem>>, vector<16xi32>,
        %mul3A_50 = arith.constant 16 : i32
        %mul3A_51 = arith.muli %scan3A_41, %mul3A_50 : i32
        %get3A_52 = arith.index_cast %mul3A_51 : i32 to index
        %get3A_53 = tpu.vector_load %arg10[%get3A_52] {strides = array<i32>} : memref<6400xf32, #tpu.memory_space<vmem>>, vector<16xf32>,
        %gather3A = tpu.vector_load_idx %arg11[%get3A_45] : memref<50176xf32, #tpu.memory_space<vmem>>[vector<16xi32>], vector<16xf32>,
        %mul3A_54 = arith.mulf %gather3A, %get3A_53 : vector<16xf32>
        tpu.vector_store_idx %arg12[%get3A_49], %mul3A_54 {add = true} : memref<50176xf32, #tpu.memory_space<vmem>>[vector<16xi32>], vector<16xf32>,
        %scan3A_55 = arith.constant 0 : i32
        scf.yield %scan3A_55 : i32
      }
      %scan3A_39 = arith.constant 400 : i32
      %scan3A_40 = arith.constant 0 : i32
      scf.yield %scan3A_40 : i32
    }
    %scan3A_26 = arith.constant 4 : i32
    %run_scoped3A_27 = arith.constant 2 : i32
    "tpu.region"() ({
      %run_scoped3A_28 = tpu.sem_alloc : memref<!tpu.dma_semaphore, #tpu.memory_space<semaphore_mem>>
      %dma_start3A = arith.constant 0 : i32
      %dma_start3A_29 = tpu.memref_slice %arg7[%run_scoped3A_27, %add3A, %dma_start3A] : memref<3x32x50176xf32, #tpu.memory_space<hbm>> -> memref<1x1x50176xf32, #tpu.memory_space<hbm>>
      %dma_start3A_30 = tpu.memref_squeeze %dma_start3A_29 : memref<1x1x50176xf32, #tpu.memory_space<hbm>> -> memref<50176xf32, #tpu.memory_space<hbm>>
      %dma_start3A_31 = arith.constant 0 : i32
      %dma_start3A_32 = tpu.memref_slice %arg7[%run_scoped3A_27, %add3A, %dma_start3A_31] : memref<3x32x50176xf32, #tpu.memory_space<hbm>> -> memref<1x1x50176xf32, #tpu.memory_space<hbm>>
      %dma_start3A_33 = tpu.memref_squeeze %dma_start3A_32 : memref<1x1x50176xf32, #tpu.memory_space<hbm>> -> memref<50176xf32, #tpu.memory_space<hbm>>
      tpu.enqueue_dma source(%arg12 : memref<50176xf32, #tpu.memory_space<vmem>>) target(%dma_start3A_33 : memref<50176xf32, #tpu.memory_space<hbm>>) target_semaphore(%run_scoped3A_28 : memref<!tpu.dma_semaphore, #tpu.memory_space<semaphore_mem>>)
      %dma_wait3A = arith.constant 0 : i32
      %dma_wait3A_34 = tpu.memref_slice %arg7[%run_scoped3A_27, %add3A, %dma_wait3A] : memref<3x32x50176xf32, #tpu.memory_space<hbm>> -> memref<1x1x50176xf32, #tpu.memory_space<hbm>>
      %dma_wait3A_35 = tpu.memref_squeeze %dma_wait3A_34 : memref<1x1x50176xf32, #tpu.memory_space<hbm>> -> memref<50176xf32, #tpu.memory_space<hbm>>
      %dma_wait3A_36 = arith.constant 0 : i32
      %dma_wait3A_37 = tpu.memref_slice %arg7[%run_scoped3A_27, %add3A, %dma_wait3A_36] : memref<3x32x50176xf32, #tpu.memory_space<hbm>> -> memref<1x1x50176xf32, #tpu.memory_space<hbm>>
      %dma_wait3A_38 = tpu.memref_squeeze %dma_wait3A_37 : memref<1x1x50176xf32, #tpu.memory_space<hbm>> -> memref<50176xf32, #tpu.memory_space<hbm>>
      tpu.wait_dma2 semaphore(%run_scoped3A_28 : memref<!tpu.dma_semaphore, #tpu.memory_space<semaphore_mem>>) src(%arg12 : memref<50176xf32, #tpu.memory_space<vmem>>) dst(%dma_wait3A_38 : memref<50176xf32, #tpu.memory_space<hbm>>)
      tpu.yield
    }) : () -> ()
    return
  }
}

module attributes {stable_mosaic.version = 14 : i64} {
  func.func @_k2_body(%arg0: i32, %arg1: memref<32x512xf32, #tpu.memory_space<vmem>>, %arg2: memref<1x512xf32, #tpu.memory_space<vmem>>, %arg3: memref<1x512xf32, #tpu.memory_space<vmem>>) attributes {dimension_semantics = [#tpu.dimension_semantics<arbitrary>], iteration_bounds = array<i64: 98>, scalar_prefetch = 0 : i64, scratch_operands = 0 : i64, tpu.core_type = #tpu.core_type<tc>, window_params = [{transform_indices = @transform_0, window_bounds = array<i64: 32, 512>}, {transform_indices = @transform_1, window_bounds = array<i64: 1, 512>}, {transform_indices = @transform_2, window_bounds = array<i64: 1, 512>}]} {
    %get3A = arith.constant 0 : index
    %get3A_0 = arith.constant 0 : index
    %get3A_1 = vector.load %arg1[%get3A, %get3A_0] : memref<32x512xf32, #tpu.memory_space<vmem>>, vector<32x512xf32>
    %reduce_sum3A = arith.constant dense<0.000000e+00> : vector<512xf32>
    %reduce_sum3A_2 = vector.multi_reduction <add>, %get3A_1, %reduce_sum3A [0] : vector<32x512xf32> to vector<512xf32>
    %broadcast_in_dim3A = vector.shape_cast %reduce_sum3A_2 : vector<512xf32> to vector<1x512xf32>
    %add3A = arith.constant 1.000000e+00 : f32
    %add3A_3 = vector.broadcast %add3A : f32 to vector<1x512xf32>
    %add3A_4 = arith.addf %broadcast_in_dim3A, %add3A_3 : vector<1x512xf32>
    %rsqrt3A = math.rsqrt %add3A_4 : vector<1x512xf32>
    %swap3A = arith.constant 0 : index
    %swap3A_5 = arith.constant 0 : index
    %swap3A_6 = vector.load %arg2[%swap3A, %swap3A_5] : memref<1x512xf32, #tpu.memory_space<vmem>>, vector<1x512xf32>
    tpu.vector_store %arg2[%swap3A, %swap3A_5], %rsqrt3A {strides = array<i32>} : memref<1x512xf32, #tpu.memory_space<vmem>>, vector<1x512xf32>,
    %div3A = arith.constant 1.000000e+00 : f32
    %div3A_7 = vector.broadcast %div3A : f32 to vector<1x512xf32>
    %div3A_8 = arith.divf %div3A_7, %add3A_4 : vector<1x512xf32>
    %swap3A_9 = arith.constant 0 : index
    %swap3A_10 = arith.constant 0 : index
    %swap3A_11 = vector.load %arg3[%swap3A_9, %swap3A_10] : memref<1x512xf32, #tpu.memory_space<vmem>>, vector<1x512xf32>
    tpu.vector_store %arg3[%swap3A_9, %swap3A_10], %div3A_8 {strides = array<i32>} : memref<1x512xf32, #tpu.memory_space<vmem>>, vector<1x512xf32>,
    return
  }
  func.func @transform_0(%arg0: i32) -> (i32, i32) {
    %c0_i32 = arith.constant 0 : i32
    %c0_i32_0 = arith.constant 0 : i32
    return %c0_i32, %arg0 : i32, i32
  }
  func.func @transform_1(%arg0: i32) -> (i32, i32) {
    %c0_i32 = arith.constant 0 : i32
    %c0_i32_0 = arith.constant 0 : i32
    return %c0_i32, %arg0 : i32, i32
  }
  func.func @transform_2(%arg0: i32) -> (i32, i32) {
    %c0_i32 = arith.constant 0 : i32
    %c0_i32_0 = arith.constant 0 : i32
    return %c0_i32, %arg0 : i32, i32
  }
}

module attributes {stable_mosaic.version = 14 : i64} {
  func.func @_k5_body(%arg0: i32, %arg1: memref<3x32x512xf32, #tpu.memory_space<vmem>>, %arg2: memref<3x512xf32, #tpu.memory_space<vmem>>, %arg3: memref<1x512xf32, #tpu.memory_space<vmem>>, %arg4: memref<104x3xf32, #tpu.memory_space<vmem>>, %arg5: memref<104x1xf32, #tpu.memory_space<vmem>>, %arg6: memref<104x512xf32, #tpu.memory_space<vmem>>) attributes {dimension_semantics = [#tpu.dimension_semantics<arbitrary>], iteration_bounds = array<i64: 98>, scalar_prefetch = 0 : i64, scratch_operands = 0 : i64, tpu.core_type = #tpu.core_type<tc>, window_params = [{transform_indices = @transform_0, window_bounds = array<i64: 3, 32, 512>}, {transform_indices = @transform_1, window_bounds = array<i64: 3, 512>}, {transform_indices = @transform_2, window_bounds = array<i64: 1, 512>}, {pipeline_mode = #tpu.pipeline_mode<synchronous>, transform_indices = @transform_3, window_bounds = array<i64: 104, 3>}, {pipeline_mode = #tpu.pipeline_mode<synchronous>, transform_indices = @transform_4, window_bounds = array<i64: 104, 1>}, {transform_indices = @transform_5, window_bounds = array<i64: 104, 512>}]} {
    %get3A = arith.constant 0 : index
    %get3A_0 = arith.constant 0 : index
    %get3A_1 = arith.constant 0 : index
    %get3A_2 = vector.load %arg1[%get3A, %get3A_0, %get3A_1] : memref<3x32x512xf32, #tpu.memory_space<vmem>>, vector<3x32x512xf32>
    %reduce_sum3A = arith.constant dense<0.000000e+00> : vector<3x512xf32>
    %reduce_sum3A_3 = vector.multi_reduction <add>, %get3A_2, %reduce_sum3A [1] : vector<3x32x512xf32> to vector<3x512xf32>
    %get3A_4 = arith.constant 0 : index
    %get3A_5 = arith.constant 0 : index
    %get3A_6 = vector.load %arg2[%get3A_4, %get3A_5] : memref<3x512xf32, #tpu.memory_space<vmem>>, vector<3x512xf32>
    %get3A_7 = arith.constant 0 : index
    %get3A_8 = arith.constant 0 : index
    %get3A_9 = vector.load %arg3[%get3A_7, %get3A_8] : memref<1x512xf32, #tpu.memory_space<vmem>>, vector<1x512xf32>
    %mul3A = vector.broadcast %get3A_9 : vector<1x512xf32> to vector<3x512xf32>
    %mul3A_10 = arith.mulf %get3A_6, %mul3A : vector<3x512xf32>
    %add3A = arith.addf %reduce_sum3A_3, %mul3A_10 : vector<3x512xf32>
    %get3A_11 = arith.constant 0 : index
    %get3A_12 = arith.constant 0 : index
    %get3A_13 = vector.load %arg4[%get3A_11, %get3A_12] : memref<104x3xf32, #tpu.memory_space<vmem>>, vector<104x3xf32>
    %dot_general3A = arith.constant dense<0.000000e+00> : vector<104x512xf32>
    %dot_general3A_14 = tpu.matmul %get3A_13, %add3A, %dot_general3A {dimension_numbers = #tpu.dot_dimension_numbers<[1], [0], [0], [1], [0, 0, 1, 1], [], []>, transpose_lhs_hint = false} : vector<104x3xf32>, vector<3x512xf32>, vector<104x512xf32> -> vector<104x512xf32>
    %get3A_15 = arith.constant 0 : index
    %get3A_16 = arith.constant 0 : index
    %get3A_17 = vector.load %arg5[%get3A_15, %get3A_16] : memref<104x1xf32, #tpu.memory_space<vmem>>, vector<104x1xf32>
    %add3A_18 = vector.broadcast %get3A_17 : vector<104x1xf32> to vector<104x512xf32>
    %add3A_19 = arith.addf %dot_general3A_14, %add3A_18 : vector<104x512xf32>
    %logistic3A = arith.negf %add3A_19 : vector<104x512xf32>
    %logistic3A_20 = math.exp %logistic3A : vector<104x512xf32>
    %logistic3A_21 = arith.constant 1.000000e+00 : f32
    %logistic3A_22 = vector.broadcast %logistic3A_21 : f32 to vector<104x512xf32>
    %logistic3A_23 = arith.addf %logistic3A_22, %logistic3A_20 : vector<104x512xf32>
    %logistic3A_24 = arith.divf %logistic3A_22, %logistic3A_23 : vector<104x512xf32>
    %mul3A_25 = arith.mulf %add3A_19, %logistic3A_24 : vector<104x512xf32>
    %swap3A = arith.constant 0 : index
    %swap3A_26 = arith.constant 0 : index
    %swap3A_27 = vector.load %arg6[%swap3A, %swap3A_26] : memref<104x512xf32, #tpu.memory_space<vmem>>, vector<104x512xf32>
    tpu.vector_store %arg6[%swap3A, %swap3A_26], %mul3A_25 {strides = array<i32>} : memref<104x512xf32, #tpu.memory_space<vmem>>, vector<104x512xf32>,
    return
  }
  func.func @transform_0(%arg0: i32) -> (i32, i32, i32) {
    %c0_i32 = arith.constant 0 : i32
    %c0_i32_0 = arith.constant 0 : i32
    %c0_i32_1 = arith.constant 0 : i32
    return %c0_i32, %c0_i32_0, %arg0 : i32, i32, i32
  }
  func.func @transform_1(%arg0: i32) -> (i32, i32) {
    %c0_i32 = arith.constant 0 : i32
    %c0_i32_0 = arith.constant 0 : i32
    return %c0_i32, %arg0 : i32, i32
  }
  func.func @transform_2(%arg0: i32) -> (i32, i32) {
    %c0_i32 = arith.constant 0 : i32
    %c0_i32_0 = arith.constant 0 : i32
    return %c0_i32, %arg0 : i32, i32
  }
  func.func @transform_3(%arg0: i32) -> (i32, i32) {
    %c0_i32 = arith.constant 0 : i32
    %c0_i32_0 = arith.constant 0 : i32
    %c0_i32_1 = arith.constant 0 : i32
    return %c0_i32, %c0_i32_0 : i32, i32
  }
  func.func @transform_4(%arg0: i32) -> (i32, i32) {
    %c0_i32 = arith.constant 0 : i32
    %c0_i32_0 = arith.constant 0 : i32
    %c0_i32_1 = arith.constant 0 : i32
    return %c0_i32, %c0_i32_0 : i32, i32
  }
  func.func @transform_5(%arg0: i32) -> (i32, i32) {
    %c0_i32 = arith.constant 0 : i32
    %c0_i32_0 = arith.constant 0 : i32
    return %c0_i32, %arg0 : i32, i32
  }
}

module attributes {stable_mosaic.version = 14 : i64} {
  func.func @_k7_body(%arg0: i32, %arg1: memref<104x512xf32, #tpu.memory_space<vmem>>, %arg2: memref<104x512xf32, #tpu.memory_space<vmem>>, %arg3: memref<1x512xf32, #tpu.memory_space<vmem>>, %arg4: memref<1x512xi32, #tpu.memory_space<vmem>>, %arg5: memref<200x104xf32, #tpu.memory_space<vmem>>, %arg6: memref<200x1xf32, #tpu.memory_space<vmem>>, %arg7: memref<100x200xf32, #tpu.memory_space<vmem>>, %arg8: memref<100x1xf32, #tpu.memory_space<vmem>>, %arg9: memref<1x100xf32, #tpu.memory_space<vmem>>, %arg10: memref<1x1xf32, #tpu.memory_space<vmem>>, %arg11: memref<1x64xf32, #tpu.memory_space<vmem>>, %arg12: memref<200x64xf32, #tpu.memory_space<vmem>>, %arg13: memref<1x64xf32, #tpu.memory_space<vmem>>) attributes {dimension_semantics = [#tpu.dimension_semantics<arbitrary>], iteration_bounds = array<i64: 98>, scalar_prefetch = 0 : i64, scratch_operands = 2 : i64, tpu.core_type = #tpu.core_type<tc>, window_params = [{transform_indices = @transform_0, window_bounds = array<i64: 104, 512>}, {transform_indices = @transform_1, window_bounds = array<i64: 104, 512>}, {transform_indices = @transform_2, window_bounds = array<i64: 1, 512>}, {transform_indices = @transform_3, window_bounds = array<i64: 1, 512>}, {pipeline_mode = #tpu.pipeline_mode<synchronous>, transform_indices = @transform_4, window_bounds = array<i64: 200, 104>}, {pipeline_mode = #tpu.pipeline_mode<synchronous>, transform_indices = @transform_5, window_bounds = array<i64: 200, 1>}, {pipeline_mode = #tpu.pipeline_mode<synchronous>, transform_indices = @transform_6, window_bounds = array<i64: 100, 200>}, {pipeline_mode = #tpu.pipeline_mode<synchronous>, transform_indices = @transform_7, window_bounds = array<i64: 100, 1>}, {pipeline_mode = #tpu.pipeline_mode<synchronous>, transform_indices = @transform_8, window_bounds = array<i64: 1, 100>}, {pipeline_mode = #tpu.pipeline_mode<synchronous>, transform_indices = @transform_9, window_bounds = array<i64: 1, 1>}, {pipeline_mode = #tpu.pipeline_mode<synchronous>, transform_indices = @transform_10, window_bounds = array<i64: 1, 64>}]} {
    %eq3A = arith.constant 0 : i32
    %eq3A_0 = arith.cmpi eq, %arg0, %eq3A : i32
    %convert_element_type3A = arith.extui %eq3A_0 : i1 to i32
    %cond3A = arith.constant 0 : i32
    %cond3A_1 = arith.cmpi ne, %convert_element_type3A, %cond3A : i32
    scf.if %cond3A_1 {
      %broadcast_in_dim3A_55 = arith.constant 0.000000e+00 : f32
      %broadcast_in_dim3A_56 = vector.broadcast %broadcast_in_dim3A_55 : f32 to vector<200x64xf32>
      %swap3A_57 = arith.constant 0 : index
      %swap3A_58 = arith.constant 0 : index
      %swap3A_59 = vector.load %arg12[%swap3A_57, %swap3A_58] : memref<200x64xf32, #tpu.memory_space<vmem>>, vector<200x64xf32>
      tpu.vector_store %arg12[%swap3A_57, %swap3A_58], %broadcast_in_dim3A_56 {strides = array<i32>} : memref<200x64xf32, #tpu.memory_space<vmem>>, vector<200x64xf32>,
      %broadcast_in_dim3A_60 = arith.constant 0.000000e+00 : f32
      %broadcast_in_dim3A_61 = vector.broadcast %broadcast_in_dim3A_60 : f32 to vector<1x64xf32>
      %swap3A_62 = arith.constant 0 : index
      %swap3A_63 = arith.constant 0 : index
      %swap3A_64 = vector.load %arg13[%swap3A_62, %swap3A_63] : memref<1x64xf32, #tpu.memory_space<vmem>>, vector<1x64xf32>
      tpu.vector_store %arg13[%swap3A_62, %swap3A_63], %broadcast_in_dim3A_61 {strides = array<i32>} : memref<1x64xf32, #tpu.memory_space<vmem>>, vector<1x64xf32>,
    } else {
    }
    %get3A = arith.constant 0 : index
    %get3A_2 = arith.constant 0 : index
    %get3A_3 = vector.load %arg1[%get3A, %get3A_2] : memref<104x512xf32, #tpu.memory_space<vmem>>, vector<104x512xf32>
    %get3A_4 = arith.constant 0 : index
    %get3A_5 = arith.constant 0 : index
    %get3A_6 = vector.load %arg2[%get3A_4, %get3A_5] : memref<104x512xf32, #tpu.memory_space<vmem>>, vector<104x512xf32>
    %get3A_7 = arith.constant 0 : index
    %get3A_8 = arith.constant 0 : index
    %get3A_9 = vector.load %arg3[%get3A_7, %get3A_8] : memref<1x512xf32, #tpu.memory_space<vmem>>, vector<1x512xf32>
    %mul3A = vector.broadcast %get3A_9 : vector<1x512xf32> to vector<104x512xf32>
    %mul3A_10 = arith.mulf %get3A_6, %mul3A : vector<104x512xf32>
    %add3A = arith.addf %get3A_3, %mul3A_10 : vector<104x512xf32>
    %get3A_11 = arith.constant 0 : index
    %get3A_12 = arith.constant 0 : index
    %get3A_13 = vector.load %arg5[%get3A_11, %get3A_12] : memref<200x104xf32, #tpu.memory_space<vmem>>, vector<200x104xf32>
    %dot_general3A = arith.constant dense<0.000000e+00> : vector<200x512xf32>
    %dot_general3A_14 = tpu.matmul %get3A_13, %add3A, %dot_general3A {dimension_numbers = #tpu.dot_dimension_numbers<[1], [0], [0], [1], [0, 0, 1, 1], [], []>, transpose_lhs_hint = false} : vector<200x104xf32>, vector<104x512xf32>, vector<200x512xf32> -> vector<200x512xf32>
    %get3A_15 = arith.constant 0 : index
    %get3A_16 = arith.constant 0 : index
    %get3A_17 = vector.load %arg6[%get3A_15, %get3A_16] : memref<200x1xf32, #tpu.memory_space<vmem>>, vector<200x1xf32>
    %add3A_18 = vector.broadcast %get3A_17 : vector<200x1xf32> to vector<200x512xf32>
    %add3A_19 = arith.addf %dot_general3A_14, %add3A_18 : vector<200x512xf32>
    %logistic3A = arith.negf %add3A_19 : vector<200x512xf32>
    %logistic3A_20 = math.exp %logistic3A : vector<200x512xf32>
    %logistic3A_21 = arith.constant 1.000000e+00 : f32
    %logistic3A_22 = vector.broadcast %logistic3A_21 : f32 to vector<200x512xf32>
    %logistic3A_23 = arith.addf %logistic3A_22, %logistic3A_20 : vector<200x512xf32>
    %logistic3A_24 = arith.divf %logistic3A_22, %logistic3A_23 : vector<200x512xf32>
    %mul3A_25 = arith.mulf %add3A_19, %logistic3A_24 : vector<200x512xf32>
    %get3A_26 = arith.constant 0 : index
    %get3A_27 = arith.constant 0 : index
    %get3A_28 = vector.load %arg4[%get3A_26, %get3A_27] : memref<1x512xi32, #tpu.memory_space<vmem>>, vector<1x512xi32>
    %reshape3A = vector.shape_cast %get3A_28 : vector<1x512xi32> to vector<512x1xi32>
    %iota3A = tpu.iota {dimensions = array<i32: 1>} : vector<1x64xi32>
    %eq3A_29 = vector.broadcast %reshape3A : vector<512x1xi32> to vector<512x64xi32>
    %eq3A_30 = vector.broadcast %iota3A : vector<1x64xi32> to vector<512x64xi32>
    %eq3A_31 = arith.cmpi eq, %eq3A_29, %eq3A_30 : vector<512x64xi32>
    %convert_element_type3A_32 = arith.extui %eq3A_31 : vector<512x64xi1> to vector<512x64xi32>
    %convert_element_type3A_33 = arith.sitofp %convert_element_type3A_32 : vector<512x64xi32> to vector<512x64xf32>
    %get3A_34 = arith.constant 0 : index
    %get3A_35 = arith.constant 0 : index
    %get3A_36 = vector.load %arg12[%get3A_34, %get3A_35] : memref<200x64xf32, #tpu.memory_space<vmem>>, vector<200x64xf32>
    %dot_general3A_37 = arith.constant dense<0.000000e+00> : vector<200x64xf32>
    %dot_general3A_38 = tpu.matmul %mul3A_25, %convert_element_type3A_33, %dot_general3A_37 {dimension_numbers = #tpu.dot_dimension_numbers<[1], [0], [0], [1], [0, 0, 1, 1], [], []>, transpose_lhs_hint = false} : vector<200x512xf32>, vector<512x64xf32>, vector<200x64xf32> -> vector<200x64xf32>
    %add3A_39 = arith.addf %get3A_36, %dot_general3A_38 : vector<200x64xf32>
    %swap3A = arith.constant 0 : index
    %swap3A_40 = arith.constant 0 : index
    %swap3A_41 = vector.load %arg12[%swap3A, %swap3A_40] : memref<200x64xf32, #tpu.memory_space<vmem>>, vector<200x64xf32>
    tpu.vector_store %arg12[%swap3A, %swap3A_40], %add3A_39 {strides = array<i32>} : memref<200x64xf32, #tpu.memory_space<vmem>>, vector<200x64xf32>,
    %get3A_42 = arith.constant 0 : index
    %get3A_43 = arith.constant 0 : index
    %get3A_44 = vector.load %arg13[%get3A_42, %get3A_43] : memref<1x64xf32, #tpu.memory_space<vmem>>, vector<1x64xf32>
    %reduce_sum3A = arith.constant dense<0.000000e+00> : vector<64xf32>
    %reduce_sum3A_45 = vector.multi_reduction <add>, %convert_element_type3A_33, %reduce_sum3A [0] : vector<512x64xf32> to vector<64xf32>
    %broadcast_in_dim3A = vector.shape_cast %reduce_sum3A_45 : vector<64xf32> to vector<1x64xf32>
    %add3A_46 = arith.addf %get3A_44, %broadcast_in_dim3A : vector<1x64xf32>
    %swap3A_47 = arith.constant 0 : index
    %swap3A_48 = arith.constant 0 : index
    %swap3A_49 = vector.load %arg13[%swap3A_47, %swap3A_48] : memref<1x64xf32, #tpu.memory_space<vmem>>, vector<1x64xf32>
    tpu.vector_store %arg13[%swap3A_47, %swap3A_48], %add3A_46 {strides = array<i32>} : memref<1x64xf32, #tpu.memory_space<vmem>>, vector<1x64xf32>,
    %eq3A_50 = arith.constant 97 : i32
    %eq3A_51 = arith.cmpi eq, %arg0, %eq3A_50 : i32
    %convert_element_type3A_52 = arith.extui %eq3A_51 : i1 to i32
    %cond3A_53 = arith.constant 0 : i32
    %cond3A_54 = arith.cmpi ne, %convert_element_type3A_52, %cond3A_53 : i32
    scf.if %cond3A_54 {
      %get3A_55 = arith.constant 0 : index
      %get3A_56 = arith.constant 0 : index
      %get3A_57 = vector.load %arg12[%get3A_55, %get3A_56] : memref<200x64xf32, #tpu.memory_space<vmem>>, vector<200x64xf32>
      %get3A_58 = arith.constant 0 : index
      %get3A_59 = arith.constant 0 : index
      %get3A_60 = vector.load %arg13[%get3A_58, %get3A_59] : memref<1x64xf32, #tpu.memory_space<vmem>>, vector<1x64xf32>
      %max3A = arith.constant 1.000000e+00 : f32
      %max3A_61 = vector.broadcast %max3A : f32 to vector<1x64xf32>
      %max3A_62 = arith.maximumf %get3A_60, %max3A_61 : vector<1x64xf32>
      %div3A = vector.broadcast %max3A_62 : vector<1x64xf32> to vector<200x64xf32>
      %div3A_63 = arith.divf %get3A_57, %div3A : vector<200x64xf32>
      %get3A_64 = arith.constant 0 : index
      %get3A_65 = arith.constant 0 : index
      %get3A_66 = vector.load %arg7[%get3A_64, %get3A_65] : memref<100x200xf32, #tpu.memory_space<vmem>>, vector<100x200xf32>
      %dot_general3A_67 = arith.constant dense<0.000000e+00> : vector<100x64xf32>
      %dot_general3A_68 = tpu.matmul %get3A_66, %div3A_63, %dot_general3A_67 {dimension_numbers = #tpu.dot_dimension_numbers<[1], [0], [0], [1], [0, 0, 1, 1], [], []>, transpose_lhs_hint = false} : vector<100x200xf32>, vector<200x64xf32>, vector<100x64xf32> -> vector<100x64xf32>
      %get3A_69 = arith.constant 0 : index
      %get3A_70 = arith.constant 0 : index
      %get3A_71 = vector.load %arg8[%get3A_69, %get3A_70] : memref<100x1xf32, #tpu.memory_space<vmem>>, vector<100x1xf32>
      %add3A_72 = vector.broadcast %get3A_71 : vector<100x1xf32> to vector<100x64xf32>
      %add3A_73 = arith.addf %dot_general3A_68, %add3A_72 : vector<100x64xf32>
      %logistic3A_74 = arith.negf %add3A_73 : vector<100x64xf32>
      %logistic3A_75 = math.exp %logistic3A_74 : vector<100x64xf32>
      %logistic3A_76 = arith.constant 1.000000e+00 : f32
      %logistic3A_77 = vector.broadcast %logistic3A_76 : f32 to vector<100x64xf32>
      %logistic3A_78 = arith.addf %logistic3A_77, %logistic3A_75 : vector<100x64xf32>
      %logistic3A_79 = arith.divf %logistic3A_77, %logistic3A_78 : vector<100x64xf32>
      %mul3A_80 = arith.mulf %add3A_73, %logistic3A_79 : vector<100x64xf32>
      %get3A_81 = arith.constant 0 : index
      %get3A_82 = arith.constant 0 : index
      %get3A_83 = vector.load %arg9[%get3A_81, %get3A_82] : memref<1x100xf32, #tpu.memory_space<vmem>>, vector<1x100xf32>
      %dot_general3A_84 = arith.constant dense<0.000000e+00> : vector<1x64xf32>
      %dot_general3A_85 = tpu.matmul %get3A_83, %mul3A_80, %dot_general3A_84 {dimension_numbers = #tpu.dot_dimension_numbers<[1], [0], [0], [1], [0, 0, 1, 1], [], []>, transpose_lhs_hint = false} : vector<1x100xf32>, vector<100x64xf32>, vector<1x64xf32> -> vector<1x64xf32>
      %get3A_86 = arith.constant 0 : index
      %get3A_87 = arith.constant 0 : index
      %get3A_88 = vector.load %arg10[%get3A_86, %get3A_87] : memref<1x1xf32, #tpu.memory_space<vmem>>, vector<1x1xf32>
      %add3A_89 = vector.broadcast %get3A_88 : vector<1x1xf32> to vector<1x64xf32>
      %add3A_90 = arith.addf %dot_general3A_85, %add3A_89 : vector<1x64xf32>
      %swap3A_91 = arith.constant 0 : index
      %swap3A_92 = arith.constant 0 : index
      %swap3A_93 = vector.load %arg11[%swap3A_91, %swap3A_92] : memref<1x64xf32, #tpu.memory_space<vmem>>, vector<1x64xf32>
      tpu.vector_store %arg11[%swap3A_91, %swap3A_92], %add3A_90 {strides = array<i32>} : memref<1x64xf32, #tpu.memory_space<vmem>>, vector<1x64xf32>,
    } else {
    }
    return
  }
  func.func @transform_0(%arg0: i32) -> (i32, i32) {
    %c0_i32 = arith.constant 0 : i32
    %c0_i32_0 = arith.constant 0 : i32
    return %c0_i32, %arg0 : i32, i32
  }
  func.func @transform_1(%arg0: i32) -> (i32, i32) {
    %c0_i32 = arith.constant 0 : i32
    %c0_i32_0 = arith.constant 0 : i32
    return %c0_i32, %arg0 : i32, i32
  }
  func.func @transform_2(%arg0: i32) -> (i32, i32) {
    %c0_i32 = arith.constant 0 : i32
    %c0_i32_0 = arith.constant 0 : i32
    return %c0_i32, %arg0 : i32, i32
  }
  func.func @transform_3(%arg0: i32) -> (i32, i32) {
    %c0_i32 = arith.constant 0 : i32
    %c0_i32_0 = arith.constant 0 : i32
    return %c0_i32, %arg0 : i32, i32
  }
  func.func @transform_4(%arg0: i32) -> (i32, i32) {
    %c0_i32 = arith.constant 0 : i32
    %c0_i32_0 = arith.constant 0 : i32
    %c0_i32_1 = arith.constant 0 : i32
    return %c0_i32, %c0_i32_0 : i32, i32
  }
  func.func @transform_5(%arg0: i32) -> (i32, i32) {
    %c0_i32 = arith.constant 0 : i32
    %c0_i32_0 = arith.constant 0 : i32
    %c0_i32_1 = arith.constant 0 : i32
    return %c0_i32, %c0_i32_0 : i32, i32
  }
  func.func @transform_6(%arg0: i32) -> (i32, i32) {
    %c0_i32 = arith.constant 0 : i32
    %c0_i32_0 = arith.constant 0 : i32
    %c0_i32_1 = arith.constant 0 : i32
    return %c0_i32, %c0_i32_0 : i32, i32
  }
  func.func @transform_7(%arg0: i32) -> (i32, i32) {
    %c0_i32 = arith.constant 0 : i32
    %c0_i32_0 = arith.constant 0 : i32
    %c0_i32_1 = arith.constant 0 : i32
    return %c0_i32, %c0_i32_0 : i32, i32
  }
  func.func @transform_8(%arg0: i32) -> (i32, i32) {
    %c0_i32 = arith.constant 0 : i32
    %c0_i32_0 = arith.constant 0 : i32
    %c0_i32_1 = arith.constant 0 : i32
    return %c0_i32, %c0_i32_0 : i32, i32
  }
  func.func @transform_9(%arg0: i32) -> (i32, i32) {
    %c0_i32 = arith.constant 0 : i32
    %c0_i32_0 = arith.constant 0 : i32
    %c0_i32_1 = arith.constant 0 : i32
    return %c0_i32, %c0_i32_0 : i32, i32
  }
  func.func @transform_10(%arg0: i32) -> (i32, i32) {
    %c0_i32 = arith.constant 0 : i32
    %c0_i32_0 = arith.constant 0 : i32
    %c0_i32_1 = arith.constant 0 : i32
    return %c0_i32, %c0_i32_0 : i32, i32
  }
}

</mosaic_0001>

<sc_bundles>
// kernel: kernel.12.cloned.1.call-start
scs
__scs_entry_jumppad:
0x0: {  	(pc) =	sbr.rel $0x88, $3  }
0x1: {  	(tag) =	ssettag $0x0;
	lr =	simm.s32 $0x1  }
0x2: {  	[smem:$0x3F95] =	sst lr;
	_ =	strace $0xD0000000  }
0x3: {  	_ = 	snop  }
0x4: {  	_ = 	snop  }
0x5: {  	_ = 	snop  }
0x6: {  	_ = 	snop  }
0x7: {  	_ = 	snop  }
__scs_overlays_trampoline_lowered:
0x8: {  	[smem:$0x3FA4] =	sst s0  }
0x9: {  	[smem:$0x3FA5] =	sst s1  }
0xa: {  	[smem:$0x3FA6] =	sst s2  }
0xb: {  	[smem:$0x3FA7] =	sst s3  }
0xc: {  	[smem:$0x3FA8] =	sst s4  }
0xd: {  	[smem:$0x3FA9] =	sst s5  }
0xe: {  	[smem:$0x3FAA] =	sst s6  }
0xf: {  	[smem:$0x3FAB] =	sst s7  }
0x10: {  	[smem:$0x3FAC] =	sst s8  }
0x11: {  	[smem:$0x3FAD] =	sst s9;
	s0 =	simm.s32 @!p0 $0x0  }
0x12: {  	s1 =	sld [smem:$0x3F93];
	s0 =	simm.s32 @p0 $0x1  }
0x13: {  	[smem:$0x3FAE] =	sst s0;
	s0 =	simm.s32 @!p1 $0x0  }
0x14: {  	s2 =	sld [smem:$0x3F92];
	s0 =	simm.s32 @p1 $0x1  }
0x15: {  	[smem:$0x3FAF] =	sst s0;
	s0 =	simm.s32 @!p2 $0x0  }
0x16: {  	s3 =	sld [smem:$0x3FDB];
	s0 =	simm.s32 @p2 $0x1  }
0x17: {  	s4 =	simm.s32 $0x1BF5;
	[smem:$0x3FB1] =	sst s0  }
0x18: {  	s0 =	sld [smem:$0x3F94];
	_ =	swait.ge [sflag:s4], $0x0  }
0x19: {  	s7 =	sld [smem:$0x3F95]  }
0x1a: {  	s8 =	sadd.s32 $0xFFFFE003, lr  }
0x1b: {  	s9 =	sadd.s32 $0xFFFFFEF7, lr;
	s5 =	simm.s32 $0xFFFFFFFF;
	p2 =	slt.u32 s8, $0xFFFFF086  }
0x1c: {  	p1 =	slt.u32 s9, $0xF7A;
	s5 =	simm.s32 @!p2 $0x0  }
0x1d: {  	s5 =	simm.s32 @p1 $0x1;
	p0 =	seq.s32 s7, s2  }
0x1e: {  	s7 =	smul.u32 @!p0 $0xF7A, s2;
	p2 =	seq.s32 @!p0 s5, $0x0  }
0x1f: {  	s9 =	smul.u32 $0xF7A, s1;
	s8 =	simm.s32 @!p0 $0x1BF5;
	p2 =	por !p2, p0  }
0x20: {  	[sflag:s8] =	ssyncset.s32 @!p0 $0xFFFFF086;
	s6 =	sadd.s32 @!p0 s3, s7;
	s7 =	simm.s32 @!p0 $0x108  }
0x21: {  	s3 =	sadd.s32 s3, s9;
	s6 =	sadd.s32 @!p0 $0x88, s6;
	s7 =	simm.s32 @p2 $0x1082  }
0x22: {  	[simem:s7], [sflag:s8] =	dma.local @!p0 [hbm:s6], $0xF7A  }
0x23: {  	s9 =	sor.u32 $0xD0000000, s2;
	s6 =	simm.s32 $0x108;
	_ =	swait.ge @!p0 [sflag:s8], $0x0  }
0x24: {  	s3 =	sadd.s32 $0x88, s3;
	s6 =	simm.s32 @!p1 $0x1082;
	[sflag:s4] =	ssyncset.s32 $0xFFFFF086  }
0x25: {  	[simem:s6], [sflag:s4] =	dma.local [hbm:s3], $0xF7A  }
0x26: {  	[smem:$0x3F95] =	sst s1;
	(tag) =	ssettag s2;
	_ =	strace s9  }
0x27: {  	s1 =	sld [smem:$0x3FA5]  }
0x28: {  	s2 =	sld [smem:$0x3FA6]  }
0x29: {  	s4 =	sld [smem:$0x3FA8]  }
0x2a: {  	p0 =	seq.s32 s5, $0x0;
	s5 =	sld [smem:$0x3FA9]  }
0x2b: {  	s6 =	sld [smem:$0x3FAA]  }
0x2c: {  	s7 =	sld [smem:$0x3FAB]  }
0x2d: {  	s3 =	simm.s32 $0x108;
	s8 =	sld [smem:$0x3FAC]  }
0x2e: {  	s3 =	simm.s32 @!p0 $0x1082;
	s9 =	sld [smem:$0x3FAD]  }
0x2f: {  	lr =	sadd.s32 s0, s3;
	s0 =	sld [smem:$0x3FA4]  }
0x30: {  	s3 =	sld [smem:$0x3FA7]  }
0x31: {  	[smem:$0x3FB0] =	sst s10  }
0x32: {  	s10 =	sld [smem:$0x3FAE];
	_ =	sdelay $0x3  }
0x33: {  	p0 =	seq.s32 s10, $0x1;
	s10 =	sld [smem:$0x3FB0];
	_ =	sdelay $0x3  }
0x34: {  	[smem:$0x3FB0] =	sst s10  }
0x35: {  	s10 =	sld [smem:$0x3FAF];
	_ =	sdelay $0x3  }
0x36: {  	p1 =	seq.s32 s10, $0x1;
	s10 =	sld [smem:$0x3FB0];
	_ =	sdelay $0x3  }
0x37: {  	[smem:$0x3FB0] =	sst s10  }
0x38: {  	s10 =	sld [smem:$0x3FB1]  }
0x39: {  	_ = 	snop;
	(pc) =	sbr.ind lr, $3  }
0x3a: {  	_ = 	snop  }
0x3b: {  	_ = 	snop  }
0x3c: {  	p2 =	seq.s32 s10, $0x1;
	s10 =	sld [smem:$0x3FB0]  }
0x3d: {  	_ =	shalt  }
0x3e: {  	_ =	shalt  }
0x3f: {  	_ =	shalt  }
0x40: {  	_ =	shalt  }
0x41: {  	_ =	shalt  }
0x42: {  	_ =	shalt  }
0x43: {  	_ =	shalt  }
0x44: {  	_ =	shalt  }
0x45: {  	_ =	shalt  }
0x46: {  	_ =	shalt  }
0x47: {  	_ =	shalt  }
0x48: {  	_ =	shalt  }
0x49: {  	_ =	shalt  }
0x4a: {  	_ =	shalt  }
0x4b: {  	_ =	shalt  }
0x4c: {  	_ =	shalt  }
0x4d: {  	_ =	shalt  }
0x4e: {  	_ =	shalt  }
0x4f: {  	_ =	shalt  }
0x50: {  	_ =	shalt  }
0x51: {  	_ =	shalt  }
0x52: {  	_ =	shalt  }
0x53: {  	_ =	shalt  }
0x54: {  	_ =	shalt  }
0x55: {  	_ =	shalt  }
0x56: {  	_ =	shalt  }
0x57: {  	_ =	shalt  }
0x58: {  	_ =	shalt  }
0x59: {  	_ =	shalt  }
0x5a: {  	_ =	shalt  }
0x5b: {  	_ =	shalt  }
0x5c: {  	_ =	shalt  }
0x5d: {  	_ =	shalt  }
0x5e: {  	_ =	shalt  }
0x5f: {  	_ =	shalt  }
0x60: {  	_ =	shalt  }
0x61: {  	_ =	shalt  }
0x62: {  	_ =	shalt  }
0x63: {  	_ =	shalt  }
0x64: {  	_ =	shalt  }
0x65: {  	_ =	shalt  }
0x66: {  	_ =	shalt  }
0x67: {  	_ =	shalt  }
0x68: {  	_ =	shalt  }
0x69: {  	_ =	shalt  }
0x6a: {  	_ =	shalt  }
0x6b: {  	_ =	shalt  }
0x6c: {  	_ =	shalt  }
0x6d: {  	_ =	shalt  }
0x6e: {  	_ =	shalt  }
0x6f: {  	_ =	shalt  }
0x70: {  	_ =	shalt  }
0x71: {  	_ =	shalt  }
0x72: {  	_ =	shalt  }
0x73: {  	_ =	shalt  }
0x74: {  	_ =	shalt  }
0x75: {  	_ =	shalt  }
0x76: {  	_ =	shalt  }
0x77: {  	_ =	shalt  }
0x78: {  	_ =	shalt  }
0x79: {  	_ =	shalt  }
0x7a: {  	_ =	shalt  }
0x7b: {  	_ =	shalt  }
0x7c: {  	_ =	shalt  }
0x7d: {  	_ =	shalt  }
0x7e: {  	_ =	shalt  }
0x7f: {  	_ =	shalt  }
0x80: {  	_ =	shalt  }
0x81: {  	_ =	shalt  }
0x82: {  	_ =	shalt  }
0x83: {  	_ =	shalt  }
0x84: {  	_ =	shalt  }
0x85: {  	_ =	shalt  }
0x86: {  	_ =	shalt  }
0x87: {  	_ =	shalt  }
.Lfunc_end0:
.L_simem_size_0:
called_computation.1_lowered:
.L_overlay_start_0:
0x88: {  	s2 =	sld [smem:$0x3FD9]  }
0x89: {  	s3 =	sld [smem:$0x3FFE];
	_ =	sdelay $0x1  }
0x8a: {  	s1 =	srdreg.scid  }
0x8b: {  	s0 =	sand.u32 $0x1, s1  }
0x8c: {  	s16 =	sshll.u32 s0, $0xA;
	s2 =	sadd.s32 s3, s2  }
0x8d: {  	s2 =	sadd.s32 s2, s16  }
0x8e: {  	[smem:$0x3FBC] =	sst s2  }
0x8f: {  	_ = 	snop  }
0x90: {  	(tm) =	ssettm $0x1  }
0x91: {  	s17 =	sld [smem:$0x3FFB];
	_ =	sdelay $0x3  }
0x92: {  	_ =	strace s17  }
0x93: {  	s2 =	sld [smem:$0x3FFC];
	_ =	sdelay $0x3  }
0x94: {  	_ =	strace s2  }
0x95: {  	s2 =	sld [smem:$0x3FFD];
	_ =	sdelay $0x3  }
0x96: {  	_ =	strace s2  }
0x97: {  	_ =	strace $0x8FFFFFFF  }
0x98: {  	s18 =	sld [smem:$0x3FDB];
	_ =	sdelay $0x1  }
0x99: {  	s19 =	simm.s32 $_scs_section_size  }
0x9a: {  	s4 =	simm.s32 $_size__tile_overlayer_lowered;
	s5 =	simm.s32 $_tile_overlayer_lowered  }
0x9b: {  	s22 =	simm.s32 $0x1BFF;
	s21 =	sshll.u32 s5, $0x1;
	s2 =	sadd.s32 s19, s18  }
0x9c: {  	s6 =	simm.s32 $0x0;
	s20 =	sshll.u32 s4, $0x1;
	s4 =	sadd.s32 s21, s2  }
0x9d: {  	[timem:s6], [sflag:s22] =	dma.local [hbm:s4], s20  }
0x9e: {  	_ =	swait.ge [sflag:s22], s20  }
0x9f: {  	s3 =	ssub.s32 $0x0, s20;
	[sflag:s22] =	ssyncset.done $0x0  }
0xa0: {  	[sflag:s22] =	ssyncadd.s32 s3;
	_ =	sdelay $0x1  }
0xa1: {  	s23 =	simm.s32 $0x1B8B  }
0xa2: {  	_ =	swait.ge [sflag:s23], $0x1  }
0xa3: {  	[sflag:s23] =	ssyncset.done $0x0  }
0xa4: {  	s25 =	simm.s32 $0x1B8E;
	s24 =	sld [smem:$0x3FFE];
	[sflag:s23] =	ssyncadd.s32 $0xFFFFFFFF  }
0xa5: {  	s26 =	simm.s32 $execute0_lowered;
	[smem:$0x3FD2] =	sst s25  }
0xa6: {  	s4 =	sshll.u32 s26, $0x1;
	_ =	strace $0x80000049;
	[dreg:$0x1] =	wrdreg $0xFFFFFFFF  }
0xa7: {  	s28 =	simm.s32 $_size_execute0_lowered;
	s2 =	sadd.s32 s2, s4;
	[dreg:$0x0] =	wrdreg $0x0  }
0xa8: {  	s4 =	sshll.u32 s28, $0x1;
	[dreg:$0x2] =	wrdreg s2  }
0xa9: {  	[dreg:$0x3] =	wrdreg s4  }
0xaa: {  	[dreg:$0x4] =	wrdreg $0xC0  }
0xab: {  	_ =	task [dreg:s6], $0x5FFFF  }
0xac: {  	[dreg:$0x1] =	wrdreg $0xFFFFFFFF  }
0xad: {  	[dreg:$0x0] =	wrdreg $0x60  }
0xae: {  	[dreg:$0x2] =	wrdreg s24  }
0xaf: {  	[dreg:$0x3] =	wrdreg $0x9  }
0xb0: {  	_ =	task.clear_ibuf [dreg:s6], $0x4FFFF;
	_ =	strace $0x90000049  }
0xb1: {  	s29 =	simm.s32 $0x9;
	_ =	strace $0x8000004B  }
0xb2: {  	_ =	swait.ge [sflag:s29], $0x1  }
0xb3: {  	[sflag:s29] =	ssyncadd.s32 $0xFFFFFFFF  }
0xb4: {  	_ =	strace $0x9000004B  }
0xb5: {  	_ =	sfence  }
0xb6: {  	s30 =	sld [smem:$0x0];
	_ =	sdelay $0x2  }
0xb7: {  	s31 =	sshll.u32 s1, $0xD;
	s1 =	sshrl.u32 s1, $0x2  }
0xb8: {  	s3 =	sand.u32 $0x4000, s31;
	s1 =	sadd.s32 s1, s30  }
0xb9: {  	s0 =	sor.u32 s3, s0;
	s1 =	sshll.u32 s1, $0x11  }
0xba: {  	s0 =	sor.u32 s1, s0  }
0xbb: {  	s0 =	sadd.s32 $0x8F2B, s0  }
0xbc: {  	[sflag:s0] =	ssyncadd.remote.s32 $0x1  }
0xbd: {  	_ =	sfence.sel $0xFFFF  }
0xbe: {  	[dreg:$0x0] =	wrdreg $0xFFFFFFFF;
	(pc) =	sbr.abs _section_cstart, $3  }
0xbf: {  	[dreg:$0x1] =	wrdreg $0xFFFFFFFF  }
0xc0: {  	_ =	task.clear_ibuf [dreg:s6], $0x2FFFF;
	_ =	strace $0x9FFFFFFF  }
0xc1: {  	(tm) =	ssettm $0x7FFFFFFF  }
tec
execute0_lowered:
.L_overlay_start_1:
0x0: {  	(tag) =	ssettag $0x1  }
0x1: {  	s7 =	rddreg [dreg:$0x0]  }
0x2: {  	s0 =	rddreg [dreg:$0x1]  }
0x3: {  	s1 =	simm.s32 $0x0;
	s2 =	srdreg.scid;
	s12 =	simm.s32 $0x1900  }
0x4: {  	s13 =	simm.s32 $0x3200;
	s14 =	simm.s32 $0x4B00;
	s15 =	simm.s32 $0x0  }
0x5: {  	[smem:$0x7FF] =	sst s1;
	s3 =	sadd.s32 $0x66A00, s7;
	s8 =	sand.u32 $0x1, s2  }
0x6: {  	s4 =	sadd.s32 $0x2000, s7;
	s2 =	stileid.u32;
	s5 =	sadd.s32 $0x1B000, s7  }
0x7: {  	s6 =	sadd.s32 $0x35A00, s7;
	s7 =	sadd.s32 $0x37400, s7;
	s9 =	ssub.s32 $0x2, s8  }
0x8: {  	_ =	strace $0x8000004A;
	s11 =	sshll.u32 s2, $0x1;
	s10 =	sshrl.u32 s9, $0x1  }
0x9: {  	s8 =	sor.u32 s8, s11;
	s11 =	simm.s32 $0x1;
	s9 =	ssub.s32 s9, s10  }
0xa: {  	s8 =	smul.u32 $0x6400, s8;
	s10 =	simm.s32 $0x6400;
	s9 =	smax.u32 s9, $0x1  }
.LBB2_1:
0xb: {  	[tilespmem:s10], [sflag:$0x1] =	stream.linear.gather [hbm4b:s6+s1], $0xC400, $0x38;
	[tilespmem:$0x12800] =	vst v63  }
0xc: {  	_ =	swait.ge [sflag:s11], $0xC400  }
0xd: {  	[sflag:s11] =	ssyncset.done $0x0  }
0xe: {  	s16 =	simm.s32 $0x0;
	[sflag:s11] =	ssyncadd.s32 $0xFFFF3C00  }
.LBB2_2:
0xf: {  	s17 =	smul.u32 $0x1900, s16;
	_ =	sdelay $0x1  }
0x10: {  	s17 =	sadd.s32 s8, s17  }
0x11: {  	s17 =	sshrl.u32 s17, $0x3  }
0x12: {  	s19 =	simm.s32 $0x0;
	s18 =	sadd.s32 s3, s17  }
0x13: {  	[tilespmem:s19], [sflag:$0x1] =	stream.linear.gather [hbm4b:s18+s19], $0x1900, $0x38;
	[tilespmem:$0x12800] =	vst v63  }
0x14: {  	_ =	swait.ge [sflag:s11], $0x1900  }
0x15: {  	[sflag:s11] =	ssyncset.done $0x0  }
0x16: {  	s30 =	sadd.s32 s4, s17;
	[sflag:s11] =	ssyncadd.s32 $0xFFFFE700  }
0x17: {  	[tilespmem:s12], [sflag:$0x1] =	stream.linear.gather [hbm4b:s30+s19], $0x1900, $0x38;
	[tilespmem:$0x12800] =	vst v63  }
0x18: {  	_ =	swait.ge [sflag:s11], $0x1900  }
0x19: {  	[sflag:s11] =	ssyncset.done $0x0  }
0x1a: {  	s31 =	sadd.s32 s5, s17;
	[sflag:s11] =	ssyncadd.s32 $0xFFFFE700  }
0x1b: {  	[tilespmem:s13], [sflag:$0x1] =	stream.linear.gather [hbm4b:s31+s19], $0x1900, $0x38;
	[tilespmem:$0x12800] =	vst v63  }
0x1c: {  	_ =	swait.ge [sflag:s11], $0x1900  }
0x1d: {  	[sflag:s11] =	ssyncset.done $0x0  }
0x1e: {  	s18 =	simm.s32 $0x0;
	[sflag:s11] =	ssyncadd.s32 $0xFFFFE700  }
0x1f: {  	v0 =	vld [tilespmem:s18+$0x0]  }
0x20: {  	v2 =	vld [tilespmem:s18+$0x1900];
	_ =	sdelay $0x5  }
0x21: {  	v1 =	vld [tilespmem:s18+$0x3200]  }
0x22: {  	v0 =	vld.idx.msk [tilespmem:v0+s10+$0x0], $0xffff  }
0x23: {  	s20 =	simm.s32 $0x80;
	s19 =	simm.s32 $0x10;
	v2 =	vld.idx.msk [tilespmem:v2+s10+$0x0], $0xffff  }
.LBB2_3:
0x24: {  	p0 =	sne.s32 s20, $0x63C0;
	v3 =	vld [tilespmem:s19+$0x0];
	_ =	sdelay $0x1  }
0x25: {  	v4 =	vld [tilespmem:s19+$0x1900]  }
0x26: {  	v0 =	vmul.f32 v0, v1;
	_ =	sdelay $0x1  }
0x27: {  	v0 =	vmul.f32 v2, v0  }
.Ltmp0:
0x28: {  	(pc) =	sbr.rel @p0 .LBB2_3-.Ltmp0, $4  }
0x29: {  	[tilespmem:s18+$0x4B00] =	vst v0;
	s18 =	smov.u32 s19  }
0x2a: {  	v0 =	vld.idx.msk [tilespmem:v3+s10+$0x0], $0xffff  }
0x2b: {  	v1 =	vld [tilespmem:s18+$0x3200]  }
0x2c: {  	s19 =	sshra.s32 s20, $0x2;
	s20 =	sadd.s32 $0x40, s20;
	v2 =	vld.idx.msk [tilespmem:v4+s10+$0x0], $0xffff  }
0x2d: {  	v3 =	vld [tilespmem:s19+$0x0];
	_ =	sdelay $0x2  }
0x2e: {  	v4 =	vld [tilespmem:s19+$0x1900];
	v0 =	vmul.f32 v0, v1;
	_ =	sdelay $0x1  }
0x2f: {  	v0 =	vmul.f32 v2, v0;
	_ =	sdelay $0x1  }
0x30: {  	[tilespmem:s18+$0x4B00] =	vst v0  }
0x31: {  	v0 =	vld.idx.msk [tilespmem:v3+s10+$0x0], $0xffff  }
0x32: {  	v62 =	vld [tilespmem:s19+$0x3200];
	_ =	sdelay $0x1  }
0x33: {  	v63 =	vld.idx.msk [tilespmem:v4+s10+$0x0], $0xffff;
	_ =	sdelay $0x2  }
0x34: {  	v0 =	vmul.f32 v0, v62;
	_ =	sdelay $0x1  }
0x35: {  	s16 =	sadd.s32 $0x1, s16;
	v0 =	vmul.f32 v63, v0  }
0x36: {  	p0 =	sne.s32 s16, $0x4  }
.Ltmp1:
0x37: {  	s17 =	sadd.s32 s7, s17;
	[tilespmem:s19+$0x4B00] =	vst v0;
	(pc) =	sbr.rel @p0 .LBB2_2-.Ltmp1, $4  }
0x38: {  	[hbm4b:s17+s1] =	stream.linear.scatter [tilespmem:s14], [sflag:$0x1], $0x1900, $0x38;
	[tilespmem:$0x12800] =	vst v63  }
0x39: {  	_ =	swait.ge [sflag:s11], $0x1900  }
0x3a: {  	[sflag:s11] =	ssyncset.done $0x0  }
0x3b: {  	[sflag:s11] =	ssyncadd.s32 $0xFFFFE700  }
0x3c: {  	s15 =	sadd.s32 $0x1, s15  }
0x3d: {  	p0 =	sne.s32 s15, s9  }
.Ltmp2:
0x3e: {  	_ = 	snop;
	(pc) =	sbr.rel @p0 .LBB2_1-.Ltmp2, $1  }
0x3f: {  	_ =	sdelay $0x3  }
0x40: {  	_ =	sfence.sel $0x180000  }
0x41: {  	[bflag:$0x0] =	sbarrier.arrive $0xFFFF  }
0x42: {  	p0 =	sne.s32 s2, $0x0;
	_ =	strace $0x9000004A  }
0x43: {  	s0 =	sadd.s32 @!p0 $0x100000, s0;
	[bflag:$0x2] =	sbarrier.arrive $0xFFFF  }
0x44: {  	[sflag:s0] =	ssyncadd.tile.s32 @!p0 $0x1;
	_ =	shalt  }
.Lfunc_end2:
_tile_overlayer_lowered:
.L_overlay_start_2:
0x45: {  	(tag) =	ssettag $0x2  }
0x46: {  	s0 =	rddreg [dreg:$0x0];
	s2 =	stileid.u32  }
0x47: {  	s1 =	rddreg [dreg:$0x1];
	p0 =	sne.s32 s2, $0x0  }
0x48: {  	s3 =	rddreg [dreg:$0x2];
	[bflag:$0x3] =	sbarrier.arrive $0xFFFF;
	s2 =	simm.s32 @!p0 $0x1C01  }
0x49: {  	[timem:s3], [sflag:s2] =	dma.local @!p0 [hbm:s0], s1  }
0x4a: {  	s0 =	simm.s32 @!p0 $0x1  }
0x4b: {  	_ =	swait.ge @!p0 [sflag:s0], s1  }
0x4c: {  	s1 =	ssub.s32 @!p0 $0x0, s1;
	[sflag:s0] =	ssyncset.done @!p0 $0x0  }
0x4d: {  	[sflag:s0] =	ssyncadd.s32 @!p0 s1  }
0x4e: {  	[bflag:$0x3] =	sbarrier.arrive $0xFFFF  }
0x4f: {  	_ =	shalt  }

// kernel: kernel.15.cloned.1.call-start
scs
__scs_entry_jumppad:
0x0: {  	(pc) =	sbr.rel $0x88, $3  }
0x1: {  	(tag) =	ssettag $0x0;
	lr =	simm.s32 $0x1  }
0x2: {  	[smem:$0x3F95] =	sst lr;
	_ =	strace $0xD0000000  }
0x3: {  	_ = 	snop  }
0x4: {  	_ = 	snop  }
0x5: {  	_ = 	snop  }
0x6: {  	_ = 	snop  }
0x7: {  	_ = 	snop  }
__scs_overlays_trampoline_lowered:
0x8: {  	[smem:$0x3FA4] =	sst s0  }
0x9: {  	[smem:$0x3FA5] =	sst s1  }
0xa: {  	[smem:$0x3FA6] =	sst s2  }
0xb: {  	[smem:$0x3FA7] =	sst s3  }
0xc: {  	[smem:$0x3FA8] =	sst s4  }
0xd: {  	[smem:$0x3FA9] =	sst s5  }
0xe: {  	[smem:$0x3FAA] =	sst s6  }
0xf: {  	[smem:$0x3FAB] =	sst s7  }
0x10: {  	[smem:$0x3FAC] =	sst s8  }
0x11: {  	[smem:$0x3FAD] =	sst s9;
	s0 =	simm.s32 @!p0 $0x0  }
0x12: {  	s1 =	sld [smem:$0x3F93];
	s0 =	simm.s32 @p0 $0x1  }
0x13: {  	[smem:$0x3FAE] =	sst s0;
	s0 =	simm.s32 @!p1 $0x0  }
0x14: {  	s2 =	sld [smem:$0x3F92];
	s0 =	simm.s32 @p1 $0x1  }
0x15: {  	[smem:$0x3FAF] =	sst s0;
	s0 =	simm.s32 @!p2 $0x0  }
0x16: {  	s3 =	sld [smem:$0x3FDB];
	s0 =	simm.s32 @p2 $0x1  }
0x17: {  	s4 =	simm.s32 $0x1BF5;
	[smem:$0x3FB1] =	sst s0  }
0x18: {  	s0 =	sld [smem:$0x3F94];
	_ =	swait.ge [sflag:s4], $0x0  }
0x19: {  	s7 =	sld [smem:$0x3F95]  }
0x1a: {  	s8 =	sadd.s32 $0xFFFFE003, lr  }
0x1b: {  	s9 =	sadd.s32 $0xFFFFFEF7, lr;
	s5 =	simm.s32 $0xFFFFFFFF;
	p2 =	slt.u32 s8, $0xFFFFF086  }
0x1c: {  	p1 =	slt.u32 s9, $0xF7A;
	s5 =	simm.s32 @!p2 $0x0  }
0x1d: {  	s5 =	simm.s32 @p1 $0x1;
	p0 =	seq.s32 s7, s2  }
0x1e: {  	s7 =	smul.u32 @!p0 $0xF7A, s2;
	p2 =	seq.s32 @!p0 s5, $0x0  }
0x1f: {  	s9 =	smul.u32 $0xF7A, s1;
	s8 =	simm.s32 @!p0 $0x1BF5;
	p2 =	por !p2, p0  }
0x20: {  	[sflag:s8] =	ssyncset.s32 @!p0 $0xFFFFF086;
	s6 =	sadd.s32 @!p0 s3, s7;
	s7 =	simm.s32 @!p0 $0x108  }
0x21: {  	s3 =	sadd.s32 s3, s9;
	s6 =	sadd.s32 @!p0 $0x88, s6;
	s7 =	simm.s32 @p2 $0x1082  }
0x22: {  	[simem:s7], [sflag:s8] =	dma.local @!p0 [hbm:s6], $0xF7A  }
0x23: {  	s9 =	sor.u32 $0xD0000000, s2;
	s6 =	simm.s32 $0x108;
	_ =	swait.ge @!p0 [sflag:s8], $0x0  }
0x24: {  	s3 =	sadd.s32 $0x88, s3;
	s6 =	simm.s32 @!p1 $0x1082;
	[sflag:s4] =	ssyncset.s32 $0xFFFFF086  }
0x25: {  	[simem:s6], [sflag:s4] =	dma.local [hbm:s3], $0xF7A  }
0x26: {  	[smem:$0x3F95] =	sst s1;
	(tag) =	ssettag s2;
	_ =	strace s9  }
0x27: {  	s1 =	sld [smem:$0x3FA5]  }
0x28: {  	s2 =	sld [smem:$0x3FA6]  }
0x29: {  	s4 =	sld [smem:$0x3FA8]  }
0x2a: {  	p0 =	seq.s32 s5, $0x0;
	s5 =	sld [smem:$0x3FA9]  }
0x2b: {  	s6 =	sld [smem:$0x3FAA]  }
0x2c: {  	s7 =	sld [smem:$0x3FAB]  }
0x2d: {  	s3 =	simm.s32 $0x108;
	s8 =	sld [smem:$0x3FAC]  }
0x2e: {  	s3 =	simm.s32 @!p0 $0x1082;
	s9 =	sld [smem:$0x3FAD]  }
0x2f: {  	lr =	sadd.s32 s0, s3;
	s0 =	sld [smem:$0x3FA4]  }
0x30: {  	s3 =	sld [smem:$0x3FA7]  }
0x31: {  	[smem:$0x3FB0] =	sst s10  }
0x32: {  	s10 =	sld [smem:$0x3FAE];
	_ =	sdelay $0x3  }
0x33: {  	p0 =	seq.s32 s10, $0x1;
	s10 =	sld [smem:$0x3FB0];
	_ =	sdelay $0x3  }
0x34: {  	[smem:$0x3FB0] =	sst s10  }
0x35: {  	s10 =	sld [smem:$0x3FAF];
	_ =	sdelay $0x3  }
0x36: {  	p1 =	seq.s32 s10, $0x1;
	s10 =	sld [smem:$0x3FB0];
	_ =	sdelay $0x3  }
0x37: {  	[smem:$0x3FB0] =	sst s10  }
0x38: {  	s10 =	sld [smem:$0x3FB1]  }
0x39: {  	_ = 	snop;
	(pc) =	sbr.ind lr, $3  }
0x3a: {  	_ = 	snop  }
0x3b: {  	_ = 	snop  }
0x3c: {  	p2 =	seq.s32 s10, $0x1;
	s10 =	sld [smem:$0x3FB0]  }
0x3d: {  	_ =	shalt  }
0x3e: {  	_ =	shalt  }
0x3f: {  	_ =	shalt  }
0x40: {  	_ =	shalt  }
0x41: {  	_ =	shalt  }
0x42: {  	_ =	shalt  }
0x43: {  	_ =	shalt  }
0x44: {  	_ =	shalt  }
0x45: {  	_ =	shalt  }
0x46: {  	_ =	shalt  }
0x47: {  	_ =	shalt  }
0x48: {  	_ =	shalt  }
0x49: {  	_ =	shalt  }
0x4a: {  	_ =	shalt  }
0x4b: {  	_ =	shalt  }
0x4c: {  	_ =	shalt  }
0x4d: {  	_ =	shalt  }
0x4e: {  	_ =	shalt  }
0x4f: {  	_ =	shalt  }
0x50: {  	_ =	shalt  }
0x51: {  	_ =	shalt  }
0x52: {  	_ =	shalt  }
0x53: {  	_ =	shalt  }
0x54: {  	_ =	shalt  }
0x55: {  	_ =	shalt  }
0x56: {  	_ =	shalt  }
0x57: {  	_ =	shalt  }
0x58: {  	_ =	shalt  }
0x59: {  	_ =	shalt  }
0x5a: {  	_ =	shalt  }
0x5b: {  	_ =	shalt  }
0x5c: {  	_ =	shalt  }
0x5d: {  	_ =	shalt  }
0x5e: {  	_ =	shalt  }
0x5f: {  	_ =	shalt  }
0x60: {  	_ =	shalt  }
0x61: {  	_ =	shalt  }
0x62: {  	_ =	shalt  }
0x63: {  	_ =	shalt  }
0x64: {  	_ =	shalt  }
0x65: {  	_ =	shalt  }
0x66: {  	_ =	shalt  }
0x67: {  	_ =	shalt  }
0x68: {  	_ =	shalt  }
0x69: {  	_ =	shalt  }
0x6a: {  	_ =	shalt  }
0x6b: {  	_ =	shalt  }
0x6c: {  	_ =	shalt  }
0x6d: {  	_ =	shalt  }
0x6e: {  	_ =	shalt  }
0x6f: {  	_ =	shalt  }
0x70: {  	_ =	shalt  }
0x71: {  	_ =	shalt  }
0x72: {  	_ =	shalt  }
0x73: {  	_ =	shalt  }
0x74: {  	_ =	shalt  }
0x75: {  	_ =	shalt  }
0x76: {  	_ =	shalt  }
0x77: {  	_ =	shalt  }
0x78: {  	_ =	shalt  }
0x79: {  	_ =	shalt  }
0x7a: {  	_ =	shalt  }
0x7b: {  	_ =	shalt  }
0x7c: {  	_ =	shalt  }
0x7d: {  	_ =	shalt  }
0x7e: {  	_ =	shalt  }
0x7f: {  	_ =	shalt  }
0x80: {  	_ =	shalt  }
0x81: {  	_ =	shalt  }
0x82: {  	_ =	shalt  }
0x83: {  	_ =	shalt  }
0x84: {  	_ =	shalt  }
0x85: {  	_ =	shalt  }
0x86: {  	_ =	shalt  }
0x87: {  	_ =	shalt  }
.Lfunc_end0:
.L_simem_size_0:
called_computation.2_lowered:
.L_overlay_start_0:
0x88: {  	s2 =	sld [smem:$0x3FD9]  }
0x89: {  	s3 =	sld [smem:$0x3FFE];
	_ =	sdelay $0x1  }
0x8a: {  	s1 =	srdreg.scid  }
0x8b: {  	s0 =	sand.u32 $0x1, s1  }
0x8c: {  	s16 =	sshll.u32 s0, $0xA;
	s2 =	sadd.s32 s3, s2  }
0x8d: {  	s2 =	sadd.s32 s2, s16  }
0x8e: {  	[smem:$0x3FBC] =	sst s2  }
0x8f: {  	_ = 	snop  }
0x90: {  	(tm) =	ssettm $0x1  }
0x91: {  	s17 =	sld [smem:$0x3FFB];
	_ =	sdelay $0x3  }
0x92: {  	_ =	strace s17  }
0x93: {  	s2 =	sld [smem:$0x3FFC];
	_ =	sdelay $0x3  }
0x94: {  	_ =	strace s2  }
0x95: {  	s2 =	sld [smem:$0x3FFD];
	_ =	sdelay $0x3  }
0x96: {  	_ =	strace s2  }
0x97: {  	_ =	strace $0x8FFFFFFF  }
0x98: {  	s18 =	sld [smem:$0x3FDB];
	_ =	sdelay $0x1  }
0x99: {  	s19 =	simm.s32 $_scs_section_size  }
0x9a: {  	s4 =	simm.s32 $_size__tile_overlayer_lowered;
	s5 =	simm.s32 $_tile_overlayer_lowered  }
0x9b: {  	s22 =	simm.s32 $0x1BFF;
	s21 =	sshll.u32 s5, $0x1;
	s2 =	sadd.s32 s19, s18  }
0x9c: {  	s6 =	simm.s32 $0x0;
	s20 =	sshll.u32 s4, $0x1;
	s4 =	sadd.s32 s21, s2  }
0x9d: {  	[timem:s6], [sflag:s22] =	dma.local [hbm:s4], s20  }
0x9e: {  	_ =	swait.ge [sflag:s22], s20  }
0x9f: {  	s3 =	ssub.s32 $0x0, s20;
	[sflag:s22] =	ssyncset.done $0x0  }
0xa0: {  	[sflag:s22] =	ssyncadd.s32 s3;
	_ =	sdelay $0x1  }
0xa1: {  	s23 =	simm.s32 $0x1B8B  }
0xa2: {  	_ =	swait.ge [sflag:s23], $0x1  }
0xa3: {  	[sflag:s23] =	ssyncset.done $0x0  }
0xa4: {  	s25 =	simm.s32 $0x1B8E;
	s24 =	sld [smem:$0x3FFE];
	[sflag:s23] =	ssyncadd.s32 $0xFFFFFFFF  }
0xa5: {  	s26 =	simm.s32 $execute0_lowered;
	[smem:$0x3FD2] =	sst s25  }
0xa6: {  	s4 =	sshll.u32 s26, $0x1;
	_ =	strace $0x8000004C;
	[dreg:$0x1] =	wrdreg $0xFFFFFFFF  }
0xa7: {  	s28 =	simm.s32 $_size_execute0_lowered;
	s2 =	sadd.s32 s2, s4;
	[dreg:$0x0] =	wrdreg $0x0  }
0xa8: {  	s4 =	sshll.u32 s28, $0x1;
	[dreg:$0x2] =	wrdreg s2  }
0xa9: {  	[dreg:$0x3] =	wrdreg s4  }
0xaa: {  	[dreg:$0x4] =	wrdreg $0xC0  }
0xab: {  	_ =	task [dreg:s6], $0x5FFFF  }
0xac: {  	[dreg:$0x1] =	wrdreg $0xFFFFFFFF  }
0xad: {  	[dreg:$0x0] =	wrdreg $0x60  }
0xae: {  	[dreg:$0x2] =	wrdreg s24  }
0xaf: {  	[dreg:$0x3] =	wrdreg $0x9  }
0xb0: {  	_ =	task.clear_ibuf [dreg:s6], $0x4FFFF;
	_ =	strace $0x9000004C  }
0xb1: {  	s29 =	simm.s32 $0x9;
	_ =	strace $0x8000004E  }
0xb2: {  	_ =	swait.ge [sflag:s29], $0x1  }
0xb3: {  	[sflag:s29] =	ssyncadd.s32 $0xFFFFFFFF  }
0xb4: {  	_ =	strace $0x9000004E  }
0xb5: {  	_ =	sfence  }
0xb6: {  	s30 =	sld [smem:$0x0];
	_ =	sdelay $0x2  }
0xb7: {  	s31 =	sshll.u32 s1, $0xD;
	s1 =	sshrl.u32 s1, $0x2  }
0xb8: {  	s3 =	sand.u32 $0x4000, s31;
	s1 =	sadd.s32 s1, s30  }
0xb9: {  	s0 =	sor.u32 s3, s0;
	s1 =	sshll.u32 s1, $0x11  }
0xba: {  	s0 =	sor.u32 s1, s0  }
0xbb: {  	s0 =	sadd.s32 $0x8F2B, s0  }
0xbc: {  	[sflag:s0] =	ssyncadd.remote.s32 $0x1  }
0xbd: {  	_ =	sfence.sel $0xFFFF  }
0xbe: {  	[dreg:$0x0] =	wrdreg $0xFFFFFFFF;
	(pc) =	sbr.abs _section_cstart, $3  }
0xbf: {  	[dreg:$0x1] =	wrdreg $0xFFFFFFFF  }
0xc0: {  	_ =	task.clear_ibuf [dreg:s6], $0x2FFFF;
	_ =	strace $0x9FFFFFFF  }
0xc1: {  	(tm) =	ssettm $0x7FFFFFFF  }
tec
execute0_lowered:
.L_overlay_start_1:
0x0: {  	(tag) =	ssettag $0x1  }
0x1: {  	s12 =	rddreg [dreg:$0x0]  }
0x2: {  	s0 =	rddreg [dreg:$0x1];
	s2 =	simm.s32 $0x0;
	s3 =	srdreg.scid  }
0x3: {  	s1 =	stileid.u32;
	s15 =	simm.s32 $0x4B00;
	s16 =	simm.s32 $0x1  }
0x4: {  	s17 =	simm.s32 $0x10F00;
	s18 =	simm.s32 $0x1900;
	s19 =	simm.s32 $0x3200  }
0x5: {  	s20 =	simm.s32 $0x0;
	[smem:$0x7FF] =	sst s2;
	s7 =	sand.u32 $0x1, s3  }
0x6: {  	s31 =	sshll.u32 s1, $0x1;
	s3 =	sadd.s32 $0x66A00, s12;
	s4 =	sadd.s32 $0x2000, s12  }
0x7: {  	s5 =	sadd.s32 $0x37400, s12;
	s6 =	sadd.s32 $0x50400, s12;
	s8 =	sor.u32 s7, s31  }
0x8: {  	_ =	strace $0x8000004D;
	s10 =	ssub.s32 $0x2, s7;
	s9 =	smul.u32 $0xC400, s8  }
0x9: {  	s7 =	sadd.s32 $0x34000, s12;
	s11 =	sshrl.u32 s10, $0x1;
	s8 =	smul.u32 $0x6400, s8  }
0xa: {  	s14 =	ssub.s32 s10, s11;
	s10 =	sadd.s32 $0x51C80, s12;
	s9 =	sshrl.u32 s9, $0x3  }
0xb: {  	s14 =	smax.u32 s14, $0x1;
	s13 =	sadd.s32 s9, s12;
	s12 =	sadd.s32 $0x53500, s12  }
0xc: {  	s9 =	sadd.s32 $0x7FA00, s13;
	s11 =	sadd.s32 $0xB0A00, s13;
	s13 =	sadd.s32 $0xE1A00, s13  }
.LBB2_1:
0xd: {  	[tilespmem:s15], [sflag:$0x1] =	stream.linear.gather [hbm4b:s6+s2], $0xC400, $0x38;
	[tilespmem:$0x1D300] =	vst v63  }
0xe: {  	_ =	swait.ge [sflag:s16], $0xC400  }
0xf: {  	[sflag:s16] =	ssyncset.done $0x0  }
0x10: {  	[sflag:s16] =	ssyncadd.s32 $0xFFFF3C00  }
0x11: {  	[tilespmem:s17], [sflag:$0x1] =	stream.linear.gather [hbm4b:s7+s2], $0xC400, $0x38;
	[tilespmem:$0x1D300] =	vst v63  }
0x12: {  	_ =	swait.ge [sflag:s16], $0xC400  }
0x13: {  	[sflag:s16] =	ssyncset.done $0x0  }
0x14: {  	s21 =	simm.s32 $0x0;
	[sflag:s16] =	ssyncadd.s32 $0xFFFF3C00  }
.LBB2_2:
0x15: {  	s22 =	smul.u32 $0x1900, s21;
	_ =	sdelay $0x1  }
0x16: {  	s22 =	sadd.s32 s8, s22  }
0x17: {  	s22 =	sshrl.u32 s22, $0x3  }
0x18: {  	s24 =	simm.s32 $0x0;
	s23 =	sadd.s32 s3, s22  }
0x19: {  	[tilespmem:s24], [sflag:$0x1] =	stream.linear.gather [hbm4b:s23+s24], $0x1900, $0x38;
	[tilespmem:$0x1D300] =	vst v63  }
0x1a: {  	_ =	swait.ge [sflag:s16], $0x1900  }
0x1b: {  	[sflag:s16] =	ssyncset.done $0x0  }
0x1c: {  	s31 =	sadd.s32 s4, s22;
	[sflag:s16] =	ssyncadd.s32 $0xFFFFE700  }
0x1d: {  	[tilespmem:s18], [sflag:$0x1] =	stream.linear.gather [hbm4b:s31+s24], $0x1900, $0x38;
	[tilespmem:$0x1D300] =	vst v63  }
0x1e: {  	_ =	swait.ge [sflag:s16], $0x1900  }
0x1f: {  	[sflag:s16] =	ssyncset.done $0x0  }
0x20: {  	s22 =	sadd.s32 s5, s22;
	[sflag:s16] =	ssyncadd.s32 $0xFFFFE700  }
0x21: {  	[tilespmem:s19], [sflag:$0x1] =	stream.linear.gather [hbm4b:s22+s24], $0x1900, $0x38;
	[tilespmem:$0x1D300] =	vst v63  }
0x22: {  	_ =	swait.ge [sflag:s16], $0x1900  }
0x23: {  	[sflag:s16] =	ssyncset.done $0x0  }
0x24: {  	s23 =	simm.s32 $0x0;
	s22 =	simm.s32 $0x40;
	[sflag:s16] =	ssyncadd.s32 $0xFFFFE700  }
.LBB2_3:
0x25: {  	p0 =	sne.s32 s22, $0x63C0;
	v0 =	vld [tilespmem:s23+$0x0];
	_ =	sdelay $0x6  }
0x26: {  	v1 =	vld [tilespmem:s23+$0x1900]  }
0x27: {  	v0 =	vld.idx.msk [tilespmem:v0+s15+$0x0], $0xffff  }
0x28: {  	v2 =	vld [tilespmem:s23+$0x3200];
	_ =	sdelay $0x2  }
.Ltmp0:
0x29: {  	(pc) =	sbr.rel @p0 .LBB2_3-.Ltmp0, $3  }
0x2a: {  	_ = 	snop  }
0x2b: {  	v0 =	vmul.f32 v0, v2;
	_ =	sdelay $0x1  }
0x2c: {  	s23 =	sshra.s32 s22, $0x2;
	s22 =	sadd.s32 $0x40, s22;
	[tilespmem:v1+s17+$0x0] =	vst.idx.add.f32.msk $0xffff, v0  }
0x2d: {  	v0 =	vld [tilespmem:s23+$0x0];
	_ =	sdelay $0x5  }
0x2e: {  	v1 =	vld [tilespmem:s23+$0x1900]  }
0x2f: {  	v2 =	vld [tilespmem:s23+$0x3200]  }
0x30: {  	v0 =	vld.idx.msk [tilespmem:v0+s15+$0x0], $0xffff  }
0x31: {  	s21 =	sadd.s32 $0x1, s21  }
0x32: {  	p0 =	sne.s32 s21, $0x4  }
.Ltmp1:
0x33: {  	_ = 	snop;
	(pc) =	sbr.rel @p0 .LBB2_2-.Ltmp1, $3  }
0x34: {  	_ = 	snop  }
0x35: {  	v0 =	vmul.f32 v0, v2;
	_ =	sdelay $0x1  }
0x36: {  	[tilespmem:v1+s17+$0x0] =	vst.idx.add.f32.msk $0xffff, v0  }
0x37: {  	s21 =	simm.s32 $0x0  }
0x38: {  	[hbm4b:s9+s21] =	stream.linear.scatter [tilespmem:s17], [sflag:$0x1], $0xC400, $0x38;
	[tilespmem:$0x1D300] =	vst v63  }
0x39: {  	_ =	swait.ge [sflag:s16], $0xC400  }
0x3a: {  	[sflag:s16] =	ssyncset.done $0x0  }
0x3b: {  	[sflag:s16] =	ssyncadd.s32 $0xFFFF3C00  }
0x3c: {  	[tilespmem:s15], [sflag:$0x1] =	stream.linear.gather [hbm4b:s10+s21], $0xC400, $0x38;
	[tilespmem:$0x1D300] =	vst v63  }
0x3d: {  	_ =	swait.ge [sflag:s16], $0xC400  }
0x3e: {  	[sflag:s16] =	ssyncset.done $0x0  }
0x3f: {  	[sflag:s16] =	ssyncadd.s32 $0xFFFF3C00  }
0x40: {  	[tilespmem:s17], [sflag:$0x1] =	stream.linear.gather [hbm4b:s7+s21], $0xC400, $0x38;
	[tilespmem:$0x1D300] =	vst v63  }
0x41: {  	_ =	swait.ge [sflag:s16], $0xC400  }
0x42: {  	[sflag:s16] =	ssyncset.done $0x0  }
0x43: {  	s22 =	simm.s32 $0x0;
	[sflag:s16] =	ssyncadd.s32 $0xFFFF3C00  }
.LBB2_6:
0x44: {  	s23 =	smul.u32 $0x1900, s22;
	_ =	sdelay $0x1  }
0x45: {  	s23 =	sadd.s32 s8, s23  }
0x46: {  	s23 =	sshrl.u32 s23, $0x3  }
0x47: {  	s24 =	sadd.s32 s3, s23  }
0x48: {  	[tilespmem:s21], [sflag:$0x1] =	stream.linear.gather [hbm4b:s24+s21], $0x1900, $0x38;
	[tilespmem:$0x1D300] =	vst v63  }
0x49: {  	_ =	swait.ge [sflag:s16], $0x1900  }
0x4a: {  	[sflag:s16] =	ssyncset.done $0x0  }
0x4b: {  	s31 =	sadd.s32 s4, s23;
	[sflag:s16] =	ssyncadd.s32 $0xFFFFE700  }
0x4c: {  	[tilespmem:s18], [sflag:$0x1] =	stream.linear.gather [hbm4b:s31+s21], $0x1900, $0x38;
	[tilespmem:$0x1D300] =	vst v63  }
0x4d: {  	_ =	swait.ge [sflag:s16], $0x1900  }
0x4e: {  	[sflag:s16] =	ssyncset.done $0x0  }
0x4f: {  	s23 =	sadd.s32 s5, s23;
	[sflag:s16] =	ssyncadd.s32 $0xFFFFE700  }
0x50: {  	[tilespmem:s19], [sflag:$0x1] =	stream.linear.gather [hbm4b:s23+s21], $0x1900, $0x38;
	[tilespmem:$0x1D300] =	vst v63  }
0x51: {  	_ =	swait.ge [sflag:s16], $0x1900  }
0x52: {  	[sflag:s16] =	ssyncset.done $0x0  }
0x53: {  	s24 =	simm.s32 $0x0;
	s23 =	simm.s32 $0x40;
	[sflag:s16] =	ssyncadd.s32 $0xFFFFE700  }
.LBB2_7:
0x54: {  	p0 =	sne.s32 s23, $0x63C0;
	v0 =	vld [tilespmem:s24+$0x0];
	_ =	sdelay $0x6  }
0x55: {  	v1 =	vld [tilespmem:s24+$0x1900]  }
0x56: {  	v0 =	vld.idx.msk [tilespmem:v0+s15+$0x0], $0xffff  }
0x57: {  	v2 =	vld [tilespmem:s24+$0x3200];
	_ =	sdelay $0x2  }
.Ltmp2:
0x58: {  	(pc) =	sbr.rel @p0 .LBB2_7-.Ltmp2, $3  }
0x59: {  	_ = 	snop  }
0x5a: {  	v0 =	vmul.f32 v0, v2;
	_ =	sdelay $0x1  }
0x5b: {  	s24 =	sshra.s32 s23, $0x2;
	s23 =	sadd.s32 $0x40, s23;
	[tilespmem:v1+s17+$0x0] =	vst.idx.add.f32.msk $0xffff, v0  }
0x5c: {  	v0 =	vld [tilespmem:s24+$0x0];
	_ =	sdelay $0x5  }
0x5d: {  	v1 =	vld [tilespmem:s24+$0x1900]  }
0x5e: {  	v2 =	vld [tilespmem:s24+$0x3200]  }
0x5f: {  	v0 =	vld.idx.msk [tilespmem:v0+s15+$0x0], $0xffff  }
0x60: {  	s22 =	sadd.s32 $0x1, s22  }
0x61: {  	p0 =	sne.s32 s22, $0x4  }
.Ltmp3:
0x62: {  	_ = 	snop;
	(pc) =	sbr.rel @p0 .LBB2_6-.Ltmp3, $3  }
0x63: {  	_ = 	snop  }
0x64: {  	v0 =	vmul.f32 v0, v2;
	_ =	sdelay $0x1  }
0x65: {  	[tilespmem:v1+s17+$0x0] =	vst.idx.add.f32.msk $0xffff, v0  }
0x66: {  	s21 =	simm.s32 $0x0  }
0x67: {  	[hbm4b:s11+s21] =	stream.linear.scatter [tilespmem:s17], [sflag:$0x1], $0xC400, $0x38;
	[tilespmem:$0x1D300] =	vst v63  }
0x68: {  	_ =	swait.ge [sflag:s16], $0xC400  }
0x69: {  	[sflag:s16] =	ssyncset.done $0x0  }
0x6a: {  	[sflag:s16] =	ssyncadd.s32 $0xFFFF3C00  }
0x6b: {  	[tilespmem:s15], [sflag:$0x1] =	stream.linear.gather [hbm4b:s12+s21], $0xC400, $0x38;
	[tilespmem:$0x1D300] =	vst v63  }
0x6c: {  	_ =	swait.ge [sflag:s16], $0xC400  }
0x6d: {  	[sflag:s16] =	ssyncset.done $0x0  }
0x6e: {  	[sflag:s16] =	ssyncadd.s32 $0xFFFF3C00  }
0x6f: {  	[tilespmem:s17], [sflag:$0x1] =	stream.linear.gather [hbm4b:s7+s21], $0xC400, $0x38;
	[tilespmem:$0x1D300] =	vst v63  }
0x70: {  	_ =	swait.ge [sflag:s16], $0xC400  }
0x71: {  	[sflag:s16] =	ssyncset.done $0x0  }
0x72: {  	s22 =	simm.s32 $0x0;
	[sflag:s16] =	ssyncadd.s32 $0xFFFF3C00  }
.LBB2_10:
0x73: {  	s23 =	smul.u32 $0x1900, s22;
	_ =	sdelay $0x1  }
0x74: {  	s23 =	sadd.s32 s8, s23  }
0x75: {  	s23 =	sshrl.u32 s23, $0x3  }
0x76: {  	s24 =	sadd.s32 s3, s23  }
0x77: {  	[tilespmem:s21], [sflag:$0x1] =	stream.linear.gather [hbm4b:s24+s21], $0x1900, $0x38;
	[tilespmem:$0x1D300] =	vst v63  }
0x78: {  	_ =	swait.ge [sflag:s16], $0x1900  }
0x79: {  	[sflag:s16] =	ssyncset.done $0x0  }
0x7a: {  	s31 =	sadd.s32 s4, s23;
	[sflag:s16] =	ssyncadd.s32 $0xFFFFE700  }
0x7b: {  	[tilespmem:s18], [sflag:$0x1] =	stream.linear.gather [hbm4b:s31+s21], $0x1900, $0x38;
	[tilespmem:$0x1D300] =	vst v63  }
0x7c: {  	_ =	swait.ge [sflag:s16], $0x1900  }
0x7d: {  	[sflag:s16] =	ssyncset.done $0x0  }
0x7e: {  	s23 =	sadd.s32 s5, s23;
	[sflag:s16] =	ssyncadd.s32 $0xFFFFE700  }
0x7f: {  	[tilespmem:s19], [sflag:$0x1] =	stream.linear.gather [hbm4b:s23+s21], $0x1900, $0x38;
	[tilespmem:$0x1D300] =	vst v63  }
0x80: {  	_ =	swait.ge [sflag:s16], $0x1900  }
0x81: {  	[sflag:s16] =	ssyncset.done $0x0  }
0x82: {  	s24 =	simm.s32 $0x0;
	s23 =	simm.s32 $0x40;
	[sflag:s16] =	ssyncadd.s32 $0xFFFFE700  }
.LBB2_11:
0x83: {  	p0 =	sne.s32 s23, $0x63C0;
	v0 =	vld [tilespmem:s24+$0x0];
	_ =	sdelay $0x6  }
0x84: {  	v1 =	vld [tilespmem:s24+$0x1900]  }
0x85: {  	v0 =	vld.idx.msk [tilespmem:v0+s15+$0x0], $0xffff  }
0x86: {  	v2 =	vld [tilespmem:s24+$0x3200];
	_ =	sdelay $0x2  }
.Ltmp4:
0x87: {  	(pc) =	sbr.rel @p0 .LBB2_11-.Ltmp4, $3  }
0x88: {  	_ = 	snop  }
0x89: {  	v0 =	vmul.f32 v0, v2;
	_ =	sdelay $0x1  }
0x8a: {  	s24 =	sshra.s32 s23, $0x2;
	s23 =	sadd.s32 $0x40, s23;
	[tilespmem:v1+s17+$0x0] =	vst.idx.add.f32.msk $0xffff, v0  }
0x8b: {  	v0 =	vld [tilespmem:s24+$0x0];
	_ =	sdelay $0x5  }
0x8c: {  	v1 =	vld [tilespmem:s24+$0x1900]  }
0x8d: {  	v2 =	vld [tilespmem:s24+$0x3200]  }
0x8e: {  	v0 =	vld.idx.msk [tilespmem:v0+s15+$0x0], $0xffff  }
0x8f: {  	s22 =	sadd.s32 $0x1, s22  }
0x90: {  	p0 =	sne.s32 s22, $0x4  }
.Ltmp5:
0x91: {  	_ = 	snop;
	(pc) =	sbr.rel @p0 .LBB2_10-.Ltmp5, $3  }
0x92: {  	_ = 	snop  }
0x93: {  	v0 =	vmul.f32 v0, v2;
	_ =	sdelay $0x1  }
0x94: {  	[tilespmem:v1+s17+$0x0] =	vst.idx.add.f32.msk $0xffff, v0  }
0x95: {  	s20 =	sadd.s32 $0x1, s20  }
0x96: {  	p0 =	sne.s32 s20, s14  }
.Ltmp6:
0x97: {  	_ = 	snop;
	(pc) =	sbr.rel @p0 .LBB2_1-.Ltmp6, $4  }
0x98: {  	[hbm4b:s13+s2] =	stream.linear.scatter [tilespmem:s17], [sflag:$0x1], $0xC400, $0x38;
	[tilespmem:$0x1D300] =	vst v63  }
0x99: {  	_ =	swait.ge [sflag:s16], $0xC400  }
0x9a: {  	[sflag:s16] =	ssyncset.done $0x0  }
0x9b: {  	[sflag:s16] =	ssyncadd.s32 $0xFFFF3C00  }
0x9c: {  	_ =	sfence.sel $0x180000  }
0x9d: {  	[bflag:$0x0] =	sbarrier.arrive $0xFFFF  }
0x9e: {  	p0 =	sne.s32 s1, $0x0;
	_ =	strace $0x9000004D  }
0x9f: {  	s0 =	sadd.s32 @!p0 $0x100000, s0;
	[bflag:$0x2] =	sbarrier.arrive $0xFFFF  }
0xa0: {  	[sflag:s0] =	ssyncadd.tile.s32 @!p0 $0x1;
	_ =	shalt  }
.Lfunc_end2:
_tile_overlayer_lowered:
.L_overlay_start_2:
0xa1: {  	(tag) =	ssettag $0x2  }
0xa2: {  	s0 =	rddreg [dreg:$0x0];
	s2 =	stileid.u32  }
0xa3: {  	s1 =	rddreg [dreg:$0x1];
	p0 =	sne.s32 s2, $0x0  }
0xa4: {  	s3 =	rddreg [dreg:$0x2];
	[bflag:$0x3] =	sbarrier.arrive $0xFFFF;
	s2 =	simm.s32 @!p0 $0x1C01  }
0xa5: {  	[timem:s3], [sflag:s2] =	dma.local @!p0 [hbm:s0], s1  }
0xa6: {  	s0 =	simm.s32 @!p0 $0x1  }
0xa7: {  	_ =	swait.ge @!p0 [sflag:s0], s1  }
0xa8: {  	s1 =	ssub.s32 @!p0 $0x0, s1;
	[sflag:s0] =	ssyncset.done @!p0 $0x0  }
0xa9: {  	[sflag:s0] =	ssyncadd.s32 @!p0 s1  }
0xaa: {  	[bflag:$0x3] =	sbarrier.arrive $0xFFFF  }
0xab: {  	_ =	shalt  }

// kernel: kernel.18.cloned.1.call-start
scs
__scs_entry_jumppad:
0x0: {  	(pc) =	sbr.rel $0x88, $3  }
0x1: {  	(tag) =	ssettag $0x0;
	lr =	simm.s32 $0x1  }
0x2: {  	[smem:$0x3F95] =	sst lr;
	_ =	strace $0xD0000000  }
0x3: {  	_ = 	snop  }
0x4: {  	_ = 	snop  }
0x5: {  	_ = 	snop  }
0x6: {  	_ = 	snop  }
0x7: {  	_ = 	snop  }
__scs_overlays_trampoline_lowered:
0x8: {  	[smem:$0x3FA4] =	sst s0  }
0x9: {  	[smem:$0x3FA5] =	sst s1  }
0xa: {  	[smem:$0x3FA6] =	sst s2  }
0xb: {  	[smem:$0x3FA7] =	sst s3  }
0xc: {  	[smem:$0x3FA8] =	sst s4  }
0xd: {  	[smem:$0x3FA9] =	sst s5  }
0xe: {  	[smem:$0x3FAA] =	sst s6  }
0xf: {  	[smem:$0x3FAB] =	sst s7  }
0x10: {  	[smem:$0x3FAC] =	sst s8  }
0x11: {  	[smem:$0x3FAD] =	sst s9;
	s0 =	simm.s32 @!p0 $0x0  }
0x12: {  	s1 =	sld [smem:$0x3F93];
	s0 =	simm.s32 @p0 $0x1  }
0x13: {  	[smem:$0x3FAE] =	sst s0;
	s0 =	simm.s32 @!p1 $0x0  }
0x14: {  	s2 =	sld [smem:$0x3F92];
	s0 =	simm.s32 @p1 $0x1  }
0x15: {  	[smem:$0x3FAF] =	sst s0;
	s0 =	simm.s32 @!p2 $0x0  }
0x16: {  	s3 =	sld [smem:$0x3FDB];
	s0 =	simm.s32 @p2 $0x1  }
0x17: {  	s4 =	simm.s32 $0x1BF5;
	[smem:$0x3FB1] =	sst s0  }
0x18: {  	s0 =	sld [smem:$0x3F94];
	_ =	swait.ge [sflag:s4], $0x0  }
0x19: {  	s7 =	sld [smem:$0x3F95]  }
0x1a: {  	s8 =	sadd.s32 $0xFFFFE003, lr  }
0x1b: {  	s9 =	sadd.s32 $0xFFFFFEF7, lr;
	s5 =	simm.s32 $0xFFFFFFFF;
	p2 =	slt.u32 s8, $0xFFFFF086  }
0x1c: {  	p1 =	slt.u32 s9, $0xF7A;
	s5 =	simm.s32 @!p2 $0x0  }
0x1d: {  	s5 =	simm.s32 @p1 $0x1;
	p0 =	seq.s32 s7, s2  }
0x1e: {  	s7 =	smul.u32 @!p0 $0xF7A, s2;
	p2 =	seq.s32 @!p0 s5, $0x0  }
0x1f: {  	s9 =	smul.u32 $0xF7A, s1;
	s8 =	simm.s32 @!p0 $0x1BF5;
	p2 =	por !p2, p0  }
0x20: {  	[sflag:s8] =	ssyncset.s32 @!p0 $0xFFFFF086;
	s6 =	sadd.s32 @!p0 s3, s7;
	s7 =	simm.s32 @!p0 $0x108  }
0x21: {  	s3 =	sadd.s32 s3, s9;
	s6 =	sadd.s32 @!p0 $0x88, s6;
	s7 =	simm.s32 @p2 $0x1082  }
0x22: {  	[simem:s7], [sflag:s8] =	dma.local @!p0 [hbm:s6], $0xF7A  }
0x23: {  	s9 =	sor.u32 $0xD0000000, s2;
	s6 =	simm.s32 $0x108;
	_ =	swait.ge @!p0 [sflag:s8], $0x0  }
0x24: {  	s3 =	sadd.s32 $0x88, s3;
	s6 =	simm.s32 @!p1 $0x1082;
	[sflag:s4] =	ssyncset.s32 $0xFFFFF086  }
0x25: {  	[simem:s6], [sflag:s4] =	dma.local [hbm:s3], $0xF7A  }
0x26: {  	[smem:$0x3F95] =	sst s1;
	(tag) =	ssettag s2;
	_ =	strace s9  }
0x27: {  	s1 =	sld [smem:$0x3FA5]  }
0x28: {  	s2 =	sld [smem:$0x3FA6]  }
0x29: {  	s4 =	sld [smem:$0x3FA8]  }
0x2a: {  	p0 =	seq.s32 s5, $0x0;
	s5 =	sld [smem:$0x3FA9]  }
0x2b: {  	s6 =	sld [smem:$0x3FAA]  }
0x2c: {  	s7 =	sld [smem:$0x3FAB]  }
0x2d: {  	s3 =	simm.s32 $0x108;
	s8 =	sld [smem:$0x3FAC]  }
0x2e: {  	s3 =	simm.s32 @!p0 $0x1082;
	s9 =	sld [smem:$0x3FAD]  }
0x2f: {  	lr =	sadd.s32 s0, s3;
	s0 =	sld [smem:$0x3FA4]  }
0x30: {  	s3 =	sld [smem:$0x3FA7]  }
0x31: {  	[smem:$0x3FB0] =	sst s10  }
0x32: {  	s10 =	sld [smem:$0x3FAE];
	_ =	sdelay $0x3  }
0x33: {  	p0 =	seq.s32 s10, $0x1;
	s10 =	sld [smem:$0x3FB0];
	_ =	sdelay $0x3  }
0x34: {  	[smem:$0x3FB0] =	sst s10  }
0x35: {  	s10 =	sld [smem:$0x3FAF];
	_ =	sdelay $0x3  }
0x36: {  	p1 =	seq.s32 s10, $0x1;
	s10 =	sld [smem:$0x3FB0];
	_ =	sdelay $0x3  }
0x37: {  	[smem:$0x3FB0] =	sst s10  }
0x38: {  	s10 =	sld [smem:$0x3FB1]  }
0x39: {  	_ = 	snop;
	(pc) =	sbr.ind lr, $3  }
0x3a: {  	_ = 	snop  }
0x3b: {  	_ = 	snop  }
0x3c: {  	p2 =	seq.s32 s10, $0x1;
	s10 =	sld [smem:$0x3FB0]  }
0x3d: {  	_ =	shalt  }
0x3e: {  	_ =	shalt  }
0x3f: {  	_ =	shalt  }
0x40: {  	_ =	shalt  }
0x41: {  	_ =	shalt  }
0x42: {  	_ =	shalt  }
0x43: {  	_ =	shalt  }
0x44: {  	_ =	shalt  }
0x45: {  	_ =	shalt  }
0x46: {  	_ =	shalt  }
0x47: {  	_ =	shalt  }
0x48: {  	_ =	shalt  }
0x49: {  	_ =	shalt  }
0x4a: {  	_ =	shalt  }
0x4b: {  	_ =	shalt  }
0x4c: {  	_ =	shalt  }
0x4d: {  	_ =	shalt  }
0x4e: {  	_ =	shalt  }
0x4f: {  	_ =	shalt  }
0x50: {  	_ =	shalt  }
0x51: {  	_ =	shalt  }
0x52: {  	_ =	shalt  }
0x53: {  	_ =	shalt  }
0x54: {  	_ =	shalt  }
0x55: {  	_ =	shalt  }
0x56: {  	_ =	shalt  }
0x57: {  	_ =	shalt  }
0x58: {  	_ =	shalt  }
0x59: {  	_ =	shalt  }
0x5a: {  	_ =	shalt  }
0x5b: {  	_ =	shalt  }
0x5c: {  	_ =	shalt  }
0x5d: {  	_ =	shalt  }
0x5e: {  	_ =	shalt  }
0x5f: {  	_ =	shalt  }
0x60: {  	_ =	shalt  }
0x61: {  	_ =	shalt  }
0x62: {  	_ =	shalt  }
0x63: {  	_ =	shalt  }
0x64: {  	_ =	shalt  }
0x65: {  	_ =	shalt  }
0x66: {  	_ =	shalt  }
0x67: {  	_ =	shalt  }
0x68: {  	_ =	shalt  }
0x69: {  	_ =	shalt  }
0x6a: {  	_ =	shalt  }
0x6b: {  	_ =	shalt  }
0x6c: {  	_ =	shalt  }
0x6d: {  	_ =	shalt  }
0x6e: {  	_ =	shalt  }
0x6f: {  	_ =	shalt  }
0x70: {  	_ =	shalt  }
0x71: {  	_ =	shalt  }
0x72: {  	_ =	shalt  }
0x73: {  	_ =	shalt  }
0x74: {  	_ =	shalt  }
0x75: {  	_ =	shalt  }
0x76: {  	_ =	shalt  }
0x77: {  	_ =	shalt  }
0x78: {  	_ =	shalt  }
0x79: {  	_ =	shalt  }
0x7a: {  	_ =	shalt  }
0x7b: {  	_ =	shalt  }
0x7c: {  	_ =	shalt  }
0x7d: {  	_ =	shalt  }
0x7e: {  	_ =	shalt  }
0x7f: {  	_ =	shalt  }
0x80: {  	_ =	shalt  }
0x81: {  	_ =	shalt  }
0x82: {  	_ =	shalt  }
0x83: {  	_ =	shalt  }
0x84: {  	_ =	shalt  }
0x85: {  	_ =	shalt  }
0x86: {  	_ =	shalt  }
0x87: {  	_ =	shalt  }
.Lfunc_end0:
.L_simem_size_0:
called_computation.3_lowered:
.L_overlay_start_0:
0x88: {  	s2 =	sld [smem:$0x3FD9]  }
0x89: {  	s3 =	sld [smem:$0x3FFE];
	_ =	sdelay $0x1  }
0x8a: {  	s1 =	srdreg.scid  }
0x8b: {  	s0 =	sand.u32 $0x1, s1  }
0x8c: {  	s16 =	sshll.u32 s0, $0xA;
	s2 =	sadd.s32 s3, s2  }
0x8d: {  	s2 =	sadd.s32 s2, s16  }
0x8e: {  	[smem:$0x3FBC] =	sst s2  }
0x8f: {  	_ = 	snop  }
0x90: {  	(tm) =	ssettm $0x1  }
0x91: {  	s17 =	sld [smem:$0x3FFB];
	_ =	sdelay $0x3  }
0x92: {  	_ =	strace s17  }
0x93: {  	s2 =	sld [smem:$0x3FFC];
	_ =	sdelay $0x3  }
0x94: {  	_ =	strace s2  }
0x95: {  	s2 =	sld [smem:$0x3FFD];
	_ =	sdelay $0x3  }
0x96: {  	_ =	strace s2  }
0x97: {  	_ =	strace $0x8FFFFFFF  }
0x98: {  	s18 =	sld [smem:$0x3FDB];
	_ =	sdelay $0x1  }
0x99: {  	s19 =	simm.s32 $_scs_section_size  }
0x9a: {  	s4 =	simm.s32 $_size__tile_overlayer_lowered;
	s5 =	simm.s32 $_tile_overlayer_lowered  }
0x9b: {  	s22 =	simm.s32 $0x1BFF;
	s21 =	sshll.u32 s5, $0x1;
	s2 =	sadd.s32 s19, s18  }
0x9c: {  	s6 =	simm.s32 $0x0;
	s20 =	sshll.u32 s4, $0x1;
	s4 =	sadd.s32 s21, s2  }
0x9d: {  	[timem:s6], [sflag:s22] =	dma.local [hbm:s4], s20  }
0x9e: {  	_ =	swait.ge [sflag:s22], s20  }
0x9f: {  	s3 =	ssub.s32 $0x0, s20;
	[sflag:s22] =	ssyncset.done $0x0  }
0xa0: {  	[sflag:s22] =	ssyncadd.s32 s3;
	_ =	sdelay $0x1  }
0xa1: {  	s23 =	simm.s32 $0x1B8B  }
0xa2: {  	_ =	swait.ge [sflag:s23], $0x1  }
0xa3: {  	[sflag:s23] =	ssyncset.done $0x0  }
0xa4: {  	s25 =	simm.s32 $0x1B8E;
	s24 =	sld [smem:$0x3FFE];
	[sflag:s23] =	ssyncadd.s32 $0xFFFFFFFF  }
0xa5: {  	s26 =	simm.s32 $execute0_lowered;
	[smem:$0x3FD2] =	sst s25  }
0xa6: {  	s4 =	sshll.u32 s26, $0x1;
	_ =	strace $0x8000004F;
	[dreg:$0x1] =	wrdreg $0xFFFFFFFF  }
0xa7: {  	s28 =	simm.s32 $_size_execute0_lowered;
	s2 =	sadd.s32 s2, s4;
	[dreg:$0x0] =	wrdreg $0x0  }
0xa8: {  	s4 =	sshll.u32 s28, $0x1;
	[dreg:$0x2] =	wrdreg s2  }
0xa9: {  	[dreg:$0x3] =	wrdreg s4  }
0xaa: {  	[dreg:$0x4] =	wrdreg $0xC0  }
0xab: {  	_ =	task [dreg:s6], $0x5FFFF  }
0xac: {  	[dreg:$0x1] =	wrdreg $0xFFFFFFFF  }
0xad: {  	[dreg:$0x0] =	wrdreg $0x60  }
0xae: {  	[dreg:$0x2] =	wrdreg s24  }
0xaf: {  	[dreg:$0x3] =	wrdreg $0x9  }
0xb0: {  	_ =	task.clear_ibuf [dreg:s6], $0x4FFFF;
	_ =	strace $0x9000004F  }
0xb1: {  	s29 =	simm.s32 $0x9;
	_ =	strace $0x80000051  }
0xb2: {  	_ =	swait.ge [sflag:s29], $0x1  }
0xb3: {  	[sflag:s29] =	ssyncadd.s32 $0xFFFFFFFF  }
0xb4: {  	_ =	strace $0x90000051  }
0xb5: {  	_ =	sfence  }
0xb6: {  	s30 =	sld [smem:$0x0];
	_ =	sdelay $0x2  }
0xb7: {  	s31 =	sshll.u32 s1, $0xD;
	s1 =	sshrl.u32 s1, $0x2  }
0xb8: {  	s3 =	sand.u32 $0x4000, s31;
	s1 =	sadd.s32 s1, s30  }
0xb9: {  	s0 =	sor.u32 s3, s0;
	s1 =	sshll.u32 s1, $0x11  }
0xba: {  	s0 =	sor.u32 s1, s0  }
0xbb: {  	s0 =	sadd.s32 $0x8F2B, s0  }
0xbc: {  	[sflag:s0] =	ssyncadd.remote.s32 $0x1  }
0xbd: {  	_ =	sfence.sel $0xFFFF  }
0xbe: {  	[dreg:$0x0] =	wrdreg $0xFFFFFFFF;
	(pc) =	sbr.abs _section_cstart, $3  }
0xbf: {  	[dreg:$0x1] =	wrdreg $0xFFFFFFFF  }
0xc0: {  	_ =	task.clear_ibuf [dreg:s6], $0x2FFFF;
	_ =	strace $0x9FFFFFFF  }
0xc1: {  	(tm) =	ssettm $0x7FFFFFFF  }
tec
execute0_lowered:
.L_overlay_start_1:
0x0: {  	(tag) =	ssettag $0x1  }
0x1: {  	s7 =	rddreg [dreg:$0x0]  }
0x2: {  	s0 =	rddreg [dreg:$0x1];
	s2 =	simm.s32 $0x0;
	s3 =	srdreg.scid  }
0x3: {  	s1 =	stileid.u32;
	s18 =	simm.s32 $0x6000;
	s19 =	simm.s32 $0x2000  }
0x4: {  	s20 =	simm.s32 $0x4000;
	s21 =	simm.s32 $0x0;
	[smem:$0x7FF] =	sst s2  }
0x5: {  	s8 =	sand.u32 $0x1, s3;
	s5 =	sshll.u32 s1, $0x1;
	s3 =	sadd.s32 $0x66A00, s7  }
0x6: {  	s4 =	sadd.s32 $0x2000, s7;
	s13 =	sadd.s32 $0x11EE00, s7;
	s6 =	sadd.s32 $0x34000, s7  }
0x7: {  	s14 =	sadd.s32 $0x1BE200, s7;
	p0 =	sgt.u32 s1, $0x3;
	s9 =	sor.u32 s8, s5  }
0x8: {  	p1 =	sgt.u32 s1, $0x1;
	s8 =	ssub.s32 $0x2, s8;
	s10 =	smul.u32 $0xC400, s9  }
0x9: {  	_ =	strace $0x80000050;
	s12 =	smul.u32 $0x1880, s9;
	s31 =	sshrl.u32 s8, $0x1  }
0xa: {  	s5 =	sadd.s32 $0x37400, s7;
	s15 =	ssub.s32 s8, s31;
	s10 =	sshrl.u32 s10, $0x3  }
.Ltmp0:
0xb: {  	s7 =	sadd.s32 s13, s12;
	s8 =	sadd.s32 s14, s12;
	(pc) =	sbr.rel .LBB2_1-.Ltmp0, $4  }
0xc: {  	s17 =	sadd.s32 $0x93000, s12;
	s15 =	smax.u32 s15, $0x1;
	s11 =	sadd.s32 $0x31000, s10  }
0xd: {  	s16 =	sadd.s32 $0x62000, s10;
	s9 =	sadd.s32 s13, s11;
	s10 =	sadd.s32 s14, s11  }
0xe: {  	s11 =	sadd.s32 s13, s16;
	s12 =	sadd.s32 s14, s16;
	s13 =	sadd.s32 s13, s17  }
0xf: {  	s14 =	sadd.s32 s14, s17;
	s16 =	simm.s32 $0x12400;
	s17 =	simm.s32 $0x1  }
.LBB2_19:
0x10: {  	[hbm4b:s14+s2] =	stream.linear.scatter [tilespmem:s16], [sflag:$0x1], $0xC400, $0x38;
	[tilespmem:$0x1E800] =	vst v63  }
0x11: {  	_ =	swait.ge [sflag:s17], $0xC400  }
0x12: {  	[sflag:s17] =	ssyncset.done $0x0  }
0x13: {  	[sflag:s17] =	ssyncadd.s32 $0xFFFF3C00  }
.LBB2_20:
0x14: {  	s21 =	sadd.s32 $0x1, s21  }
0x15: {  	p2 =	sne.s32 s21, s15  }
.Ltmp1:
0x16: {  	_ = 	snop;
	(pc) =	sbr.rel @!p2 .LBB2_21-.Ltmp1, $1  }
0x17: {  	_ =	sdelay $0x3  }
.LBB2_1:
0x18: {  	[tilespmem:s16], [sflag:$0x1] =	stream.linear.gather [hbm4b:s6+s2], $0xC400, $0x38;
	[tilespmem:$0x1E800] =	vst v63  }
0x19: {  	_ =	swait.ge [sflag:s17], $0xC400  }
0x1a: {  	[sflag:s17] =	ssyncset.done $0x0  }
0x1b: {  	[sflag:s17] =	ssyncadd.s32 $0xFFFF3C00  }
0x1c: {  	[tilespmem:s18], [sflag:$0x1] =	stream.linear.gather [hbm4b:s7+s2], $0xC400, $0x38;
	[tilespmem:$0x1E800] =	vst v63  }
0x1d: {  	_ =	swait.ge [sflag:s17], $0xC400  }
0x1e: {  	[sflag:s17] =	ssyncset.done $0x0  }
0x1f: {  	s22 =	simm.s32 $0x0;
	[sflag:s17] =	ssyncadd.s32 $0xFFFF3C00  }
.LBB2_2:
0x20: {  	s23 =	sshll.u32 s22, $0xA  }
0x21: {  	s24 =	sadd.s32 s3, s23  }
0x22: {  	[tilespmem:s2], [sflag:$0x1] =	stream.linear.gather [hbm4b:s24+s2], $0x2000, $0x38;
	[tilespmem:$0x1E800] =	vst v63  }
0x23: {  	_ =	swait.ge [sflag:s17], $0x2000  }
0x24: {  	[sflag:s17] =	ssyncset.done $0x0  }
0x25: {  	s31 =	sadd.s32 s4, s23;
	[sflag:s17] =	ssyncadd.s32 $0xFFFFE000  }
0x26: {  	[tilespmem:s19], [sflag:$0x1] =	stream.linear.gather [hbm4b:s31+s2], $0x2000, $0x38;
	[tilespmem:$0x1E800] =	vst v63  }
0x27: {  	_ =	swait.ge [sflag:s17], $0x2000  }
0x28: {  	[sflag:s17] =	ssyncset.done $0x0  }
0x29: {  	s23 =	sadd.s32 s5, s23;
	[sflag:s17] =	ssyncadd.s32 $0xFFFFE000  }
0x2a: {  	[tilespmem:s20], [sflag:$0x1] =	stream.linear.gather [hbm4b:s23+s2], $0x2000, $0x38;
	[tilespmem:$0x1E800] =	vst v63  }
0x2b: {  	_ =	swait.ge [sflag:s17], $0x2000  }
0x2c: {  	[sflag:s17] =	ssyncset.done $0x0  }
0x2d: {  	s25 =	simm.s32 $0x40;
	[sflag:s17] =	ssyncadd.s32 $0xFFFFE000  }
0x2e: {  	v0 =	vld [tilespmem:s25+$0x30]  }
0x2f: {  	v1 =	vld [tilespmem:s25+$0xFFFFFFD0]  }
0x30: {  	v2 =	vld [tilespmem:s25+$0xFFFFFFE0]  }
0x31: {  	v3 =	vld [tilespmem:s25+$0xFFFFFFF0]  }
0x32: {  	v4 =	vld [tilespmem:s25+$0x0]  }
0x33: {  	s23 =	simm.s32 $0x2040;
	v5 =	vld [tilespmem:s25+$0x10]  }
0x34: {  	s24 =	simm.s32 $0x4040;
	v6 =	vld [tilespmem:s23+$0x30]  }
0x35: {  	v7 =	vld [tilespmem:s24+$0x30]  }
0x36: {  	v8 =	vld [tilespmem:s25+$0xFFFFFFC0]  }
0x37: {  	v9 =	vld [tilespmem:s25+$0x20]  }
0x38: {  	v57 =	vld [tilespmem:s23+$0xFFFFFFC0]  }
0x39: {  	v58 =	vld [tilespmem:s24+$0xFFFFFFC0]  }
0x3a: {  	v59 =	vld [tilespmem:s24+$0xFFFFFFD0]  }
0x3b: {  	v10 =	vld [tilespmem:s24+$0xFFFFFFE0]  }
0x3c: {  	v0 =	vld.idx.msk [tilespmem:v0+s18+$0x0], $0xffff  }
0x3d: {  	v11 =	vld [tilespmem:s23+$0xFFFFFFD0]  }
0x3e: {  	v12 =	vld [tilespmem:s24+$0xFFFFFFF0]  }
0x3f: {  	v13 =	vld [tilespmem:s24+$0x0]  }
0x40: {  	v60 =	vld [tilespmem:s23+$0xFFFFFFE0]  }
0x41: {  	v61 =	vld [tilespmem:s23+$0x0];
	v0 =	vmul.f32 v0, v7  }
0x42: {  	v62 =	vld [tilespmem:s23+$0x10]  }
0x43: {  	[tilespmem:v6+s16+$0x0] =	vst.idx.add.f32.msk $0xffff, v0  }
0x44: {  	v0 =	vld.idx.msk [tilespmem:v8+s18+$0x0], $0xffff  }
0x45: {  	v63 =	vld [tilespmem:s24+$0x10]  }
0x46: {  	v14 =	vld [tilespmem:s24+$0x20]  }
0x47: {  	v1 =	vld.idx.msk [tilespmem:v1+s18+$0x0], $0xffff  }
0x48: {  	v2 =	vld.idx.msk [tilespmem:v2+s18+$0x0], $0xffff  }
0x49: {  	v4 =	vld.idx.msk [tilespmem:v4+s18+$0x0], $0xffff;
	v0 =	vmul.f32 v0, v58  }
0x4a: {  	v5 =	vld.idx.msk [tilespmem:v5+s18+$0x0], $0xffff  }
0x4b: {  	[tilespmem:v57+s16+$0x0] =	vst.idx.add.f32.msk $0xffff, v0  }
0x4c: {  	v0 =	vld [tilespmem:s23+$0xFFFFFFF0]  }
0x4d: {  	v3 =	vld.idx.msk [tilespmem:v3+s18+$0x0], $0xffff;
	v1 =	vmul.f32 v1, v59  }
0x4e: {  	v9 =	vld.idx.msk [tilespmem:v9+s18+$0x0], $0xffff  }
0x4f: {  	v2 =	vmul.f32 v2, v10;
	[tilespmem:v11+s16+$0x0] =	vst.idx.add.f32.msk $0xffff, v1  }
0x50: {  	v4 =	vmul.f32 v4, v13;
	v1 =	vld [tilespmem:s23+$0x20]  }
0x51: {  	[tilespmem:v60+s16+$0x0] =	vst.idx.add.f32.msk $0xffff, v2;
	v2 =	vmul.f32 v5, v63  }
0x52: {  	v3 =	vmul.f32 v3, v12;
	[tilespmem:v61+s16+$0x0] =	vst.idx.add.f32.msk $0xffff, v4  }
0x53: {  	[tilespmem:v62+s16+$0x0] =	vst.idx.add.f32.msk $0xffff, v2  }
0x54: {  	s26 =	simm.s32 $0xC0;
	s25 =	simm.s32 $0x0;
	[tilespmem:v0+s16+$0x0] =	vst.idx.add.f32.msk $0xffff, v3;
	v0 =	vmul.f32 v9, v14  }
.LBB2_3:
0x55: {  	v2 =	vld [tilespmem:s26+$0x30];
	s25 =	sadd.s32 $0x8, s25  }
0x56: {  	v3 =	vld [tilespmem:s26+$0xFFFFFFD0];
	p2 =	slt.u32 s25, $0x1F8  }
0x57: {  	v4 =	vld [tilespmem:s26+$0xFFFFFFE0]  }
0x58: {  	v5 =	vld [tilespmem:s26+$0xFFFFFFF0]  }
0x59: {  	v6 =	vld [tilespmem:s26+$0x0]  }
0x5a: {  	v7 =	vld [tilespmem:s26+$0x10]  }
0x5b: {  	s23 =	sadd.s32 $0x80, s23;
	v8 =	vld [tilespmem:s26+$0x20]  }
0x5c: {  	v9 =	vld [tilespmem:s23+$0x30]  }
0x5d: {  	s24 =	sadd.s32 $0x80, s24;
	v2 =	vld.idx.msk [tilespmem:v2+s18+$0x0], $0xffff  }
0x5e: {  	v10 =	vld [tilespmem:s24+$0x30]  }
0x5f: {  	v11 =	vld [tilespmem:s26+$0xFFFFFFC0]  }
0x60: {  	v3 =	vld.idx.msk [tilespmem:v3+s18+$0x0], $0xffff  }
0x61: {  	v4 =	vld.idx.msk [tilespmem:v4+s18+$0x0], $0xffff  }
0x62: {  	v5 =	vld.idx.msk [tilespmem:v5+s18+$0x0], $0xffff  }
0x63: {  	v6 =	vld.idx.msk [tilespmem:v6+s18+$0x0], $0xffff;
	v2 =	vmul.f32 v2, v10  }
0x64: {  	v7 =	vld.idx.msk [tilespmem:v7+s18+$0x0], $0xffff  }
0x65: {  	[tilespmem:v9+s16+$0x0] =	vst.idx.add.f32.msk $0xffff, v2  }
0x66: {  	v2 =	vld.idx.msk [tilespmem:v8+s18+$0x0], $0xffff  }
0x67: {  	v8 =	vld.idx.msk [tilespmem:v11+s18+$0x0], $0xffff  }
0x68: {  	v9 =	vld [tilespmem:s24+$0xFFFFFFC0]  }
0x69: {  	v10 =	vld [tilespmem:s24+$0xFFFFFFD0]  }
0x6a: {  	v11 =	vld [tilespmem:s24+$0xFFFFFFE0]  }
0x6b: {  	v12 =	vld [tilespmem:s24+$0xFFFFFFF0]  }
0x6c: {  	v13 =	vld [tilespmem:s24+$0x0]  }
0x6d: {  	v8 =	vmul.f32 v8, v9;
	v9 =	vld [tilespmem:s24+$0x10]  }
0x6e: {  	v3 =	vmul.f32 v3, v10;
	v10 =	vld [tilespmem:s24+$0x20]  }
0x6f: {  	v14 =	vld [tilespmem:s23+$0xFFFFFFC0];
	v4 =	vmul.f32 v4, v11  }
0x70: {  	v11 =	vld [tilespmem:s23+$0xFFFFFFD0];
	v5 =	vmul.f32 v5, v12  }
0x71: {  	v12 =	vld [tilespmem:s23+$0xFFFFFFE0];
	v6 =	vmul.f32 v6, v13  }
0x72: {  	v13 =	vld [tilespmem:s23+$0xFFFFFFF0];
	v7 =	vmul.f32 v7, v9  }
0x73: {  	v9 =	vld [tilespmem:s23+$0x0];
	v2 =	vmul.f32 v2, v10  }
0x74: {  	v10 =	vld [tilespmem:s23+$0x10]  }
0x75: {  	v15 =	vld [tilespmem:s23+$0x20]  }
0x76: {  	[tilespmem:v1+s16+$0x0] =	vst.idx.add.f32.msk $0xffff, v0;
	v0 =	vmov v2  }
0x77: {  	[tilespmem:v14+s16+$0x0] =	vst.idx.add.f32.msk $0xffff, v8  }
.Ltmp2:
0x78: {  	[tilespmem:v11+s16+$0x0] =	vst.idx.add.f32.msk $0xffff, v3;
	(pc) =	sbr.rel @p2 .LBB2_3-.Ltmp2, $4  }
0x79: {  	[tilespmem:v12+s16+$0x0] =	vst.idx.add.f32.msk $0xffff, v4  }
0x7a: {  	[tilespmem:v13+s16+$0x0] =	vst.idx.add.f32.msk $0xffff, v5;
	v1 =	vmov v15  }
0x7b: {  	[tilespmem:v9+s16+$0x0] =	vst.idx.add.f32.msk $0xffff, v6  }
0x7c: {  	s26 =	sadd.s32 $0x80, s26;
	[tilespmem:v10+s16+$0x0] =	vst.idx.add.f32.msk $0xffff, v7  }
0x7d: {  	s22 =	sadd.s32 $0x1, s22  }
0x7e: {  	p2 =	sne.s32 s22, $0x64  }
.Ltmp3:
0x7f: {  	_ = 	snop;
	(pc) =	sbr.rel @p2 .LBB2_2-.Ltmp3, $2  }
0x80: {  	_ =	sdelay $0x2  }
0x81: {  	[tilespmem:v1+s16+$0x0] =	vst.idx.add.f32.msk $0xffff, v0  }
0x82: {  	s22 =	simm.s32 $0x0  }
0x83: {  	[hbm4b:s8+s22] =	stream.linear.scatter [tilespmem:s16], [sflag:$0x1], $0xC400, $0x38;
	[tilespmem:$0x1E800] =	vst v63  }
0x84: {  	_ =	swait.ge [sflag:s17], $0xC400  }
0x85: {  	[sflag:s17] =	ssyncset.done $0x0  }
0x86: {  	[sflag:s17] =	ssyncadd.s32 $0xFFFF3C00  }
0x87: {  	[tilespmem:s16], [sflag:$0x1] =	stream.linear.gather [hbm4b:s6+s22], $0xC400, $0x38;
	[tilespmem:$0x1E800] =	vst v63  }
0x88: {  	_ =	swait.ge [sflag:s17], $0xC400  }
0x89: {  	[sflag:s17] =	ssyncset.done $0x0  }
0x8a: {  	[sflag:s17] =	ssyncadd.s32 $0xFFFF3C00  }
0x8b: {  	[tilespmem:s18], [sflag:$0x1] =	stream.linear.gather [hbm4b:s9+s22], $0xC400, $0x38;
	[tilespmem:$0x1E800] =	vst v63  }
0x8c: {  	_ =	swait.ge [sflag:s17], $0xC400  }
0x8d: {  	[sflag:s17] =	ssyncset.done $0x0  }
0x8e: {  	[sflag:s17] =	ssyncadd.s32 $0xFFFF3C00  }
.LBB2_6:
0x8f: {  	s23 =	sshll.u32 s22, $0xA  }
0x90: {  	s24 =	sadd.s32 s3, s23  }
0x91: {  	[tilespmem:s2], [sflag:$0x1] =	stream.linear.gather [hbm4b:s24+s2], $0x2000, $0x38;
	[tilespmem:$0x1E800] =	vst v63  }
0x92: {  	_ =	swait.ge [sflag:s17], $0x2000  }
0x93: {  	[sflag:s17] =	ssyncset.done $0x0  }
0x94: {  	s31 =	sadd.s32 s4, s23;
	[sflag:s17] =	ssyncadd.s32 $0xFFFFE000  }
0x95: {  	[tilespmem:s19], [sflag:$0x1] =	stream.linear.gather [hbm4b:s31+s2], $0x2000, $0x38;
	[tilespmem:$0x1E800] =	vst v63  }
0x96: {  	_ =	swait.ge [sflag:s17], $0x2000  }
0x97: {  	[sflag:s17] =	ssyncset.done $0x0  }
0x98: {  	s23 =	sadd.s32 s5, s23;
	[sflag:s17] =	ssyncadd.s32 $0xFFFFE000  }
0x99: {  	[tilespmem:s20], [sflag:$0x1] =	stream.linear.gather [hbm4b:s23+s2], $0x2000, $0x38;
	[tilespmem:$0x1E800] =	vst v63  }
0x9a: {  	_ =	swait.ge [sflag:s17], $0x2000  }
0x9b: {  	[sflag:s17] =	ssyncset.done $0x0  }
0x9c: {  	s25 =	simm.s32 $0x40;
	[sflag:s17] =	ssyncadd.s32 $0xFFFFE000  }
0x9d: {  	v0 =	vld [tilespmem:s25+$0x30]  }
0x9e: {  	v1 =	vld [tilespmem:s25+$0xFFFFFFD0]  }
0x9f: {  	v2 =	vld [tilespmem:s25+$0xFFFFFFE0]  }
0xa0: {  	v3 =	vld [tilespmem:s25+$0xFFFFFFF0]  }
0xa1: {  	v4 =	vld [tilespmem:s25+$0x0]  }
0xa2: {  	s23 =	simm.s32 $0x2040;
	v5 =	vld [tilespmem:s25+$0x10]  }
0xa3: {  	s24 =	simm.s32 $0x4040;
	v6 =	vld [tilespmem:s23+$0x30]  }
0xa4: {  	v7 =	vld [tilespmem:s24+$0x30]  }
0xa5: {  	v8 =	vld [tilespmem:s25+$0xFFFFFFC0]  }
0xa6: {  	v9 =	vld [tilespmem:s25+$0x20]  }
0xa7: {  	v57 =	vld [tilespmem:s23+$0xFFFFFFC0]  }
0xa8: {  	v58 =	vld [tilespmem:s24+$0xFFFFFFC0]  }
0xa9: {  	v59 =	vld [tilespmem:s24+$0xFFFFFFD0]  }
0xaa: {  	v10 =	vld [tilespmem:s24+$0xFFFFFFE0]  }
0xab: {  	v0 =	vld.idx.msk [tilespmem:v0+s18+$0x0], $0xffff  }
0xac: {  	v11 =	vld [tilespmem:s23+$0xFFFFFFD0]  }
0xad: {  	v12 =	vld [tilespmem:s24+$0xFFFFFFF0]  }
0xae: {  	v13 =	vld [tilespmem:s24+$0x0]  }
0xaf: {  	v60 =	vld [tilespmem:s23+$0xFFFFFFE0]  }
0xb0: {  	v61 =	vld [tilespmem:s23+$0x0];
	v0 =	vmul.f32 v0, v7  }
0xb1: {  	v62 =	vld [tilespmem:s23+$0x10]  }
0xb2: {  	[tilespmem:v6+s16+$0x0] =	vst.idx.add.f32.msk $0xffff, v0  }
0xb3: {  	v0 =	vld.idx.msk [tilespmem:v8+s18+$0x0], $0xffff  }
0xb4: {  	v63 =	vld [tilespmem:s24+$0x10]  }
0xb5: {  	v14 =	vld [tilespmem:s24+$0x20]  }
0xb6: {  	v1 =	vld.idx.msk [tilespmem:v1+s18+$0x0], $0xffff  }
0xb7: {  	v2 =	vld.idx.msk [tilespmem:v2+s18+$0x0], $0xffff  }
0xb8: {  	v4 =	vld.idx.msk [tilespmem:v4+s18+$0x0], $0xffff;
	v0 =	vmul.f32 v0, v58  }
0xb9: {  	v5 =	vld.idx.msk [tilespmem:v5+s18+$0x0], $0xffff  }
0xba: {  	[tilespmem:v57+s16+$0x0] =	vst.idx.add.f32.msk $0xffff, v0  }
0xbb: {  	v0 =	vld [tilespmem:s23+$0xFFFFFFF0]  }
0xbc: {  	v3 =	vld.idx.msk [tilespmem:v3+s18+$0x0], $0xffff;
	v1 =	vmul.f32 v1, v59  }
0xbd: {  	v9 =	vld.idx.msk [tilespmem:v9+s18+$0x0], $0xffff  }
0xbe: {  	v2 =	vmul.f32 v2, v10;
	[tilespmem:v11+s16+$0x0] =	vst.idx.add.f32.msk $0xffff, v1  }
0xbf: {  	v4 =	vmul.f32 v4, v13;
	v1 =	vld [tilespmem:s23+$0x20]  }
0xc0: {  	[tilespmem:v60+s16+$0x0] =	vst.idx.add.f32.msk $0xffff, v2;
	v2 =	vmul.f32 v5, v63  }
0xc1: {  	v3 =	vmul.f32 v3, v12;
	[tilespmem:v61+s16+$0x0] =	vst.idx.add.f32.msk $0xffff, v4  }
0xc2: {  	[tilespmem:v62+s16+$0x0] =	vst.idx.add.f32.msk $0xffff, v2  }
0xc3: {  	s26 =	simm.s32 $0xC0;
	s25 =	simm.s32 $0x0;
	[tilespmem:v0+s16+$0x0] =	vst.idx.add.f32.msk $0xffff, v3;
	v0 =	vmul.f32 v9, v14  }
.LBB2_7:
0xc4: {  	v2 =	vld [tilespmem:s26+$0x30];
	s25 =	sadd.s32 $0x8, s25  }
0xc5: {  	v3 =	vld [tilespmem:s26+$0xFFFFFFD0];
	p2 =	slt.u32 s25, $0x1F8  }
0xc6: {  	v4 =	vld [tilespmem:s26+$0xFFFFFFE0]  }
0xc7: {  	v5 =	vld [tilespmem:s26+$0xFFFFFFF0]  }
0xc8: {  	v6 =	vld [tilespmem:s26+$0x0]  }
0xc9: {  	v7 =	vld [tilespmem:s26+$0x10]  }
0xca: {  	s23 =	sadd.s32 $0x80, s23;
	v8 =	vld [tilespmem:s26+$0x20]  }
0xcb: {  	v9 =	vld [tilespmem:s23+$0x30]  }
0xcc: {  	s24 =	sadd.s32 $0x80, s24;
	v2 =	vld.idx.msk [tilespmem:v2+s18+$0x0], $0xffff  }
0xcd: {  	v10 =	vld [tilespmem:s24+$0x30]  }
0xce: {  	v11 =	vld [tilespmem:s26+$0xFFFFFFC0]  }
0xcf: {  	v3 =	vld.idx.msk [tilespmem:v3+s18+$0x0], $0xffff  }
0xd0: {  	v4 =	vld.idx.msk [tilespmem:v4+s18+$0x0], $0xffff  }
0xd1: {  	v5 =	vld.idx.msk [tilespmem:v5+s18+$0x0], $0xffff  }
0xd2: {  	v6 =	vld.idx.msk [tilespmem:v6+s18+$0x0], $0xffff;
	v2 =	vmul.f32 v2, v10  }
0xd3: {  	v7 =	vld.idx.msk [tilespmem:v7+s18+$0x0], $0xffff  }
0xd4: {  	[tilespmem:v9+s16+$0x0] =	vst.idx.add.f32.msk $0xffff, v2  }
0xd5: {  	v2 =	vld.idx.msk [tilespmem:v8+s18+$0x0], $0xffff  }
0xd6: {  	v8 =	vld.idx.msk [tilespmem:v11+s18+$0x0], $0xffff  }
0xd7: {  	v9 =	vld [tilespmem:s24+$0xFFFFFFC0]  }
0xd8: {  	v10 =	vld [tilespmem:s24+$0xFFFFFFD0]  }
0xd9: {  	v11 =	vld [tilespmem:s24+$0xFFFFFFE0]  }
0xda: {  	v12 =	vld [tilespmem:s24+$0xFFFFFFF0]  }
0xdb: {  	v13 =	vld [tilespmem:s24+$0x0]  }
0xdc: {  	v8 =	vmul.f32 v8, v9;
	v9 =	vld [tilespmem:s24+$0x10]  }
0xdd: {  	v3 =	vmul.f32 v3, v10;
	v10 =	vld [tilespmem:s24+$0x20]  }
0xde: {  	v14 =	vld [tilespmem:s23+$0xFFFFFFC0];
	v4 =	vmul.f32 v4, v11  }
0xdf: {  	v11 =	vld [tilespmem:s23+$0xFFFFFFD0];
	v5 =	vmul.f32 v5, v12  }
0xe0: {  	v12 =	vld [tilespmem:s23+$0xFFFFFFE0];
	v6 =	vmul.f32 v6, v13  }
0xe1: {  	v13 =	vld [tilespmem:s23+$0xFFFFFFF0];
	v7 =	vmul.f32 v7, v9  }
0xe2: {  	v9 =	vld [tilespmem:s23+$0x0];
	v2 =	vmul.f32 v2, v10  }
0xe3: {  	v10 =	vld [tilespmem:s23+$0x10]  }
0xe4: {  	v15 =	vld [tilespmem:s23+$0x20]  }
0xe5: {  	[tilespmem:v1+s16+$0x0] =	vst.idx.add.f32.msk $0xffff, v0;
	v0 =	vmov v2  }
0xe6: {  	[tilespmem:v14+s16+$0x0] =	vst.idx.add.f32.msk $0xffff, v8  }
.Ltmp4:
0xe7: {  	[tilespmem:v11+s16+$0x0] =	vst.idx.add.f32.msk $0xffff, v3;
	(pc) =	sbr.rel @p2 .LBB2_7-.Ltmp4, $4  }
0xe8: {  	[tilespmem:v12+s16+$0x0] =	vst.idx.add.f32.msk $0xffff, v4  }
0xe9: {  	[tilespmem:v13+s16+$0x0] =	vst.idx.add.f32.msk $0xffff, v5;
	v1 =	vmov v15  }
0xea: {  	[tilespmem:v9+s16+$0x0] =	vst.idx.add.f32.msk $0xffff, v6  }
0xeb: {  	s26 =	sadd.s32 $0x80, s26;
	[tilespmem:v10+s16+$0x0] =	vst.idx.add.f32.msk $0xffff, v7  }
0xec: {  	s22 =	sadd.s32 $0x1, s22  }
0xed: {  	p2 =	sne.s32 s22, $0x64  }
.Ltmp5:
0xee: {  	_ = 	snop;
	(pc) =	sbr.rel @p2 .LBB2_6-.Ltmp5, $2  }
0xef: {  	_ =	sdelay $0x2  }
0xf0: {  	[tilespmem:v1+s16+$0x0] =	vst.idx.add.f32.msk $0xffff, v0  }
0xf1: {  	s22 =	simm.s32 $0x0  }
0xf2: {  	[hbm4b:s10+s22] =	stream.linear.scatter [tilespmem:s16], [sflag:$0x1], $0xC400, $0x38;
	[tilespmem:$0x1E800] =	vst v63  }
0xf3: {  	_ =	swait.ge [sflag:s17], $0xC400  }
0xf4: {  	[sflag:s17] =	ssyncset.done $0x0  }
0xf5: {  	[sflag:s17] =	ssyncadd.s32 $0xFFFF3C00  }
0xf6: {  	[tilespmem:s16], [sflag:$0x1] =	stream.linear.gather [hbm4b:s6+s22], $0xC400, $0x38;
	[tilespmem:$0x1E800] =	vst v63  }
0xf7: {  	_ =	swait.ge [sflag:s17], $0xC400  }
0xf8: {  	[sflag:s17] =	ssyncset.done $0x0  }
0xf9: {  	[sflag:s17] =	ssyncadd.s32 $0xFFFF3C00  }
0xfa: {  	[tilespmem:s18], [sflag:$0x1] =	stream.linear.gather [hbm4b:s11+s22], $0xC400, $0x38;
	[tilespmem:$0x1E800] =	vst v63  }
0xfb: {  	_ =	swait.ge [sflag:s17], $0xC400  }
0xfc: {  	[sflag:s17] =	ssyncset.done $0x0  }
0xfd: {  	[sflag:s17] =	ssyncadd.s32 $0xFFFF3C00  }
.LBB2_10:
0xfe: {  	s23 =	sshll.u32 s22, $0xA  }
0xff: {  	s24 =	sadd.s32 s3, s23  }
0x100: {  	[tilespmem:s2], [sflag:$0x1] =	stream.linear.gather [hbm4b:s24+s2], $0x2000, $0x38;
	[tilespmem:$0x1E800] =	vst v63  }
0x101: {  	_ =	swait.ge [sflag:s17], $0x2000  }
0x102: {  	[sflag:s17] =	ssyncset.done $0x0  }
0x103: {  	s31 =	sadd.s32 s4, s23;
	[sflag:s17] =	ssyncadd.s32 $0xFFFFE000  }
0x104: {  	[tilespmem:s19], [sflag:$0x1] =	stream.linear.gather [hbm4b:s31+s2], $0x2000, $0x38;
	[tilespmem:$0x1E800] =	vst v63  }
0x105: {  	_ =	swait.ge [sflag:s17], $0x2000  }
0x106: {  	[sflag:s17] =	ssyncset.done $0x0  }
0x107: {  	s23 =	sadd.s32 s5, s23;
	[sflag:s17] =	ssyncadd.s32 $0xFFFFE000  }
0x108: {  	[tilespmem:s20], [sflag:$0x1] =	stream.linear.gather [hbm4b:s23+s2], $0x2000, $0x38;
	[tilespmem:$0x1E800] =	vst v63  }
0x109: {  	_ =	swait.ge [sflag:s17], $0x2000  }
0x10a: {  	[sflag:s17] =	ssyncset.done $0x0  }
0x10b: {  	s25 =	simm.s32 $0x40;
	[sflag:s17] =	ssyncadd.s32 $0xFFFFE000  }
0x10c: {  	v0 =	vld [tilespmem:s25+$0x30]  }
0x10d: {  	v1 =	vld [tilespmem:s25+$0xFFFFFFD0]  }
0x10e: {  	v2 =	vld [tilespmem:s25+$0xFFFFFFE0]  }
0x10f: {  	v3 =	vld [tilespmem:s25+$0xFFFFFFF0]  }
0x110: {  	v4 =	vld [tilespmem:s25+$0x0]  }
0x111: {  	s23 =	simm.s32 $0x2040;
	v5 =	vld [tilespmem:s25+$0x10]  }
0x112: {  	s24 =	simm.s32 $0x4040;
	v6 =	vld [tilespmem:s23+$0x30]  }
0x113: {  	v7 =	vld [tilespmem:s24+$0x30]  }
0x114: {  	v8 =	vld [tilespmem:s25+$0xFFFFFFC0]  }
0x115: {  	v9 =	vld [tilespmem:s25+$0x20]  }
0x116: {  	v57 =	vld [tilespmem:s23+$0xFFFFFFC0]  }
0x117: {  	v58 =	vld [tilespmem:s24+$0xFFFFFFC0]  }
0x118: {  	v59 =	vld [tilespmem:s24+$0xFFFFFFD0]  }
0x119: {  	v10 =	vld [tilespmem:s24+$0xFFFFFFE0]  }
0x11a: {  	v0 =	vld.idx.msk [tilespmem:v0+s18+$0x0], $0xffff  }
0x11b: {  	v11 =	vld [tilespmem:s23+$0xFFFFFFD0]  }
0x11c: {  	v12 =	vld [tilespmem:s24+$0xFFFFFFF0]  }
0x11d: {  	v13 =	vld [tilespmem:s24+$0x0]  }
0x11e: {  	v60 =	vld [tilespmem:s23+$0xFFFFFFE0]  }
0x11f: {  	v61 =	vld [tilespmem:s23+$0x0];
	v0 =	vmul.f32 v0, v7  }
0x120: {  	v62 =	vld [tilespmem:s23+$0x10]  }
0x121: {  	[tilespmem:v6+s16+$0x0] =	vst.idx.add.f32.msk $0xffff, v0  }
0x122: {  	v0 =	vld.idx.msk [tilespmem:v8+s18+$0x0], $0xffff  }
0x123: {  	v63 =	vld [tilespmem:s24+$0x10]  }
0x124: {  	v14 =	vld [tilespmem:s24+$0x20]  }
0x125: {  	v1 =	vld.idx.msk [tilespmem:v1+s18+$0x0], $0xffff  }
0x126: {  	v2 =	vld.idx.msk [tilespmem:v2+s18+$0x0], $0xffff  }
0x127: {  	v4 =	vld.idx.msk [tilespmem:v4+s18+$0x0], $0xffff;
	v0 =	vmul.f32 v0, v58  }
0x128: {  	v5 =	vld.idx.msk [tilespmem:v5+s18+$0x0], $0xffff  }
0x129: {  	[tilespmem:v57+s16+$0x0] =	vst.idx.add.f32.msk $0xffff, v0  }
0x12a: {  	v0 =	vld [tilespmem:s23+$0xFFFFFFF0]  }
0x12b: {  	v3 =	vld.idx.msk [tilespmem:v3+s18+$0x0], $0xffff;
	v1 =	vmul.f32 v1, v59  }
0x12c: {  	v9 =	vld.idx.msk [tilespmem:v9+s18+$0x0], $0xffff  }
0x12d: {  	v2 =	vmul.f32 v2, v10;
	[tilespmem:v11+s16+$0x0] =	vst.idx.add.f32.msk $0xffff, v1  }
0x12e: {  	v4 =	vmul.f32 v4, v13;
	v1 =	vld [tilespmem:s23+$0x20]  }
0x12f: {  	[tilespmem:v60+s16+$0x0] =	vst.idx.add.f32.msk $0xffff, v2;
	v2 =	vmul.f32 v5, v63  }
0x130: {  	v3 =	vmul.f32 v3, v12;
	[tilespmem:v61+s16+$0x0] =	vst.idx.add.f32.msk $0xffff, v4  }
0x131: {  	[tilespmem:v62+s16+$0x0] =	vst.idx.add.f32.msk $0xffff, v2  }
0x132: {  	s26 =	simm.s32 $0xC0;
	s25 =	simm.s32 $0x0;
	[tilespmem:v0+s16+$0x0] =	vst.idx.add.f32.msk $0xffff, v3;
	v0 =	vmul.f32 v9, v14  }
.LBB2_11:
0x133: {  	v2 =	vld [tilespmem:s26+$0x30];
	s25 =	sadd.s32 $0x8, s25  }
0x134: {  	v3 =	vld [tilespmem:s26+$0xFFFFFFD0];
	p2 =	slt.u32 s25, $0x1F8  }
0x135: {  	v4 =	vld [tilespmem:s26+$0xFFFFFFE0]  }
0x136: {  	v5 =	vld [tilespmem:s26+$0xFFFFFFF0]  }
0x137: {  	v6 =	vld [tilespmem:s26+$0x0]  }
0x138: {  	v7 =	vld [tilespmem:s26+$0x10]  }
0x139: {  	s23 =	sadd.s32 $0x80, s23;
	v8 =	vld [tilespmem:s26+$0x20]  }
0x13a: {  	v9 =	vld [tilespmem:s23+$0x30]  }
0x13b: {  	s24 =	sadd.s32 $0x80, s24;
	v2 =	vld.idx.msk [tilespmem:v2+s18+$0x0], $0xffff  }
0x13c: {  	v10 =	vld [tilespmem:s24+$0x30]  }
0x13d: {  	v11 =	vld [tilespmem:s26+$0xFFFFFFC0]  }
0x13e: {  	v3 =	vld.idx.msk [tilespmem:v3+s18+$0x0], $0xffff  }
0x13f: {  	v4 =	vld.idx.msk [tilespmem:v4+s18+$0x0], $0xffff  }
0x140: {  	v5 =	vld.idx.msk [tilespmem:v5+s18+$0x0], $0xffff  }
0x141: {  	v6 =	vld.idx.msk [tilespmem:v6+s18+$0x0], $0xffff;
	v2 =	vmul.f32 v2, v10  }
0x142: {  	v7 =	vld.idx.msk [tilespmem:v7+s18+$0x0], $0xffff  }
0x143: {  	[tilespmem:v9+s16+$0x0] =	vst.idx.add.f32.msk $0xffff, v2  }
0x144: {  	v2 =	vld.idx.msk [tilespmem:v8+s18+$0x0], $0xffff  }
0x145: {  	v8 =	vld.idx.msk [tilespmem:v11+s18+$0x0], $0xffff  }
0x146: {  	v9 =	vld [tilespmem:s24+$0xFFFFFFC0]  }
0x147: {  	v10 =	vld [tilespmem:s24+$0xFFFFFFD0]  }
0x148: {  	v11 =	vld [tilespmem:s24+$0xFFFFFFE0]  }
0x149: {  	v12 =	vld [tilespmem:s24+$0xFFFFFFF0]  }
0x14a: {  	v13 =	vld [tilespmem:s24+$0x0]  }
0x14b: {  	v8 =	vmul.f32 v8, v9;
	v9 =	vld [tilespmem:s24+$0x10]  }
0x14c: {  	v3 =	vmul.f32 v3, v10;
	v10 =	vld [tilespmem:s24+$0x20]  }
0x14d: {  	v14 =	vld [tilespmem:s23+$0xFFFFFFC0];
	v4 =	vmul.f32 v4, v11  }
0x14e: {  	v11 =	vld [tilespmem:s23+$0xFFFFFFD0];
	v5 =	vmul.f32 v5, v12  }
0x14f: {  	v12 =	vld [tilespmem:s23+$0xFFFFFFE0];
	v6 =	vmul.f32 v6, v13  }
0x150: {  	v13 =	vld [tilespmem:s23+$0xFFFFFFF0];
	v7 =	vmul.f32 v7, v9  }
0x151: {  	v9 =	vld [tilespmem:s23+$0x0];
	v2 =	vmul.f32 v2, v10  }
0x152: {  	v10 =	vld [tilespmem:s23+$0x10]  }
0x153: {  	v15 =	vld [tilespmem:s23+$0x20]  }
0x154: {  	[tilespmem:v1+s16+$0x0] =	vst.idx.add.f32.msk $0xffff, v0;
	v0 =	vmov v2  }
0x155: {  	[tilespmem:v14+s16+$0x0] =	vst.idx.add.f32.msk $0xffff, v8  }
.Ltmp6:
0x156: {  	[tilespmem:v11+s16+$0x0] =	vst.idx.add.f32.msk $0xffff, v3;
	(pc) =	sbr.rel @p2 .LBB2_11-.Ltmp6, $4  }
0x157: {  	[tilespmem:v12+s16+$0x0] =	vst.idx.add.f32.msk $0xffff, v4  }
0x158: {  	[tilespmem:v13+s16+$0x0] =	vst.idx.add.f32.msk $0xffff, v5;
	v1 =	vmov v15  }
0x159: {  	[tilespmem:v9+s16+$0x0] =	vst.idx.add.f32.msk $0xffff, v6  }
0x15a: {  	s26 =	sadd.s32 $0x80, s26;
	[tilespmem:v10+s16+$0x0] =	vst.idx.add.f32.msk $0xffff, v7  }
0x15b: {  	s22 =	sadd.s32 $0x1, s22  }
0x15c: {  	p2 =	sne.s32 s22, $0x64  }
.Ltmp7:
0x15d: {  	_ = 	snop;
	(pc) =	sbr.rel @p2 .LBB2_10-.Ltmp7, $2  }
0x15e: {  	_ =	sdelay $0x2  }
0x15f: {  	[tilespmem:v1+s16+$0x0] =	vst.idx.add.f32.msk $0xffff, v0  }
.Ltmp8:
0x160: {  	(pc) =	sbr.rel @p0 .LBB2_20-.Ltmp8, $4  }
0x161: {  	[hbm4b:s12+s2] =	stream.linear.scatter [tilespmem:s16], [sflag:$0x1], $0xC400, $0x38;
	[tilespmem:$0x1E800] =	vst v63  }
0x162: {  	_ =	swait.ge [sflag:s17], $0xC400  }
0x163: {  	[sflag:s17] =	ssyncset.done $0x0  }
0x164: {  	[sflag:s17] =	ssyncadd.s32 $0xFFFF3C00  }
.Ltmp9:
0x165: {  	(pc) =	sbr.rel @p1 .LBB2_19-.Ltmp9, $4  }
0x166: {  	[tilespmem:s16], [sflag:$0x1] =	stream.linear.gather [hbm4b:s6+s2], $0xC400, $0x38;
	[tilespmem:$0x1E800] =	vst v63  }
0x167: {  	_ =	swait.ge [sflag:s17], $0xC400  }
0x168: {  	[sflag:s17] =	ssyncset.done $0x0  }
0x169: {  	[sflag:s17] =	ssyncadd.s32 $0xFFFF3C00  }
0x16a: {  	s22 =	simm.s32 $0x0  }
0x16b: {  	[tilespmem:s18], [sflag:$0x1] =	stream.linear.gather [hbm4b:s13+s22], $0xC400, $0x38;
	[tilespmem:$0x1E800] =	vst v63  }
0x16c: {  	_ =	swait.ge [sflag:s17], $0xC400  }
0x16d: {  	[sflag:s17] =	ssyncset.done $0x0  }
0x16e: {  	[sflag:s17] =	ssyncadd.s32 $0xFFFF3C00  }
.LBB2_16:
0x16f: {  	s23 =	sshll.u32 s22, $0xA  }
0x170: {  	s24 =	sadd.s32 s3, s23  }
0x171: {  	[tilespmem:s2], [sflag:$0x1] =	stream.linear.gather [hbm4b:s24+s2], $0x2000, $0x38;
	[tilespmem:$0x1E800] =	vst v63  }
0x172: {  	_ =	swait.ge [sflag:s17], $0x2000  }
0x173: {  	[sflag:s17] =	ssyncset.done $0x0  }
0x174: {  	s31 =	sadd.s32 s4, s23;
	[sflag:s17] =	ssyncadd.s32 $0xFFFFE000  }
0x175: {  	[tilespmem:s19], [sflag:$0x1] =	stream.linear.gather [hbm4b:s31+s2], $0x2000, $0x38;
	[tilespmem:$0x1E800] =	vst v63  }
0x176: {  	_ =	swait.ge [sflag:s17], $0x2000  }
0x177: {  	[sflag:s17] =	ssyncset.done $0x0  }
0x178: {  	s23 =	sadd.s32 s5, s23;
	[sflag:s17] =	ssyncadd.s32 $0xFFFFE000  }
0x179: {  	[tilespmem:s20], [sflag:$0x1] =	stream.linear.gather [hbm4b:s23+s2], $0x2000, $0x38;
	[tilespmem:$0x1E800] =	vst v63  }
0x17a: {  	_ =	swait.ge [sflag:s17], $0x2000  }
0x17b: {  	[sflag:s17] =	ssyncset.done $0x0  }
0x17c: {  	s25 =	simm.s32 $0x40;
	[sflag:s17] =	ssyncadd.s32 $0xFFFFE000  }
0x17d: {  	v0 =	vld [tilespmem:s25+$0x30]  }
0x17e: {  	v1 =	vld [tilespmem:s25+$0xFFFFFFD0]  }
0x17f: {  	v2 =	vld [tilespmem:s25+$0xFFFFFFE0]  }
0x180: {  	v3 =	vld [tilespmem:s25+$0xFFFFFFF0]  }
0x181: {  	v4 =	vld [tilespmem:s25+$0x0]  }
0x182: {  	s23 =	simm.s32 $0x2040;
	v5 =	vld [tilespmem:s25+$0x10]  }
0x183: {  	s24 =	simm.s32 $0x4040;
	v6 =	vld [tilespmem:s23+$0x30]  }
0x184: {  	v7 =	vld [tilespmem:s24+$0x30]  }
0x185: {  	v8 =	vld [tilespmem:s25+$0xFFFFFFC0]  }
0x186: {  	v9 =	vld [tilespmem:s25+$0x20]  }
0x187: {  	v57 =	vld [tilespmem:s23+$0xFFFFFFC0]  }
0x188: {  	v58 =	vld [tilespmem:s24+$0xFFFFFFC0]  }
0x189: {  	v59 =	vld [tilespmem:s24+$0xFFFFFFD0]  }
0x18a: {  	v10 =	vld [tilespmem:s24+$0xFFFFFFE0]  }
0x18b: {  	v0 =	vld.idx.msk [tilespmem:v0+s18+$0x0], $0xffff  }
0x18c: {  	v11 =	vld [tilespmem:s23+$0xFFFFFFD0]  }
0x18d: {  	v12 =	vld [tilespmem:s24+$0xFFFFFFF0]  }
0x18e: {  	v13 =	vld [tilespmem:s24+$0x0]  }
0x18f: {  	v60 =	vld [tilespmem:s23+$0xFFFFFFE0]  }
0x190: {  	v61 =	vld [tilespmem:s23+$0x0];
	v0 =	vmul.f32 v0, v7  }
0x191: {  	v62 =	vld [tilespmem:s23+$0x10]  }
0x192: {  	[tilespmem:v6+s16+$0x0] =	vst.idx.add.f32.msk $0xffff, v0  }
0x193: {  	v0 =	vld.idx.msk [tilespmem:v8+s18+$0x0], $0xffff  }
0x194: {  	v63 =	vld [tilespmem:s24+$0x10]  }
0x195: {  	v14 =	vld [tilespmem:s24+$0x20]  }
0x196: {  	v1 =	vld.idx.msk [tilespmem:v1+s18+$0x0], $0xffff  }
0x197: {  	v2 =	vld.idx.msk [tilespmem:v2+s18+$0x0], $0xffff  }
0x198: {  	v4 =	vld.idx.msk [tilespmem:v4+s18+$0x0], $0xffff;
	v0 =	vmul.f32 v0, v58  }
0x199: {  	v5 =	vld.idx.msk [tilespmem:v5+s18+$0x0], $0xffff  }
0x19a: {  	[tilespmem:v57+s16+$0x0] =	vst.idx.add.f32.msk $0xffff, v0  }
0x19b: {  	v0 =	vld [tilespmem:s23+$0xFFFFFFF0]  }
0x19c: {  	v3 =	vld.idx.msk [tilespmem:v3+s18+$0x0], $0xffff;
	v1 =	vmul.f32 v1, v59  }
0x19d: {  	v9 =	vld.idx.msk [tilespmem:v9+s18+$0x0], $0xffff  }
0x19e: {  	v2 =	vmul.f32 v2, v10;
	[tilespmem:v11+s16+$0x0] =	vst.idx.add.f32.msk $0xffff, v1  }
0x19f: {  	v4 =	vmul.f32 v4, v13;
	v1 =	vld [tilespmem:s23+$0x20]  }
0x1a0: {  	[tilespmem:v60+s16+$0x0] =	vst.idx.add.f32.msk $0xffff, v2;
	v2 =	vmul.f32 v5, v63  }
0x1a1: {  	v3 =	vmul.f32 v3, v12;
	[tilespmem:v61+s16+$0x0] =	vst.idx.add.f32.msk $0xffff, v4  }
0x1a2: {  	[tilespmem:v62+s16+$0x0] =	vst.idx.add.f32.msk $0xffff, v2  }
0x1a3: {  	s26 =	simm.s32 $0xC0;
	s25 =	simm.s32 $0x0;
	[tilespmem:v0+s16+$0x0] =	vst.idx.add.f32.msk $0xffff, v3;
	v0 =	vmul.f32 v9, v14  }
.LBB2_17:
0x1a4: {  	v2 =	vld [tilespmem:s26+$0x30];
	s25 =	sadd.s32 $0x8, s25  }
0x1a5: {  	v3 =	vld [tilespmem:s26+$0xFFFFFFD0];
	p2 =	slt.u32 s25, $0x1F8  }
0x1a6: {  	v4 =	vld [tilespmem:s26+$0xFFFFFFE0]  }
0x1a7: {  	v5 =	vld [tilespmem:s26+$0xFFFFFFF0]  }
0x1a8: {  	v6 =	vld [tilespmem:s26+$0x0]  }
0x1a9: {  	v7 =	vld [tilespmem:s26+$0x10]  }
0x1aa: {  	s23 =	sadd.s32 $0x80, s23;
	v8 =	vld [tilespmem:s26+$0x20]  }
0x1ab: {  	v9 =	vld [tilespmem:s23+$0x30]  }
0x1ac: {  	s24 =	sadd.s32 $0x80, s24;
	v2 =	vld.idx.msk [tilespmem:v2+s18+$0x0], $0xffff  }
0x1ad: {  	v10 =	vld [tilespmem:s24+$0x30]  }
0x1ae: {  	v11 =	vld [tilespmem:s26+$0xFFFFFFC0]  }
0x1af: {  	v3 =	vld.idx.msk [tilespmem:v3+s18+$0x0], $0xffff  }
0x1b0: {  	v4 =	vld.idx.msk [tilespmem:v4+s18+$0x0], $0xffff  }
0x1b1: {  	v5 =	vld.idx.msk [tilespmem:v5+s18+$0x0], $0xffff  }
0x1b2: {  	v6 =	vld.idx.msk [tilespmem:v6+s18+$0x0], $0xffff;
	v2 =	vmul.f32 v2, v10  }
0x1b3: {  	v7 =	vld.idx.msk [tilespmem:v7+s18+$0x0], $0xffff  }
0x1b4: {  	[tilespmem:v9+s16+$0x0] =	vst.idx.add.f32.msk $0xffff, v2  }
0x1b5: {  	v2 =	vld.idx.msk [tilespmem:v8+s18+$0x0], $0xffff  }
0x1b6: {  	v8 =	vld.idx.msk [tilespmem:v11+s18+$0x0], $0xffff  }
0x1b7: {  	v9 =	vld [tilespmem:s24+$0xFFFFFFC0]  }
0x1b8: {  	v10 =	vld [tilespmem:s24+$0xFFFFFFD0]  }
0x1b9: {  	v11 =	vld [tilespmem:s24+$0xFFFFFFE0]  }
0x1ba: {  	v12 =	vld [tilespmem:s24+$0xFFFFFFF0]  }
0x1bb: {  	v13 =	vld [tilespmem:s24+$0x0]  }
0x1bc: {  	v8 =	vmul.f32 v8, v9;
	v9 =	vld [tilespmem:s24+$0x10]  }
0x1bd: {  	v3 =	vmul.f32 v3, v10;
	v10 =	vld [tilespmem:s24+$0x20]  }
0x1be: {  	v14 =	vld [tilespmem:s23+$0xFFFFFFC0];
	v4 =	vmul.f32 v4, v11  }
0x1bf: {  	v11 =	vld [tilespmem:s23+$0xFFFFFFD0];
	v5 =	vmul.f32 v5, v12  }
0x1c0: {  	v12 =	vld [tilespmem:s23+$0xFFFFFFE0];
	v6 =	vmul.f32 v6, v13  }
0x1c1: {  	v13 =	vld [tilespmem:s23+$0xFFFFFFF0];
	v7 =	vmul.f32 v7, v9  }
0x1c2: {  	v9 =	vld [tilespmem:s23+$0x0];
	v2 =	vmul.f32 v2, v10  }
0x1c3: {  	v10 =	vld [tilespmem:s23+$0x10]  }
0x1c4: {  	v15 =	vld [tilespmem:s23+$0x20]  }
0x1c5: {  	[tilespmem:v1+s16+$0x0] =	vst.idx.add.f32.msk $0xffff, v0;
	v0 =	vmov v2  }
0x1c6: {  	[tilespmem:v14+s16+$0x0] =	vst.idx.add.f32.msk $0xffff, v8  }
.Ltmp10:
0x1c7: {  	[tilespmem:v11+s16+$0x0] =	vst.idx.add.f32.msk $0xffff, v3;
	(pc) =	sbr.rel @p2 .LBB2_17-.Ltmp10, $4  }
0x1c8: {  	[tilespmem:v12+s16+$0x0] =	vst.idx.add.f32.msk $0xffff, v4  }
0x1c9: {  	[tilespmem:v13+s16+$0x0] =	vst.idx.add.f32.msk $0xffff, v5;
	v1 =	vmov v15  }
0x1ca: {  	[tilespmem:v9+s16+$0x0] =	vst.idx.add.f32.msk $0xffff, v6  }
0x1cb: {  	s26 =	sadd.s32 $0x80, s26;
	[tilespmem:v10+s16+$0x0] =	vst.idx.add.f32.msk $0xffff, v7  }
0x1cc: {  	s22 =	sadd.s32 $0x1, s22  }
0x1cd: {  	p2 =	sne.s32 s22, $0x64  }
.Ltmp11:
0x1ce: {  	_ = 	snop;
	(pc) =	sbr.rel @p2 .LBB2_16-.Ltmp11, $4  }
.Ltmp12:
0x1cf: {  	_ = 	snop;
	(pc) =	sbr.rel @!p2 .LBB2_19-.Ltmp12, $4  }
0x1d0: {  	_ = 	snop  }
0x1d1: {  	_ = 	snop  }
0x1d2: {  	[tilespmem:v1+s16+$0x0] =	vst.idx.add.f32.msk $0xffff, v0  }
0x1d3: {  	_ = 	snop  }
.LBB2_21:
0x1d4: {  	_ =	sfence.sel $0x180000  }
0x1d5: {  	[bflag:$0x0] =	sbarrier.arrive $0xFFFF  }
0x1d6: {  	p0 =	sne.s32 s1, $0x0;
	_ =	strace $0x90000050  }
0x1d7: {  	s0 =	sadd.s32 @!p0 $0x100000, s0;
	[bflag:$0x2] =	sbarrier.arrive $0xFFFF  }
0x1d8: {  	[sflag:s0] =	ssyncadd.tile.s32 @!p0 $0x1;
	_ =	shalt  }
.Lfunc_end2:
_tile_overlayer_lowered:
.L_overlay_start_2:
0x1d9: {  	(tag) =	ssettag $0x2  }
0x1da: {  	s0 =	rddreg [dreg:$0x0];
	s2 =	stileid.u32  }
0x1db: {  	s1 =	rddreg [dreg:$0x1];
	p0 =	sne.s32 s2, $0x0  }
0x1dc: {  	s3 =	rddreg [dreg:$0x2];
	[bflag:$0x3] =	sbarrier.arrive $0xFFFF;
	s2 =	simm.s32 @!p0 $0x1C01  }
0x1dd: {  	[timem:s3], [sflag:s2] =	dma.local @!p0 [hbm:s0], s1  }
0x1de: {  	s0 =	simm.s32 @!p0 $0x1  }
0x1df: {  	_ =	swait.ge @!p0 [sflag:s0], s1  }
0x1e0: {  	s1 =	ssub.s32 @!p0 $0x0, s1;
	[sflag:s0] =	ssyncset.done @!p0 $0x0  }
0x1e1: {  	[sflag:s0] =	ssyncadd.s32 @!p0 s1  }
0x1e2: {  	[bflag:$0x3] =	sbarrier.arrive $0xFFFF  }
0x1e3: {  	_ =	shalt  }

// kernel: kernel.9.cloned.1.call-start
scs
__scs_entry_jumppad:
0x0: {  	(pc) =	sbr.rel $0x88, $3  }
0x1: {  	(tag) =	ssettag $0x0;
	lr =	simm.s32 $0x1  }
0x2: {  	[smem:$0x3F95] =	sst lr;
	_ =	strace $0xD0000000  }
0x3: {  	_ = 	snop  }
0x4: {  	_ = 	snop  }
0x5: {  	_ = 	snop  }
0x6: {  	_ = 	snop  }
0x7: {  	_ = 	snop  }
__scs_overlays_trampoline_lowered:
0x8: {  	[smem:$0x3FA4] =	sst s0  }
0x9: {  	[smem:$0x3FA5] =	sst s1  }
0xa: {  	[smem:$0x3FA6] =	sst s2  }
0xb: {  	[smem:$0x3FA7] =	sst s3  }
0xc: {  	[smem:$0x3FA8] =	sst s4  }
0xd: {  	[smem:$0x3FA9] =	sst s5  }
0xe: {  	[smem:$0x3FAA] =	sst s6  }
0xf: {  	[smem:$0x3FAB] =	sst s7  }
0x10: {  	[smem:$0x3FAC] =	sst s8  }
0x11: {  	[smem:$0x3FAD] =	sst s9;
	s0 =	simm.s32 @!p0 $0x0  }
0x12: {  	s1 =	sld [smem:$0x3F93];
	s0 =	simm.s32 @p0 $0x1  }
0x13: {  	[smem:$0x3FAE] =	sst s0;
	s0 =	simm.s32 @!p1 $0x0  }
0x14: {  	s2 =	sld [smem:$0x3F92];
	s0 =	simm.s32 @p1 $0x1  }
0x15: {  	[smem:$0x3FAF] =	sst s0;
	s0 =	simm.s32 @!p2 $0x0  }
0x16: {  	s3 =	sld [smem:$0x3FDB];
	s0 =	simm.s32 @p2 $0x1  }
0x17: {  	s4 =	simm.s32 $0x1BF5;
	[smem:$0x3FB1] =	sst s0  }
0x18: {  	s0 =	sld [smem:$0x3F94];
	_ =	swait.ge [sflag:s4], $0x0  }
0x19: {  	s7 =	sld [smem:$0x3F95]  }
0x1a: {  	s8 =	sadd.s32 $0xFFFFE003, lr  }
0x1b: {  	s9 =	sadd.s32 $0xFFFFFEF7, lr;
	s5 =	simm.s32 $0xFFFFFFFF;
	p2 =	slt.u32 s8, $0xFFFFF086  }
0x1c: {  	p1 =	slt.u32 s9, $0xF7A;
	s5 =	simm.s32 @!p2 $0x0  }
0x1d: {  	s5 =	simm.s32 @p1 $0x1;
	p0 =	seq.s32 s7, s2  }
0x1e: {  	s7 =	smul.u32 @!p0 $0xF7A, s2;
	p2 =	seq.s32 @!p0 s5, $0x0  }
0x1f: {  	s9 =	smul.u32 $0xF7A, s1;
	s8 =	simm.s32 @!p0 $0x1BF5;
	p2 =	por !p2, p0  }
0x20: {  	[sflag:s8] =	ssyncset.s32 @!p0 $0xFFFFF086;
	s6 =	sadd.s32 @!p0 s3, s7;
	s7 =	simm.s32 @!p0 $0x108  }
0x21: {  	s3 =	sadd.s32 s3, s9;
	s6 =	sadd.s32 @!p0 $0x88, s6;
	s7 =	simm.s32 @p2 $0x1082  }
0x22: {  	[simem:s7], [sflag:s8] =	dma.local @!p0 [hbm:s6], $0xF7A  }
0x23: {  	s9 =	sor.u32 $0xD0000000, s2;
	s6 =	simm.s32 $0x108;
	_ =	swait.ge @!p0 [sflag:s8], $0x0  }
0x24: {  	s3 =	sadd.s32 $0x88, s3;
	s6 =	simm.s32 @!p1 $0x1082;
	[sflag:s4] =	ssyncset.s32 $0xFFFFF086  }
0x25: {  	[simem:s6], [sflag:s4] =	dma.local [hbm:s3], $0xF7A  }
0x26: {  	[smem:$0x3F95] =	sst s1;
	(tag) =	ssettag s2;
	_ =	strace s9  }
0x27: {  	s1 =	sld [smem:$0x3FA5]  }
0x28: {  	s2 =	sld [smem:$0x3FA6]  }
0x29: {  	s4 =	sld [smem:$0x3FA8]  }
0x2a: {  	p0 =	seq.s32 s5, $0x0;
	s5 =	sld [smem:$0x3FA9]  }
0x2b: {  	s6 =	sld [smem:$0x3FAA]  }
0x2c: {  	s7 =	sld [smem:$0x3FAB]  }
0x2d: {  	s3 =	simm.s32 $0x108;
	s8 =	sld [smem:$0x3FAC]  }
0x2e: {  	s3 =	simm.s32 @!p0 $0x1082;
	s9 =	sld [smem:$0x3FAD]  }
0x2f: {  	lr =	sadd.s32 s0, s3;
	s0 =	sld [smem:$0x3FA4]  }
0x30: {  	s3 =	sld [smem:$0x3FA7]  }
0x31: {  	[smem:$0x3FB0] =	sst s10  }
0x32: {  	s10 =	sld [smem:$0x3FAE];
	_ =	sdelay $0x3  }
0x33: {  	p0 =	seq.s32 s10, $0x1;
	s10 =	sld [smem:$0x3FB0];
	_ =	sdelay $0x3  }
0x34: {  	[smem:$0x3FB0] =	sst s10  }
0x35: {  	s10 =	sld [smem:$0x3FAF];
	_ =	sdelay $0x3  }
0x36: {  	p1 =	seq.s32 s10, $0x1;
	s10 =	sld [smem:$0x3FB0];
	_ =	sdelay $0x3  }
0x37: {  	[smem:$0x3FB0] =	sst s10  }
0x38: {  	s10 =	sld [smem:$0x3FB1]  }
0x39: {  	_ = 	snop;
	(pc) =	sbr.ind lr, $3  }
0x3a: {  	_ = 	snop  }
0x3b: {  	_ = 	snop  }
0x3c: {  	p2 =	seq.s32 s10, $0x1;
	s10 =	sld [smem:$0x3FB0]  }
0x3d: {  	_ =	shalt  }
0x3e: {  	_ =	shalt  }
0x3f: {  	_ =	shalt  }
0x40: {  	_ =	shalt  }
0x41: {  	_ =	shalt  }
0x42: {  	_ =	shalt  }
0x43: {  	_ =	shalt  }
0x44: {  	_ =	shalt  }
0x45: {  	_ =	shalt  }
0x46: {  	_ =	shalt  }
0x47: {  	_ =	shalt  }
0x48: {  	_ =	shalt  }
0x49: {  	_ =	shalt  }
0x4a: {  	_ =	shalt  }
0x4b: {  	_ =	shalt  }
0x4c: {  	_ =	shalt  }
0x4d: {  	_ =	shalt  }
0x4e: {  	_ =	shalt  }
0x4f: {  	_ =	shalt  }
0x50: {  	_ =	shalt  }
0x51: {  	_ =	shalt  }
0x52: {  	_ =	shalt  }
0x53: {  	_ =	shalt  }
0x54: {  	_ =	shalt  }
0x55: {  	_ =	shalt  }
0x56: {  	_ =	shalt  }
0x57: {  	_ =	shalt  }
0x58: {  	_ =	shalt  }
0x59: {  	_ =	shalt  }
0x5a: {  	_ =	shalt  }
0x5b: {  	_ =	shalt  }
0x5c: {  	_ =	shalt  }
0x5d: {  	_ =	shalt  }
0x5e: {  	_ =	shalt  }
0x5f: {  	_ =	shalt  }
0x60: {  	_ =	shalt  }
0x61: {  	_ =	shalt  }
0x62: {  	_ =	shalt  }
0x63: {  	_ =	shalt  }
0x64: {  	_ =	shalt  }
0x65: {  	_ =	shalt  }
0x66: {  	_ =	shalt  }
0x67: {  	_ =	shalt  }
0x68: {  	_ =	shalt  }
0x69: {  	_ =	shalt  }
0x6a: {  	_ =	shalt  }
0x6b: {  	_ =	shalt  }
0x6c: {  	_ =	shalt  }
0x6d: {  	_ =	shalt  }
0x6e: {  	_ =	shalt  }
0x6f: {  	_ =	shalt  }
0x70: {  	_ =	shalt  }
0x71: {  	_ =	shalt  }
0x72: {  	_ =	shalt  }
0x73: {  	_ =	shalt  }
0x74: {  	_ =	shalt  }
0x75: {  	_ =	shalt  }
0x76: {  	_ =	shalt  }
0x77: {  	_ =	shalt  }
0x78: {  	_ =	shalt  }
0x79: {  	_ =	shalt  }
0x7a: {  	_ =	shalt  }
0x7b: {  	_ =	shalt  }
0x7c: {  	_ =	shalt  }
0x7d: {  	_ =	shalt  }
0x7e: {  	_ =	shalt  }
0x7f: {  	_ =	shalt  }
0x80: {  	_ =	shalt  }
0x81: {  	_ =	shalt  }
0x82: {  	_ =	shalt  }
0x83: {  	_ =	shalt  }
0x84: {  	_ =	shalt  }
0x85: {  	_ =	shalt  }
0x86: {  	_ =	shalt  }
0x87: {  	_ =	shalt  }
.Lfunc_end0:
.L_simem_size_0:
called_computation_lowered:
.L_overlay_start_0:
0x88: {  	s2 =	sld [smem:$0x3FD9]  }
0x89: {  	s3 =	sld [smem:$0x3FFE];
	_ =	sdelay $0x1  }
0x8a: {  	s1 =	srdreg.scid  }
0x8b: {  	s0 =	sand.u32 $0x1, s1  }
0x8c: {  	s16 =	sshll.u32 s0, $0xA;
	s2 =	sadd.s32 s3, s2  }
0x8d: {  	s2 =	sadd.s32 s2, s16  }
0x8e: {  	[smem:$0x3FBC] =	sst s2  }
0x8f: {  	_ = 	snop  }
0x90: {  	(tm) =	ssettm $0x1  }
0x91: {  	s17 =	sld [smem:$0x3FFB];
	_ =	sdelay $0x3  }
0x92: {  	_ =	strace s17  }
0x93: {  	s2 =	sld [smem:$0x3FFC];
	_ =	sdelay $0x3  }
0x94: {  	_ =	strace s2  }
0x95: {  	s2 =	sld [smem:$0x3FFD];
	_ =	sdelay $0x3  }
0x96: {  	_ =	strace s2  }
0x97: {  	_ =	strace $0x8FFFFFFF  }
0x98: {  	s18 =	sld [smem:$0x3FDB];
	_ =	sdelay $0x1  }
0x99: {  	s19 =	simm.s32 $_scs_section_size  }
0x9a: {  	s4 =	simm.s32 $_size__tile_overlayer_lowered;
	s5 =	simm.s32 $_tile_overlayer_lowered  }
0x9b: {  	s22 =	simm.s32 $0x1BFF;
	s21 =	sshll.u32 s5, $0x1;
	s2 =	sadd.s32 s19, s18  }
0x9c: {  	s6 =	simm.s32 $0x0;
	s20 =	sshll.u32 s4, $0x1;
	s4 =	sadd.s32 s21, s2  }
0x9d: {  	[timem:s6], [sflag:s22] =	dma.local [hbm:s4], s20  }
0x9e: {  	_ =	swait.ge [sflag:s22], s20  }
0x9f: {  	s3 =	ssub.s32 $0x0, s20;
	[sflag:s22] =	ssyncset.done $0x0  }
0xa0: {  	[sflag:s22] =	ssyncadd.s32 s3;
	_ =	sdelay $0x1  }
0xa1: {  	s23 =	simm.s32 $0x1B8B  }
0xa2: {  	_ =	swait.ge [sflag:s23], $0x1  }
0xa3: {  	[sflag:s23] =	ssyncset.done $0x0  }
0xa4: {  	s25 =	simm.s32 $0x1B8E;
	s24 =	sld [smem:$0x3FFE];
	[sflag:s23] =	ssyncadd.s32 $0xFFFFFFFF  }
0xa5: {  	s26 =	simm.s32 $execute0_lowered;
	[smem:$0x3FD2] =	sst s25  }
0xa6: {  	s4 =	sshll.u32 s26, $0x1;
	_ =	strace $0x80000046;
	[dreg:$0x1] =	wrdreg $0xFFFFFFFF  }
0xa7: {  	s28 =	simm.s32 $_size_execute0_lowered;
	s2 =	sadd.s32 s2, s4;
	[dreg:$0x0] =	wrdreg $0x0  }
0xa8: {  	s4 =	sshll.u32 s28, $0x1;
	[dreg:$0x2] =	wrdreg s2  }
0xa9: {  	[dreg:$0x3] =	wrdreg s4  }
0xaa: {  	[dreg:$0x4] =	wrdreg $0xC0  }
0xab: {  	_ =	task [dreg:s6], $0x5FFFF  }
0xac: {  	[dreg:$0x1] =	wrdreg $0xFFFFFFFF  }
0xad: {  	[dreg:$0x0] =	wrdreg $0x60  }
0xae: {  	[dreg:$0x2] =	wrdreg s24  }
0xaf: {  	[dreg:$0x3] =	wrdreg $0x9  }
0xb0: {  	_ =	task.clear_ibuf [dreg:s6], $0x4FFFF;
	_ =	strace $0x90000046  }
0xb1: {  	s29 =	simm.s32 $0x9;
	_ =	strace $0x80000048  }
0xb2: {  	_ =	swait.ge [sflag:s29], $0x1  }
0xb3: {  	[sflag:s29] =	ssyncadd.s32 $0xFFFFFFFF  }
0xb4: {  	_ =	strace $0x90000048  }
0xb5: {  	_ =	sfence  }
0xb6: {  	s30 =	sld [smem:$0x0];
	_ =	sdelay $0x2  }
0xb7: {  	s31 =	sshll.u32 s1, $0xD;
	s1 =	sshrl.u32 s1, $0x2  }
0xb8: {  	s3 =	sand.u32 $0x4000, s31;
	s1 =	sadd.s32 s1, s30  }
0xb9: {  	s0 =	sor.u32 s3, s0;
	s1 =	sshll.u32 s1, $0x11  }
0xba: {  	s0 =	sor.u32 s1, s0  }
0xbb: {  	s0 =	sadd.s32 $0x8F2B, s0  }
0xbc: {  	[sflag:s0] =	ssyncadd.remote.s32 $0x1  }
0xbd: {  	_ =	sfence.sel $0xFFFF  }
0xbe: {  	[dreg:$0x0] =	wrdreg $0xFFFFFFFF;
	(pc) =	sbr.abs _section_cstart, $3  }
0xbf: {  	[dreg:$0x1] =	wrdreg $0xFFFFFFFF  }
0xc0: {  	_ =	task.clear_ibuf [dreg:s6], $0x2FFFF;
	_ =	strace $0x9FFFFFFF  }
0xc1: {  	(tm) =	ssettm $0x7FFFFFFF  }
tec
execute0_lowered:
.L_overlay_start_1:
0x0: {  	(tag) =	ssettag $0x1  }
0x1: {  	s4 =	rddreg [dreg:$0x0]  }
0x2: {  	s0 =	rddreg [dreg:$0x1];
	s2 =	simm.s32 $0x0;
	s3 =	srdreg.scid  }
0x3: {  	s1 =	stileid.u32;
	s15 =	simm.s32 $0x1;
	s16 =	simm.s32 $0x1900  }
0x4: {  	s17 =	simm.s32 $0x0;
	s3 =	sand.u32 $0x1, s3;
	s5 =	sshll.u32 s1, $0x1  }
0x5: {  	[smem:$0x7FF] =	sst s2;
	s12 =	sadd.s32 $0x2000, s4;
	s5 =	sor.u32 s3, s5  }
0x6: {  	s13 =	sadd.s32 $0x1B000, s4;
	s7 =	ssub.s32 $0x2, s3;
	s6 =	smul.u32 $0x1880, s5  }
0x7: {  	_ =	strace $0x80000047;
	s8 =	sshrl.u32 s7, $0x1;
	s9 =	smul.u32 $0x6400, s5  }
0x8: {  	s3 =	sadd.s32 $0x34000, s4;
	s31 =	ssub.s32 s7, s8;
	s4 =	sadd.s32 s6, s4  }
0x9: {  	s5 =	smax.u32 s31, $0x1;
	s14 =	sshrl.u32 s9, $0x3;
	s4 =	sadd.s32 $0x35A00, s4  }
0xa: {  	s6 =	sadd.s32 s12, s14;
	s7 =	sadd.s32 s13, s14;
	s9 =	sadd.s32 $0x320, s14  }
0xb: {  	s11 =	sadd.s32 $0x640, s14;
	s14 =	sadd.s32 $0x960, s14;
	s8 =	sadd.s32 s12, s9  }
0xc: {  	s9 =	sadd.s32 s13, s9;
	s10 =	sadd.s32 s12, s11;
	s11 =	sadd.s32 s13, s11  }
0xd: {  	s12 =	sadd.s32 s12, s14;
	s13 =	sadd.s32 s13, s14;
	s14 =	simm.s32 $0x3200  }
.LBB2_1:
0xe: {  	[tilespmem:s14], [sflag:$0x1] =	stream.linear.gather [hbm4b:s3+s2], $0xC400, $0x38;
	[tilespmem:$0xF600] =	vst v63  }
0xf: {  	_ =	swait.ge [sflag:s15], $0xC400  }
0x10: {  	[sflag:s15] =	ssyncset.done $0x0  }
0x11: {  	[sflag:s15] =	ssyncadd.s32 $0xFFFF3C00  }
0x12: {  	[tilespmem:s2], [sflag:$0x1] =	stream.linear.gather [hbm4b:s6+s2], $0x1900, $0x38;
	[tilespmem:$0xF600] =	vst v63  }
0x13: {  	_ =	swait.ge [sflag:s15], $0x1900  }
0x14: {  	[sflag:s15] =	ssyncset.done $0x0  }
0x15: {  	[sflag:s15] =	ssyncadd.s32 $0xFFFFE700  }
0x16: {  	[tilespmem:s16], [sflag:$0x1] =	stream.linear.gather [hbm4b:s7+s2], $0x1900, $0x38;
	[tilespmem:$0xF600] =	vst v63  }
0x17: {  	_ =	swait.ge [sflag:s15], $0x1900  }
0x18: {  	[sflag:s15] =	ssyncset.done $0x0  }
0x19: {  	s19 =	simm.s32 $0x0;
	s18 =	simm.s32 $0x40;
	[sflag:s15] =	ssyncadd.s32 $0xFFFFE700  }
.LBB2_2:
0x1a: {  	p0 =	sne.s32 s18, $0x63C0;
	v0 =	vld [tilespmem:s19+$0x0];
	_ =	sdelay $0x2  }
0x1b: {  	v1 =	vld [tilespmem:s19+$0x1900]  }
.Ltmp0:
0x1c: {  	(pc) =	sbr.rel @p0 .LBB2_2-.Ltmp0, $2  }
0x1d: {  	_ =	sdelay $0x2  }
0x1e: {  	s19 =	sshra.s32 s18, $0x2;
	s18 =	sadd.s32 $0x40, s18;
	[tilespmem:v0+s14+$0x0] =	vst.idx.add.f32.msk $0xffff, v1  }
0x1f: {  	v0 =	vld [tilespmem:s19+$0x0];
	_ =	sdelay $0x2  }
0x20: {  	v1 =	vld [tilespmem:s19+$0x1900];
	_ =	sdelay $0x4  }
0x21: {  	s18 =	simm.s32 $0x0;
	[tilespmem:v0+s14+$0x0] =	vst.idx.add.f32.msk $0xffff, v1  }
0x22: {  	[tilespmem:s18], [sflag:$0x1] =	stream.linear.gather [hbm4b:s8+s18], $0x1900, $0x38;
	[tilespmem:$0xF600] =	vst v63  }
0x23: {  	_ =	swait.ge [sflag:s15], $0x1900  }
0x24: {  	[sflag:s15] =	ssyncset.done $0x0  }
0x25: {  	[sflag:s15] =	ssyncadd.s32 $0xFFFFE700  }
0x26: {  	[tilespmem:s16], [sflag:$0x1] =	stream.linear.gather [hbm4b:s9+s18], $0x1900, $0x38;
	[tilespmem:$0xF600] =	vst v63  }
0x27: {  	_ =	swait.ge [sflag:s15], $0x1900  }
0x28: {  	[sflag:s15] =	ssyncset.done $0x0  }
0x29: {  	s19 =	simm.s32 $0x0;
	s18 =	simm.s32 $0x40;
	[sflag:s15] =	ssyncadd.s32 $0xFFFFE700  }
.LBB2_4:
0x2a: {  	p0 =	sne.s32 s18, $0x63C0;
	v0 =	vld [tilespmem:s19+$0x0];
	_ =	sdelay $0x2  }
0x2b: {  	v1 =	vld [tilespmem:s19+$0x1900]  }
.Ltmp1:
0x2c: {  	(pc) =	sbr.rel @p0 .LBB2_4-.Ltmp1, $2  }
0x2d: {  	_ =	sdelay $0x2  }
0x2e: {  	s19 =	sshra.s32 s18, $0x2;
	s18 =	sadd.s32 $0x40, s18;
	[tilespmem:v0+s14+$0x0] =	vst.idx.add.f32.msk $0xffff, v1  }
0x2f: {  	v0 =	vld [tilespmem:s19+$0x0];
	_ =	sdelay $0x2  }
0x30: {  	v1 =	vld [tilespmem:s19+$0x1900];
	_ =	sdelay $0x4  }
0x31: {  	s18 =	simm.s32 $0x0;
	[tilespmem:v0+s14+$0x0] =	vst.idx.add.f32.msk $0xffff, v1  }
0x32: {  	[tilespmem:s18], [sflag:$0x1] =	stream.linear.gather [hbm4b:s10+s18], $0x1900, $0x38;
	[tilespmem:$0xF600] =	vst v63  }
0x33: {  	_ =	swait.ge [sflag:s15], $0x1900  }
0x34: {  	[sflag:s15] =	ssyncset.done $0x0  }
0x35: {  	[sflag:s15] =	ssyncadd.s32 $0xFFFFE700  }
0x36: {  	[tilespmem:s16], [sflag:$0x1] =	stream.linear.gather [hbm4b:s11+s18], $0x1900, $0x38;
	[tilespmem:$0xF600] =	vst v63  }
0x37: {  	_ =	swait.ge [sflag:s15], $0x1900  }
0x38: {  	[sflag:s15] =	ssyncset.done $0x0  }
0x39: {  	s19 =	simm.s32 $0x0;
	s18 =	simm.s32 $0x40;
	[sflag:s15] =	ssyncadd.s32 $0xFFFFE700  }
.LBB2_6:
0x3a: {  	p0 =	sne.s32 s18, $0x63C0;
	v0 =	vld [tilespmem:s19+$0x0];
	_ =	sdelay $0x2  }
0x3b: {  	v1 =	vld [tilespmem:s19+$0x1900]  }
.Ltmp2:
0x3c: {  	(pc) =	sbr.rel @p0 .LBB2_6-.Ltmp2, $2  }
0x3d: {  	_ =	sdelay $0x2  }
0x3e: {  	s19 =	sshra.s32 s18, $0x2;
	s18 =	sadd.s32 $0x40, s18;
	[tilespmem:v0+s14+$0x0] =	vst.idx.add.f32.msk $0xffff, v1  }
0x3f: {  	v0 =	vld [tilespmem:s19+$0x0];
	_ =	sdelay $0x2  }
0x40: {  	v1 =	vld [tilespmem:s19+$0x1900];
	_ =	sdelay $0x4  }
0x41: {  	s18 =	simm.s32 $0x0;
	[tilespmem:v0+s14+$0x0] =	vst.idx.add.f32.msk $0xffff, v1  }
0x42: {  	[tilespmem:s18], [sflag:$0x1] =	stream.linear.gather [hbm4b:s12+s18], $0x1900, $0x38;
	[tilespmem:$0xF600] =	vst v63  }
0x43: {  	_ =	swait.ge [sflag:s15], $0x1900  }
0x44: {  	[sflag:s15] =	ssyncset.done $0x0  }
0x45: {  	[sflag:s15] =	ssyncadd.s32 $0xFFFFE700  }
0x46: {  	[tilespmem:s16], [sflag:$0x1] =	stream.linear.gather [hbm4b:s13+s18], $0x1900, $0x38;
	[tilespmem:$0xF600] =	vst v63  }
0x47: {  	_ =	swait.ge [sflag:s15], $0x1900  }
0x48: {  	[sflag:s15] =	ssyncset.done $0x0  }
0x49: {  	s19 =	simm.s32 $0x0;
	s18 =	simm.s32 $0x40;
	[sflag:s15] =	ssyncadd.s32 $0xFFFFE700  }
.LBB2_8:
0x4a: {  	p0 =	sne.s32 s18, $0x63C0;
	v0 =	vld [tilespmem:s19+$0x0];
	_ =	sdelay $0x2  }
0x4b: {  	v1 =	vld [tilespmem:s19+$0x1900]  }
.Ltmp3:
0x4c: {  	(pc) =	sbr.rel @p0 .LBB2_8-.Ltmp3, $2  }
0x4d: {  	_ =	sdelay $0x2  }
0x4e: {  	s19 =	sshra.s32 s18, $0x2;
	s18 =	sadd.s32 $0x40, s18;
	[tilespmem:v0+s14+$0x0] =	vst.idx.add.f32.msk $0xffff, v1  }
0x4f: {  	v0 =	vld [tilespmem:s19+$0x0];
	_ =	sdelay $0x2  }
0x50: {  	v1 =	vld [tilespmem:s19+$0x1900];
	_ =	sdelay $0x2  }
0x51: {  	s17 =	sadd.s32 $0x1, s17  }
0x52: {  	p0 =	sne.s32 s17, s5  }
.Ltmp4:
0x53: {  	[tilespmem:v0+s14+$0x0] =	vst.idx.add.f32.msk $0xffff, v1;
	(pc) =	sbr.rel @p0 .LBB2_1-.Ltmp4, $4  }
0x54: {  	[hbm4b:s4+s2] =	stream.linear.scatter [tilespmem:s14], [sflag:$0x1], $0xC400, $0x38;
	[tilespmem:$0xF600] =	vst v63  }
0x55: {  	_ =	swait.ge [sflag:s15], $0xC400  }
0x56: {  	[sflag:s15] =	ssyncset.done $0x0  }
0x57: {  	[sflag:s15] =	ssyncadd.s32 $0xFFFF3C00  }
0x58: {  	_ =	sfence.sel $0x180000  }
0x59: {  	[bflag:$0x0] =	sbarrier.arrive $0xFFFF  }
0x5a: {  	p0 =	sne.s32 s1, $0x0;
	_ =	strace $0x90000047  }
0x5b: {  	s0 =	sadd.s32 @!p0 $0x100000, s0;
	[bflag:$0x2] =	sbarrier.arrive $0xFFFF  }
0x5c: {  	[sflag:s0] =	ssyncadd.tile.s32 @!p0 $0x1;
	_ =	shalt  }
.Lfunc_end2:
_tile_overlayer_lowered:
.L_overlay_start_2:
0x5d: {  	(tag) =	ssettag $0x2  }
0x5e: {  	s0 =	rddreg [dreg:$0x0];
	s2 =	stileid.u32  }
0x5f: {  	s1 =	rddreg [dreg:$0x1];
	p0 =	sne.s32 s2, $0x0  }
0x60: {  	s3 =	rddreg [dreg:$0x2];
	[bflag:$0x3] =	sbarrier.arrive $0xFFFF;
	s2 =	simm.s32 @!p0 $0x1C01  }
0x61: {  	[timem:s3], [sflag:s2] =	dma.local @!p0 [hbm:s0], s1  }
0x62: {  	s0 =	simm.s32 @!p0 $0x1  }
0x63: {  	_ =	swait.ge @!p0 [sflag:s0], s1  }
0x64: {  	s1 =	ssub.s32 @!p0 $0x0, s1;
	[sflag:s0] =	ssyncset.done @!p0 $0x0  }
0x65: {  	[sflag:s0] =	ssyncadd.s32 @!p0 s1  }
0x66: {  	[bflag:$0x3] =	sbarrier.arrive $0xFFFF  }
0x67: {  	_ =	shalt  }

</sc_bundles>
